<compile_context>
chip_gen: v7x
topology: tpu7x:2x2x1
jax: 0.10.2.dev20260603
libtpu: 0.0.44.dev20260713+nightly
codegen_flags: <defaults>
</compile_context>

<pallas_src>
import functools

import jax
import jax.numpy as jnp
from jax import lax
from jax.experimental import pallas as pl
from jax.experimental.pallas import tpu as pltpu
from jax.experimental.pallas import tpu_sc as plsc

N = 10000
E = 320000
F = 128
C = 128
HALF = C // 2
ALPHA = 0.1
THETA = 0.5
EPS = 1e-5

NPAD = 10112
SCHUNK = 72
SCHUNKS_PER_TILE = 140
EPADDED = 32 * SCHUNKS_PER_TILE * SCHUNK
ROWS_PER_SUB = NPAD // 16


def _seg_body(h_pad, esrc, edst, zeros, out, src_idx, dstage, rows, acc,
              gsem, ssem, isem):
    c = lax.axis_index("c")
    s = lax.axis_index("s")
    wid = c * 16 + s
    r0 = s * ROWS_PER_SUB
    d0 = wid * SCHUNKS_PER_TILE
    pltpu.sync_copy(zeros.at[pl.ds(r0, ROWS_PER_SUB)],
                    acc.at[pl.ds(r0, ROWS_PER_SUB)])
    pltpu.sync_copy(esrc.at[wid], src_idx)
    plsc.subcore_barrier()

    def start_stage(j, b):
        pltpu.async_copy(edst.at[d0 + j], dstage.at[b], isem)

    def wait_stage(b):
        pltpu.make_async_copy(edst.at[0], dstage.at[b], isem).wait()

    def start_gather(j, b):
        off = pl.multiple_of(j * SCHUNK, 8)
        pltpu.async_copy(h_pad.at[src_idx.at[pl.ds(off, SCHUNK)]],
                         rows.at[b], gsem)

    def wait_gather(b):
        pltpu.make_async_copy(h_pad.at[pl.ds(0, SCHUNK)], rows.at[b],
                              gsem).wait()

    def start_scatter(b):
        pltpu.async_copy(rows.at[b], acc.at[dstage.at[b]], ssem, add=True)

    def wait_scatter(b):
        pltpu.make_async_copy(rows.at[b], acc.at[dstage.at[0]], ssem).wait()

    def sub(j, b, prefetch):
        wait_gather(b)
        wait_stage(b)
        start_scatter(b)
        if prefetch:
            b2 = (b + 2) % 4
            wait_scatter(b2)
            start_stage(j + 2, b2)
            start_gather(j + 2, b2)

    start_stage(0, 0)
    start_gather(0, 0)
    start_stage(1, 1)
    start_gather(1, 1)
    wait_gather(0); wait_stage(0); start_scatter(0)
    start_stage(2, 2); start_gather(2, 2)
    wait_gather(1); wait_stage(1); start_scatter(1)
    start_stage(3, 3); start_gather(3, 3)

    def body(g, carry):
        j = 4 * g + 2
        sub(j, 2, True)
        sub(j + 1, 3, True)
        sub(j + 2, 0, True)
        sub(j + 3, 1, True)
        return carry

    lax.fori_loop(0, (SCHUNKS_PER_TILE - 4) // 4, body, 0)
    sub(SCHUNKS_PER_TILE - 2, 2, False)
    sub(SCHUNKS_PER_TILE - 1, 3, False)
    wait_scatter(0)
    wait_scatter(1)
    wait_scatter(2)
    wait_scatter(3)

    plsc.subcore_barrier()
    pltpu.sync_copy(acc.at[pl.ds(r0, ROWS_PER_SUB)],
                    out.at[c, pl.ds(r0, ROWS_PER_SUB)])


_seg_partials = pl.kernel(
    _seg_body,
    mesh=plsc.VectorSubcoreMesh(core_axis_name="c", subcore_axis_name="s"),
    out_type=jax.ShapeDtypeStruct((2, NPAD, C), jnp.float32),
    scratch_types=[
        pltpu.VMEM((SCHUNKS_PER_TILE * SCHUNK,), jnp.int32),
        pltpu.VMEM((4, SCHUNK), jnp.int32),
        pltpu.VMEM((4, SCHUNK, C), jnp.float32),
        pltpu.VMEM_SHARED((NPAD, C), jnp.float32),
        pltpu.SemaphoreType.DMA,
        pltpu.SemaphoreType.DMA,
        pltpu.SemaphoreType.DMA,
    ],
)


def _k1_body(x_ref, w_ref, b_ref, x0_ref):
    x0 = jnp.dot(x_ref[...], w_ref[...], preferred_element_type=jnp.float32)
    x0 = jnp.maximum(x0 + b_ref[...], 0.0)
    x0_ref[0:N, :] = x0
    x0_ref[N:NPAD, :] = jnp.zeros((NPAD - N, C), jnp.float32)


def _layer_body(beta_l, p_ref, x0_ref, w_ref, g_ref, be_ref, h_ref):
    seg = p_ref[0] + p_ref[1]
    agg = seg * (1.0 - ALPHA) + ALPHA * x0_ref[...]
    h = agg * (1.0 - beta_l) + jnp.dot(
        agg, w_ref[...], preferred_element_type=jnp.float32) * beta_l
    row = lax.broadcasted_iota(jnp.int32, (NPAD, 1), 0)
    valid = row < N
    m = jnp.sum(h, axis=0, keepdims=True) / N
    d = jnp.where(valid, h - m, 0.0)
    v = jnp.sum(d * d, axis=0, keepdims=True) / N
    hn = d * lax.rsqrt(v + EPS) * g_ref[...] + be_ref[...]
    hn = jnp.maximum(hn, 0.0)
    h_ref[...] = jnp.where(valid, hn, 0.0)


def _head_body(h_ref, w1_ref, b1_ref, g_ref, be_ref, w2_ref, b2_ref, o_ref):
    h = h_ref[0:N, :]
    z = jnp.dot(h, w1_ref[...], preferred_element_type=jnp.float32) + b1_ref[...]
    m = jnp.sum(z, axis=0, keepdims=True) / N
    d = z - m
    v = jnp.sum(d * d, axis=0, keepdims=True) / N
    zn = d * lax.rsqrt(v + EPS) * g_ref[...] + be_ref[...]
    o_ref[...] = jnp.sum(zn * w2_ref[...], axis=1, keepdims=True) + b2_ref[...]


def kernel(x, edge_index, W_lin, b_lin, W_conv1, W_conv2, bn1_gamma, bn1_beta,
           W_lin1, b_lin1, bn2_gamma, bn2_beta, W_lin2, b_lin2):
    import numpy as np
    pad = jnp.full((2, EPADDED - E), N, dtype=jnp.int32)
    epad = jnp.concatenate([edge_index, pad], axis=1)
    esrc = epad[0].reshape(32, SCHUNKS_PER_TILE * SCHUNK)
    edst = epad[1].reshape(32 * SCHUNKS_PER_TILE, SCHUNK)
    zeros = jnp.zeros((NPAD, C), jnp.float32)

    x0p = pl.pallas_call(
        _k1_body,
        out_shape=jax.ShapeDtypeStruct((NPAD, C), jnp.float32),
    )(x, W_lin, b_lin.reshape(1, C))

    h = x0p
    for layer, W in enumerate([W_conv1, W_conv2], start=1):
        beta_l = float(np.log(THETA / layer + 1.0))
        parts = _seg_partials(h, esrc, edst, zeros)
        h = pl.pallas_call(
            functools.partial(_layer_body, beta_l),
            out_shape=jax.ShapeDtypeStruct((NPAD, C), jnp.float32),
        )(parts, x0p, W, bn1_gamma.reshape(1, C), bn1_beta.reshape(1, C))

    out = pl.pallas_call(
        _head_body,
        out_shape=jax.ShapeDtypeStruct((N, 1), jnp.float32),
    )(h, W_lin1, b_lin1.reshape(1, 16), bn2_gamma.reshape(1, 16),
      bn2_beta.reshape(1, 16), W_lin2.reshape(1, 16), b_lin2.reshape(1, 1))
    return out

# --- scband reference (transcript-rebuilt; emitter-appended) ---
"""Pipeline reference for scband-bi-gcnmodel-7069516169810 (READ-ONLY COPY).

The authoritative reference and input builder live on the scoring server;
editing this copy changes nothing except your own understanding.
"""

import jax, jax.numpy as jnp
import numpy as np

N = 10000
E = 320000
F = 128
C = 128
ALPHA = 0.1
THETA = 0.5
EPS = 1e-5


def setup_inputs(seed: int = 0) -> dict:
    key = jax.random.key(seed)
    ks = jax.random.split(key, 16)
    x = jax.random.normal(ks[0], (N, F), dtype=jnp.float32)
    edge_index = jax.random.randint(ks[1], (2, E), 0, N, dtype=jnp.int32)
    s_in = 1.0 / np.sqrt(F)
    s_c = 1.0 / np.sqrt(C)
    W_lin = jax.random.normal(ks[2], (F, C), dtype=jnp.float32) * s_in
    b_lin = jax.random.normal(ks[3], (C,), dtype=jnp.float32) * 0.01
    W_conv1 = jax.random.normal(ks[4], (C, C), dtype=jnp.float32) * s_c
    W_conv2 = jax.random.normal(ks[5], (C, C), dtype=jnp.float32) * s_c
    bn1_gamma = jnp.ones((C,), dtype=jnp.float32)
    bn1_beta = jnp.zeros((C,), dtype=jnp.float32)
    W_lin1 = jax.random.normal(ks[6], (C, 16), dtype=jnp.float32) * s_c
    b_lin1 = jax.random.normal(ks[7], (16,), dtype=jnp.float32) * 0.01
    bn2_gamma = jnp.ones((16,), dtype=jnp.float32)
    bn2_beta = jnp.zeros((16,), dtype=jnp.float32)
    W_lin2 = jax.random.normal(ks[8], (16, 1), dtype=jnp.float32) * 0.25
    b_lin2 = jax.random.normal(ks[9], (1,), dtype=jnp.float32) * 0.01
    return {
        'x': x, 'edge_index': edge_index,
        'W_lin': W_lin, 'b_lin': b_lin,
        'W_conv1': W_conv1, 'W_conv2': W_conv2,
        'bn1_gamma': bn1_gamma, 'bn1_beta': bn1_beta,
        'W_lin1': W_lin1, 'b_lin1': b_lin1,
        'bn2_gamma': bn2_gamma, 'bn2_beta': bn2_beta,
        'W_lin2': W_lin2, 'b_lin2': b_lin2,
    }


def _batchnorm(h, gamma, beta):
    m = h.mean(axis=0)
    v = h.var(axis=0)
    return (h - m) / jnp.sqrt(v + EPS) * gamma + beta


def reference(x, edge_index, W_lin, b_lin, W_conv1, W_conv2, bn1_gamma, bn1_beta,
              W_lin1, b_lin1, bn2_gamma, bn2_beta, W_lin2, b_lin2):
    src = edge_index[0]
    dst = edge_index[1]
    # BiGCNEncoder
    x0 = jax.nn.relu(x @ W_lin + b_lin)
    h = x0
    for layer, W in enumerate([W_conv1, W_conv2], start=1):
        beta_l = float(np.log(THETA / layer + 1.0))
        # GCN2Conv propagate (sum aggregation, normalize=False): scatter-add over edges
        agg = jax.ops.segment_sum(h[src], dst, num_segments=N)
        agg = agg * (1.0 - ALPHA) + ALPHA * x0
        # shared_weights=True: out = (1-beta)*agg + beta*(agg @ W)
        h = agg * (1.0 - beta_l) + (agg @ W) * beta_l
        h = jax.nn.relu(_batchnorm(h, bn1_gamma, bn1_beta))
    # head: lin1 -> batchnorm -> identity -> lin2 (dropout=0, activation=identity)
    out = _batchnorm(h @ W_lin1 + b_lin1, bn2_gamma, bn2_beta)
    out = out @ W_lin2 + b_lin2
    return out

if __name__ == "__main__":
    import jax
    _d = setup_inputs()
    print(jax.jit(kernel)(*tuple(_d.values())))

</pallas_src>

<mosaic_0001>
#map = affine_map<(d0, d1) -> (0, 0)>
#map1 = affine_map<(d0, d1) -> (0, 0, 0)>
module attributes {stable_mosaic.version = 14 : i64} {
  func.func @_seg_body(%arg0: i32, %arg1: i32, %arg2: memref<10112x128xf32, #tpu.memory_space<hbm>>, %arg3: memref<32x10080xi32, #tpu.memory_space<hbm>>, %arg4: memref<4480x72xi32, #tpu.memory_space<hbm>>, %arg5: memref<10112x128xf32, #tpu.memory_space<hbm>>, %arg6: memref<2x10112x128xf32, #tpu.memory_space<hbm>>, %arg7: memref<10080xi32, #tpu.memory_space<vmem>>, %arg8: memref<4x72xi32, #tpu.memory_space<vmem>>, %arg9: memref<4x72x128xf32, #tpu.memory_space<vmem>>, %arg10: memref<10112x128xf32, #tpu.memory_space<vmem_shared>>, %arg11: memref<!tpu.dma_semaphore, #tpu.memory_space<semaphore_mem>>, %arg12: memref<!tpu.dma_semaphore, #tpu.memory_space<semaphore_mem>>, %arg13: memref<!tpu.dma_semaphore, #tpu.memory_space<semaphore_mem>>) attributes {dimension_semantics = [#tpu.dimension_semantics<core_parallel>, #tpu.dimension_semantics<subcore_parallel>], iteration_bounds = array<i64: 2, 16>, scalar_prefetch = 0 : i64, scratch_operands = 7 : i64, tpu.core_type = #tpu.core_type<sc_vector_subcore>, window_params = [{transform_indices = #map}, {transform_indices = #map}, {transform_indices = #map}, {transform_indices = #map}, {transform_indices = #map1}]} {
    %mul3A = arith.constant 16 : i32
    %mul3A_0 = arith.muli %arg0, %mul3A : i32
    %add3A = arith.addi %mul3A_0, %arg1 : i32
    %mul3A_1 = arith.constant 632 : i32
    %mul3A_2 = arith.muli %arg1, %mul3A_1 : i32
    %mul3A_3 = arith.constant 140 : i32
    %mul3A_4 = arith.muli %add3A, %mul3A_3 : i32
    "tpu.region"() ({
      %run_scoped3A = tpu.sem_alloc : memref<!tpu.dma_semaphore, #tpu.memory_space<semaphore_mem>>
      %dma_start3A_324 = arith.constant 0 : i32
      %dma_start3A_325 = tpu.memref_slice %arg10[%mul3A_2, %dma_start3A_324] : memref<10112x128xf32, #tpu.memory_space<vmem_shared>> -> memref<632x128xf32, #tpu.memory_space<vmem_shared>>
      %dma_start3A_326 = arith.constant 0 : i32
      %dma_start3A_327 = tpu.memref_slice %arg5[%mul3A_2, %dma_start3A_326] : memref<10112x128xf32, #tpu.memory_space<hbm>> -> memref<632x128xf32, #tpu.memory_space<hbm>>
      tpu.enqueue_dma source(%dma_start3A_327 : memref<632x128xf32, #tpu.memory_space<hbm>>) target(%dma_start3A_325 : memref<632x128xf32, #tpu.memory_space<vmem_shared>>) target_semaphore(%run_scoped3A : memref<!tpu.dma_semaphore, #tpu.memory_space<semaphore_mem>>)
      %dma_wait3A_328 = arith.constant 0 : i32
      %dma_wait3A_329 = tpu.memref_slice %arg10[%mul3A_2, %dma_wait3A_328] : memref<10112x128xf32, #tpu.memory_space<vmem_shared>> -> memref<632x128xf32, #tpu.memory_space<vmem_shared>>
      %dma_wait3A_330 = arith.constant 0 : i32
      %dma_wait3A_331 = tpu.memref_slice %arg5[%mul3A_2, %dma_wait3A_330] : memref<10112x128xf32, #tpu.memory_space<hbm>> -> memref<632x128xf32, #tpu.memory_space<hbm>>
      tpu.wait_dma2 semaphore(%run_scoped3A : memref<!tpu.dma_semaphore, #tpu.memory_space<semaphore_mem>>) src(%dma_wait3A_331 : memref<632x128xf32, #tpu.memory_space<hbm>>) dst(%dma_wait3A_329 : memref<632x128xf32, #tpu.memory_space<vmem_shared>>)
      tpu.yield
    }) : () -> ()
    "tpu.region"() ({
      %run_scoped3A = tpu.sem_alloc : memref<!tpu.dma_semaphore, #tpu.memory_space<semaphore_mem>>
      %dma_start3A_324 = arith.constant 0 : i32
      %dma_start3A_325 = tpu.memref_slice %arg3[%add3A, %dma_start3A_324] : memref<32x10080xi32, #tpu.memory_space<hbm>> -> memref<1x10080xi32, #tpu.memory_space<hbm>>
      %dma_start3A_326 = tpu.memref_squeeze %dma_start3A_325 : memref<1x10080xi32, #tpu.memory_space<hbm>> -> memref<10080xi32, #tpu.memory_space<hbm>>
      %dma_start3A_327 = arith.constant 0 : i32
      %dma_start3A_328 = tpu.memref_slice %arg3[%add3A, %dma_start3A_327] : memref<32x10080xi32, #tpu.memory_space<hbm>> -> memref<1x10080xi32, #tpu.memory_space<hbm>>
      %dma_start3A_329 = tpu.memref_squeeze %dma_start3A_328 : memref<1x10080xi32, #tpu.memory_space<hbm>> -> memref<10080xi32, #tpu.memory_space<hbm>>
      tpu.enqueue_dma source(%dma_start3A_329 : memref<10080xi32, #tpu.memory_space<hbm>>) target(%arg7 : memref<10080xi32, #tpu.memory_space<vmem>>) target_semaphore(%run_scoped3A : memref<!tpu.dma_semaphore, #tpu.memory_space<semaphore_mem>>)
      %dma_wait3A_330 = arith.constant 0 : i32
      %dma_wait3A_331 = tpu.memref_slice %arg3[%add3A, %dma_wait3A_330] : memref<32x10080xi32, #tpu.memory_space<hbm>> -> memref<1x10080xi32, #tpu.memory_space<hbm>>
      %dma_wait3A_332 = tpu.memref_squeeze %dma_wait3A_331 : memref<1x10080xi32, #tpu.memory_space<hbm>> -> memref<10080xi32, #tpu.memory_space<hbm>>
      %dma_wait3A_333 = arith.constant 0 : i32
      %dma_wait3A_334 = tpu.memref_slice %arg3[%add3A, %dma_wait3A_333] : memref<32x10080xi32, #tpu.memory_space<hbm>> -> memref<1x10080xi32, #tpu.memory_space<hbm>>
      %dma_wait3A_335 = tpu.memref_squeeze %dma_wait3A_334 : memref<1x10080xi32, #tpu.memory_space<hbm>> -> memref<10080xi32, #tpu.memory_space<hbm>>
      tpu.wait_dma2 semaphore(%run_scoped3A : memref<!tpu.dma_semaphore, #tpu.memory_space<semaphore_mem>>) src(%dma_wait3A_335 : memref<10080xi32, #tpu.memory_space<hbm>>) dst(%arg7 : memref<10080xi32, #tpu.memory_space<vmem>>)
      tpu.yield
    }) : () -> ()
    %barrier3A = arith.constant 0 : index
    tpu.barrier barrier_id(%barrier3A)
    %add3A_5 = arith.constant 0 : i32
    %add3A_6 = arith.addi %mul3A_4, %add3A_5 : i32
    %dma_start3A = arith.constant 0 : i32
    %dma_start3A_7 = arith.constant 0 : i32
    %dma_start3A_8 = tpu.memref_slice %arg8[%dma_start3A, %dma_start3A_7] : memref<4x72xi32, #tpu.memory_space<vmem>> -> memref<1x72xi32, #tpu.memory_space<vmem>>
    %dma_start3A_9 = tpu.memref_squeeze %dma_start3A_8 : memref<1x72xi32, #tpu.memory_space<vmem>> -> memref<72xi32, #tpu.memory_space<vmem>>
    %dma_start3A_10 = arith.constant 0 : i32
    %dma_start3A_11 = tpu.memref_slice %arg4[%add3A_6, %dma_start3A_10] : memref<4480x72xi32, #tpu.memory_space<hbm>> -> memref<1x72xi32, #tpu.memory_space<hbm>>
    %dma_start3A_12 = tpu.memref_squeeze %dma_start3A_11 : memref<1x72xi32, #tpu.memory_space<hbm>> -> memref<72xi32, #tpu.memory_space<hbm>>
    %dma_start3A_13 = arith.constant 0 : i32
    %dma_start3A_14 = tpu.memref_slice %arg8[%dma_start3A, %dma_start3A_13] : memref<4x72xi32, #tpu.memory_space<vmem>> -> memref<1x72xi32, #tpu.memory_space<vmem>>
    %dma_start3A_15 = tpu.memref_squeeze %dma_start3A_14 : memref<1x72xi32, #tpu.memory_space<vmem>> -> memref<72xi32, #tpu.memory_space<vmem>>
    %dma_start3A_16 = arith.constant 0 : i32
    %dma_start3A_17 = tpu.memref_slice %arg4[%add3A_6, %dma_start3A_16] : memref<4480x72xi32, #tpu.memory_space<hbm>> -> memref<1x72xi32, #tpu.memory_space<hbm>>
    %dma_start3A_18 = tpu.memref_squeeze %dma_start3A_17 : memref<1x72xi32, #tpu.memory_space<hbm>> -> memref<72xi32, #tpu.memory_space<hbm>>
    tpu.enqueue_dma source(%dma_start3A_18 : memref<72xi32, #tpu.memory_space<hbm>>) target(%dma_start3A_15 : memref<72xi32, #tpu.memory_space<vmem>>) target_semaphore(%arg13 : memref<!tpu.dma_semaphore, #tpu.memory_space<semaphore_mem>>)
    %multiple_of3A = arith.constant 0 : i32
    %multiple_of3A_19 = tpu.assume_multiple %multiple_of3A, 8 : i32
    %dma_start3A_20 = arith.constant 0 : i32
    %dma_start3A_21 = arith.constant 0 : i32
    %dma_start3A_22 = arith.constant 0 : i32
    %dma_start3A_23 = tpu.memref_slice %arg9[%dma_start3A_20, %dma_start3A_21, %dma_start3A_22] : memref<4x72x128xf32, #tpu.memory_space<vmem>> -> memref<1x72x128xf32, #tpu.memory_space<vmem>>
    %dma_start3A_24 = tpu.memref_squeeze %dma_start3A_23 : memref<1x72x128xf32, #tpu.memory_space<vmem>> -> memref<72x128xf32, #tpu.memory_space<vmem>>
    %dma_start3A_25 = tpu.memref_slice %arg7[%multiple_of3A_19] : memref<10080xi32, #tpu.memory_space<vmem>> -> memref<72xi32, #tpu.memory_space<vmem>>
    %dma_start3A_26 = arith.constant 0 : i32
    %dma_start3A_27 = arith.constant 0 : i32
    %dma_start3A_28 = tpu.memref_slice %arg2[%dma_start3A_26, %dma_start3A_27] : memref<10112x128xf32, #tpu.memory_space<hbm>> -> memref<10112x128xf32, #tpu.memory_space<hbm>>
    tpu.enqueue_indirect_dma source(%dma_start3A_28 : memref<10112x128xf32, #tpu.memory_space<hbm>>) target(%dma_start3A_24 : memref<72x128xf32, #tpu.memory_space<vmem>>) offsets(%dma_start3A_25 : memref<72xi32, #tpu.memory_space<vmem>>) semaphore(%arg11 : memref<!tpu.dma_semaphore, #tpu.memory_space<semaphore_mem>>)
    %add3A_29 = arith.constant 1 : i32
    %add3A_30 = arith.addi %mul3A_4, %add3A_29 : i32
    %dma_start3A_31 = arith.constant 1 : i32
    %dma_start3A_32 = arith.constant 0 : i32
    %dma_start3A_33 = tpu.memref_slice %arg8[%dma_start3A_31, %dma_start3A_32] : memref<4x72xi32, #tpu.memory_space<vmem>> -> memref<1x72xi32, #tpu.memory_space<vmem>>
    %dma_start3A_34 = tpu.memref_squeeze %dma_start3A_33 : memref<1x72xi32, #tpu.memory_space<vmem>> -> memref<72xi32, #tpu.memory_space<vmem>>
    %dma_start3A_35 = arith.constant 0 : i32
    %dma_start3A_36 = tpu.memref_slice %arg4[%add3A_30, %dma_start3A_35] : memref<4480x72xi32, #tpu.memory_space<hbm>> -> memref<1x72xi32, #tpu.memory_space<hbm>>
    %dma_start3A_37 = tpu.memref_squeeze %dma_start3A_36 : memref<1x72xi32, #tpu.memory_space<hbm>> -> memref<72xi32, #tpu.memory_space<hbm>>
    %dma_start3A_38 = arith.constant 0 : i32
    %dma_start3A_39 = tpu.memref_slice %arg8[%dma_start3A_31, %dma_start3A_38] : memref<4x72xi32, #tpu.memory_space<vmem>> -> memref<1x72xi32, #tpu.memory_space<vmem>>
    %dma_start3A_40 = tpu.memref_squeeze %dma_start3A_39 : memref<1x72xi32, #tpu.memory_space<vmem>> -> memref<72xi32, #tpu.memory_space<vmem>>
    %dma_start3A_41 = arith.constant 0 : i32
    %dma_start3A_42 = tpu.memref_slice %arg4[%add3A_30, %dma_start3A_41] : memref<4480x72xi32, #tpu.memory_space<hbm>> -> memref<1x72xi32, #tpu.memory_space<hbm>>
    %dma_start3A_43 = tpu.memref_squeeze %dma_start3A_42 : memref<1x72xi32, #tpu.memory_space<hbm>> -> memref<72xi32, #tpu.memory_space<hbm>>
    tpu.enqueue_dma source(%dma_start3A_43 : memref<72xi32, #tpu.memory_space<hbm>>) target(%dma_start3A_40 : memref<72xi32, #tpu.memory_space<vmem>>) target_semaphore(%arg13 : memref<!tpu.dma_semaphore, #tpu.memory_space<semaphore_mem>>)
    %multiple_of3A_44 = arith.constant 72 : i32
    %multiple_of3A_45 = tpu.assume_multiple %multiple_of3A_44, 8 : i32
    %dma_start3A_46 = arith.constant 1 : i32
    %dma_start3A_47 = arith.constant 0 : i32
    %dma_start3A_48 = arith.constant 0 : i32
    %dma_start3A_49 = tpu.memref_slice %arg9[%dma_start3A_46, %dma_start3A_47, %dma_start3A_48] : memref<4x72x128xf32, #tpu.memory_space<vmem>> -> memref<1x72x128xf32, #tpu.memory_space<vmem>>
    %dma_start3A_50 = tpu.memref_squeeze %dma_start3A_49 : memref<1x72x128xf32, #tpu.memory_space<vmem>> -> memref<72x128xf32, #tpu.memory_space<vmem>>
    %dma_start3A_51 = tpu.memref_slice %arg7[%multiple_of3A_45] : memref<10080xi32, #tpu.memory_space<vmem>> -> memref<72xi32, #tpu.memory_space<vmem>>
    %dma_start3A_52 = arith.constant 0 : i32
    %dma_start3A_53 = arith.constant 0 : i32
    %dma_start3A_54 = tpu.memref_slice %arg2[%dma_start3A_52, %dma_start3A_53] : memref<10112x128xf32, #tpu.memory_space<hbm>> -> memref<10112x128xf32, #tpu.memory_space<hbm>>
    tpu.enqueue_indirect_dma source(%dma_start3A_54 : memref<10112x128xf32, #tpu.memory_space<hbm>>) target(%dma_start3A_50 : memref<72x128xf32, #tpu.memory_space<vmem>>) offsets(%dma_start3A_51 : memref<72xi32, #tpu.memory_space<vmem>>) semaphore(%arg11 : memref<!tpu.dma_semaphore, #tpu.memory_space<semaphore_mem>>)
    %dma_wait3A = arith.constant 0 : i32
    %dma_wait3A_55 = arith.constant 0 : i32
    %dma_wait3A_56 = arith.constant 0 : i32
    %dma_wait3A_57 = tpu.memref_slice %arg9[%dma_wait3A, %dma_wait3A_55, %dma_wait3A_56] : memref<4x72x128xf32, #tpu.memory_space<vmem>> -> memref<1x72x128xf32, #tpu.memory_space<vmem>>
    %dma_wait3A_58 = tpu.memref_squeeze %dma_wait3A_57 : memref<1x72x128xf32, #tpu.memory_space<vmem>> -> memref<72x128xf32, #tpu.memory_space<vmem>>
    %dma_wait3A_59 = arith.constant 0 : i32
    %dma_wait3A_60 = arith.constant 0 : i32
    %dma_wait3A_61 = tpu.memref_slice %arg2[%dma_wait3A_59, %dma_wait3A_60] : memref<10112x128xf32, #tpu.memory_space<hbm>> -> memref<72x128xf32, #tpu.memory_space<hbm>>
    %dma_wait3A_62 = arith.constant 0 : i32
    %dma_wait3A_63 = arith.constant 0 : i32
    %dma_wait3A_64 = tpu.memref_slice %arg9[%dma_wait3A, %dma_wait3A_62, %dma_wait3A_63] : memref<4x72x128xf32, #tpu.memory_space<vmem>> -> memref<1x72x128xf32, #tpu.memory_space<vmem>>
    %dma_wait3A_65 = tpu.memref_squeeze %dma_wait3A_64 : memref<1x72x128xf32, #tpu.memory_space<vmem>> -> memref<72x128xf32, #tpu.memory_space<vmem>>
    %dma_wait3A_66 = arith.constant 0 : i32
    %dma_wait3A_67 = arith.constant 0 : i32
    %dma_wait3A_68 = tpu.memref_slice %arg2[%dma_wait3A_66, %dma_wait3A_67] : memref<10112x128xf32, #tpu.memory_space<hbm>> -> memref<72x128xf32, #tpu.memory_space<hbm>>
    tpu.wait_dma2 semaphore(%arg11 : memref<!tpu.dma_semaphore, #tpu.memory_space<semaphore_mem>>) src(%dma_wait3A_68 : memref<72x128xf32, #tpu.memory_space<hbm>>) dst(%dma_wait3A_65 : memref<72x128xf32, #tpu.memory_space<vmem>>)
    %dma_wait3A_69 = arith.constant 0 : i32
    %dma_wait3A_70 = arith.constant 0 : i32
    %dma_wait3A_71 = arith.constant 0 : i32
    %dma_wait3A_72 = tpu.memref_slice %arg8[%dma_wait3A_70, %dma_wait3A_71] : memref<4x72xi32, #tpu.memory_space<vmem>> -> memref<1x72xi32, #tpu.memory_space<vmem>>
    %dma_wait3A_73 = tpu.memref_squeeze %dma_wait3A_72 : memref<1x72xi32, #tpu.memory_space<vmem>> -> memref<72xi32, #tpu.memory_space<vmem>>
    %dma_wait3A_74 = arith.constant 0 : i32
    %dma_wait3A_75 = tpu.memref_slice %arg4[%dma_wait3A_69, %dma_wait3A_74] : memref<4480x72xi32, #tpu.memory_space<hbm>> -> memref<1x72xi32, #tpu.memory_space<hbm>>
    %dma_wait3A_76 = tpu.memref_squeeze %dma_wait3A_75 : memref<1x72xi32, #tpu.memory_space<hbm>> -> memref<72xi32, #tpu.memory_space<hbm>>
    %dma_wait3A_77 = arith.constant 0 : i32
    %dma_wait3A_78 = tpu.memref_slice %arg8[%dma_wait3A_70, %dma_wait3A_77] : memref<4x72xi32, #tpu.memory_space<vmem>> -> memref<1x72xi32, #tpu.memory_space<vmem>>
    %dma_wait3A_79 = tpu.memref_squeeze %dma_wait3A_78 : memref<1x72xi32, #tpu.memory_space<vmem>> -> memref<72xi32, #tpu.memory_space<vmem>>
    %dma_wait3A_80 = arith.constant 0 : i32
    %dma_wait3A_81 = tpu.memref_slice %arg4[%dma_wait3A_69, %dma_wait3A_80] : memref<4480x72xi32, #tpu.memory_space<hbm>> -> memref<1x72xi32, #tpu.memory_space<hbm>>
    %dma_wait3A_82 = tpu.memref_squeeze %dma_wait3A_81 : memref<1x72xi32, #tpu.memory_space<hbm>> -> memref<72xi32, #tpu.memory_space<hbm>>
    tpu.wait_dma2 semaphore(%arg13 : memref<!tpu.dma_semaphore, #tpu.memory_space<semaphore_mem>>) src(%dma_wait3A_82 : memref<72xi32, #tpu.memory_space<hbm>>) dst(%dma_wait3A_79 : memref<72xi32, #tpu.memory_space<vmem>>)
    %dma_start3A_83 = arith.constant 0 : i32
    %dma_start3A_84 = arith.constant 0 : i32
    %dma_start3A_85 = arith.constant 0 : i32
    %dma_start3A_86 = arith.constant 0 : i32
    %dma_start3A_87 = tpu.memref_slice %arg9[%dma_start3A_83, %dma_start3A_85, %dma_start3A_86] : memref<4x72x128xf32, #tpu.memory_space<vmem>> -> memref<1x72x128xf32, #tpu.memory_space<vmem>>
    %dma_start3A_88 = tpu.memref_squeeze %dma_start3A_87 : memref<1x72x128xf32, #tpu.memory_space<vmem>> -> memref<72x128xf32, #tpu.memory_space<vmem>>
    %dma_start3A_89 = arith.constant 0 : i32
    %dma_start3A_90 = tpu.memref_slice %arg8[%dma_start3A_84, %dma_start3A_89] : memref<4x72xi32, #tpu.memory_space<vmem>> -> memref<1x72xi32, #tpu.memory_space<vmem>>
    %dma_start3A_91 = tpu.memref_squeeze %dma_start3A_90 : memref<1x72xi32, #tpu.memory_space<vmem>> -> memref<72xi32, #tpu.memory_space<vmem>>
    %dma_start3A_92 = arith.constant 0 : i32
    %dma_start3A_93 = arith.constant 0 : i32
    %dma_start3A_94 = tpu.memref_slice %arg10[%dma_start3A_92, %dma_start3A_93] : memref<10112x128xf32, #tpu.memory_space<vmem_shared>> -> memref<10112x128xf32, #tpu.memory_space<vmem_shared>>
    tpu.enqueue_indirect_dma source(%dma_start3A_88 : memref<72x128xf32, #tpu.memory_space<vmem>>) target(%dma_start3A_94 : memref<10112x128xf32, #tpu.memory_space<vmem_shared>>) offsets(%dma_start3A_91 : memref<72xi32, #tpu.memory_space<vmem>>) semaphore(%arg12 : memref<!tpu.dma_semaphore, #tpu.memory_space<semaphore_mem>>) {add = true}
    %add3A_95 = arith.constant 2 : i32
    %add3A_96 = arith.addi %mul3A_4, %add3A_95 : i32
    %dma_start3A_97 = arith.constant 2 : i32
    %dma_start3A_98 = arith.constant 0 : i32
    %dma_start3A_99 = tpu.memref_slice %arg8[%dma_start3A_97, %dma_start3A_98] : memref<4x72xi32, #tpu.memory_space<vmem>> -> memref<1x72xi32, #tpu.memory_space<vmem>>
    %dma_start3A_100 = tpu.memref_squeeze %dma_start3A_99 : memref<1x72xi32, #tpu.memory_space<vmem>> -> memref<72xi32, #tpu.memory_space<vmem>>
    %dma_start3A_101 = arith.constant 0 : i32
    %dma_start3A_102 = tpu.memref_slice %arg4[%add3A_96, %dma_start3A_101] : memref<4480x72xi32, #tpu.memory_space<hbm>> -> memref<1x72xi32, #tpu.memory_space<hbm>>
    %dma_start3A_103 = tpu.memref_squeeze %dma_start3A_102 : memref<1x72xi32, #tpu.memory_space<hbm>> -> memref<72xi32, #tpu.memory_space<hbm>>
    %dma_start3A_104 = arith.constant 0 : i32
    %dma_start3A_105 = tpu.memref_slice %arg8[%dma_start3A_97, %dma_start3A_104] : memref<4x72xi32, #tpu.memory_space<vmem>> -> memref<1x72xi32, #tpu.memory_space<vmem>>
    %dma_start3A_106 = tpu.memref_squeeze %dma_start3A_105 : memref<1x72xi32, #tpu.memory_space<vmem>> -> memref<72xi32, #tpu.memory_space<vmem>>
    %dma_start3A_107 = arith.constant 0 : i32
    %dma_start3A_108 = tpu.memref_slice %arg4[%add3A_96, %dma_start3A_107] : memref<4480x72xi32, #tpu.memory_space<hbm>> -> memref<1x72xi32, #tpu.memory_space<hbm>>
    %dma_start3A_109 = tpu.memref_squeeze %dma_start3A_108 : memref<1x72xi32, #tpu.memory_space<hbm>> -> memref<72xi32, #tpu.memory_space<hbm>>
    tpu.enqueue_dma source(%dma_start3A_109 : memref<72xi32, #tpu.memory_space<hbm>>) target(%dma_start3A_106 : memref<72xi32, #tpu.memory_space<vmem>>) target_semaphore(%arg13 : memref<!tpu.dma_semaphore, #tpu.memory_space<semaphore_mem>>)
    %multiple_of3A_110 = arith.constant 144 : i32
    %multiple_of3A_111 = tpu.assume_multiple %multiple_of3A_110, 8 : i32
    %dma_start3A_112 = arith.constant 2 : i32
    %dma_start3A_113 = arith.constant 0 : i32
    %dma_start3A_114 = arith.constant 0 : i32
    %dma_start3A_115 = tpu.memref_slice %arg9[%dma_start3A_112, %dma_start3A_113, %dma_start3A_114] : memref<4x72x128xf32, #tpu.memory_space<vmem>> -> memref<1x72x128xf32, #tpu.memory_space<vmem>>
    %dma_start3A_116 = tpu.memref_squeeze %dma_start3A_115 : memref<1x72x128xf32, #tpu.memory_space<vmem>> -> memref<72x128xf32, #tpu.memory_space<vmem>>
    %dma_start3A_117 = tpu.memref_slice %arg7[%multiple_of3A_111] : memref<10080xi32, #tpu.memory_space<vmem>> -> memref<72xi32, #tpu.memory_space<vmem>>
    %dma_start3A_118 = arith.constant 0 : i32
    %dma_start3A_119 = arith.constant 0 : i32
    %dma_start3A_120 = tpu.memref_slice %arg2[%dma_start3A_118, %dma_start3A_119] : memref<10112x128xf32, #tpu.memory_space<hbm>> -> memref<10112x128xf32, #tpu.memory_space<hbm>>
    tpu.enqueue_indirect_dma source(%dma_start3A_120 : memref<10112x128xf32, #tpu.memory_space<hbm>>) target(%dma_start3A_116 : memref<72x128xf32, #tpu.memory_space<vmem>>) offsets(%dma_start3A_117 : memref<72xi32, #tpu.memory_space<vmem>>) semaphore(%arg11 : memref<!tpu.dma_semaphore, #tpu.memory_space<semaphore_mem>>)
    %dma_wait3A_121 = arith.constant 1 : i32
    %dma_wait3A_122 = arith.constant 0 : i32
    %dma_wait3A_123 = arith.constant 0 : i32
    %dma_wait3A_124 = tpu.memref_slice %arg9[%dma_wait3A_121, %dma_wait3A_122, %dma_wait3A_123] : memref<4x72x128xf32, #tpu.memory_space<vmem>> -> memref<1x72x128xf32, #tpu.memory_space<vmem>>
    %dma_wait3A_125 = tpu.memref_squeeze %dma_wait3A_124 : memref<1x72x128xf32, #tpu.memory_space<vmem>> -> memref<72x128xf32, #tpu.memory_space<vmem>>
    %dma_wait3A_126 = arith.constant 0 : i32
    %dma_wait3A_127 = arith.constant 0 : i32
    %dma_wait3A_128 = tpu.memref_slice %arg2[%dma_wait3A_126, %dma_wait3A_127] : memref<10112x128xf32, #tpu.memory_space<hbm>> -> memref<72x128xf32, #tpu.memory_space<hbm>>
    %dma_wait3A_129 = arith.constant 0 : i32
    %dma_wait3A_130 = arith.constant 0 : i32
    %dma_wait3A_131 = tpu.memref_slice %arg9[%dma_wait3A_121, %dma_wait3A_129, %dma_wait3A_130] : memref<4x72x128xf32, #tpu.memory_space<vmem>> -> memref<1x72x128xf32, #tpu.memory_space<vmem>>
    %dma_wait3A_132 = tpu.memref_squeeze %dma_wait3A_131 : memref<1x72x128xf32, #tpu.memory_space<vmem>> -> memref<72x128xf32, #tpu.memory_space<vmem>>
    %dma_wait3A_133 = arith.constant 0 : i32
    %dma_wait3A_134 = arith.constant 0 : i32
    %dma_wait3A_135 = tpu.memref_slice %arg2[%dma_wait3A_133, %dma_wait3A_134] : memref<10112x128xf32, #tpu.memory_space<hbm>> -> memref<72x128xf32, #tpu.memory_space<hbm>>
    tpu.wait_dma2 semaphore(%arg11 : memref<!tpu.dma_semaphore, #tpu.memory_space<semaphore_mem>>) src(%dma_wait3A_135 : memref<72x128xf32, #tpu.memory_space<hbm>>) dst(%dma_wait3A_132 : memref<72x128xf32, #tpu.memory_space<vmem>>)
    %dma_wait3A_136 = arith.constant 0 : i32
    %dma_wait3A_137 = arith.constant 1 : i32
    %dma_wait3A_138 = arith.constant 0 : i32
    %dma_wait3A_139 = tpu.memref_slice %arg8[%dma_wait3A_137, %dma_wait3A_138] : memref<4x72xi32, #tpu.memory_space<vmem>> -> memref<1x72xi32, #tpu.memory_space<vmem>>
    %dma_wait3A_140 = tpu.memref_squeeze %dma_wait3A_139 : memref<1x72xi32, #tpu.memory_space<vmem>> -> memref<72xi32, #tpu.memory_space<vmem>>
    %dma_wait3A_141 = arith.constant 0 : i32
    %dma_wait3A_142 = tpu.memref_slice %arg4[%dma_wait3A_136, %dma_wait3A_141] : memref<4480x72xi32, #tpu.memory_space<hbm>> -> memref<1x72xi32, #tpu.memory_space<hbm>>
    %dma_wait3A_143 = tpu.memref_squeeze %dma_wait3A_142 : memref<1x72xi32, #tpu.memory_space<hbm>> -> memref<72xi32, #tpu.memory_space<hbm>>
    %dma_wait3A_144 = arith.constant 0 : i32
    %dma_wait3A_145 = tpu.memref_slice %arg8[%dma_wait3A_137, %dma_wait3A_144] : memref<4x72xi32, #tpu.memory_space<vmem>> -> memref<1x72xi32, #tpu.memory_space<vmem>>
    %dma_wait3A_146 = tpu.memref_squeeze %dma_wait3A_145 : memref<1x72xi32, #tpu.memory_space<vmem>> -> memref<72xi32, #tpu.memory_space<vmem>>
    %dma_wait3A_147 = arith.constant 0 : i32
    %dma_wait3A_148 = tpu.memref_slice %arg4[%dma_wait3A_136, %dma_wait3A_147] : memref<4480x72xi32, #tpu.memory_space<hbm>> -> memref<1x72xi32, #tpu.memory_space<hbm>>
    %dma_wait3A_149 = tpu.memref_squeeze %dma_wait3A_148 : memref<1x72xi32, #tpu.memory_space<hbm>> -> memref<72xi32, #tpu.memory_space<hbm>>
    tpu.wait_dma2 semaphore(%arg13 : memref<!tpu.dma_semaphore, #tpu.memory_space<semaphore_mem>>) src(%dma_wait3A_149 : memref<72xi32, #tpu.memory_space<hbm>>) dst(%dma_wait3A_146 : memref<72xi32, #tpu.memory_space<vmem>>)
    %dma_start3A_150 = arith.constant 1 : i32
    %dma_start3A_151 = arith.constant 1 : i32
    %dma_start3A_152 = arith.constant 0 : i32
    %dma_start3A_153 = arith.constant 0 : i32
    %dma_start3A_154 = tpu.memref_slice %arg9[%dma_start3A_150, %dma_start3A_152, %dma_start3A_153] : memref<4x72x128xf32, #tpu.memory_space<vmem>> -> memref<1x72x128xf32, #tpu.memory_space<vmem>>
    %dma_start3A_155 = tpu.memref_squeeze %dma_start3A_154 : memref<1x72x128xf32, #tpu.memory_space<vmem>> -> memref<72x128xf32, #tpu.memory_space<vmem>>
    %dma_start3A_156 = arith.constant 0 : i32
    %dma_start3A_157 = tpu.memref_slice %arg8[%dma_start3A_151, %dma_start3A_156] : memref<4x72xi32, #tpu.memory_space<vmem>> -> memref<1x72xi32, #tpu.memory_space<vmem>>
    %dma_start3A_158 = tpu.memref_squeeze %dma_start3A_157 : memref<1x72xi32, #tpu.memory_space<vmem>> -> memref<72xi32, #tpu.memory_space<vmem>>
    %dma_start3A_159 = arith.constant 0 : i32
    %dma_start3A_160 = arith.constant 0 : i32
    %dma_start3A_161 = tpu.memref_slice %arg10[%dma_start3A_159, %dma_start3A_160] : memref<10112x128xf32, #tpu.memory_space<vmem_shared>> -> memref<10112x128xf32, #tpu.memory_space<vmem_shared>>
    tpu.enqueue_indirect_dma source(%dma_start3A_155 : memref<72x128xf32, #tpu.memory_space<vmem>>) target(%dma_start3A_161 : memref<10112x128xf32, #tpu.memory_space<vmem_shared>>) offsets(%dma_start3A_158 : memref<72xi32, #tpu.memory_space<vmem>>) semaphore(%arg12 : memref<!tpu.dma_semaphore, #tpu.memory_space<semaphore_mem>>) {add = true}
    %add3A_162 = arith.constant 3 : i32
    %add3A_163 = arith.addi %mul3A_4, %add3A_162 : i32
    %dma_start3A_164 = arith.constant 3 : i32
    %dma_start3A_165 = arith.constant 0 : i32
    %dma_start3A_166 = tpu.memref_slice %arg8[%dma_start3A_164, %dma_start3A_165] : memref<4x72xi32, #tpu.memory_space<vmem>> -> memref<1x72xi32, #tpu.memory_space<vmem>>
    %dma_start3A_167 = tpu.memref_squeeze %dma_start3A_166 : memref<1x72xi32, #tpu.memory_space<vmem>> -> memref<72xi32, #tpu.memory_space<vmem>>
    %dma_start3A_168 = arith.constant 0 : i32
    %dma_start3A_169 = tpu.memref_slice %arg4[%add3A_163, %dma_start3A_168] : memref<4480x72xi32, #tpu.memory_space<hbm>> -> memref<1x72xi32, #tpu.memory_space<hbm>>
    %dma_start3A_170 = tpu.memref_squeeze %dma_start3A_169 : memref<1x72xi32, #tpu.memory_space<hbm>> -> memref<72xi32, #tpu.memory_space<hbm>>
    %dma_start3A_171 = arith.constant 0 : i32
    %dma_start3A_172 = tpu.memref_slice %arg8[%dma_start3A_164, %dma_start3A_171] : memref<4x72xi32, #tpu.memory_space<vmem>> -> memref<1x72xi32, #tpu.memory_space<vmem>>
    %dma_start3A_173 = tpu.memref_squeeze %dma_start3A_172 : memref<1x72xi32, #tpu.memory_space<vmem>> -> memref<72xi32, #tpu.memory_space<vmem>>
    %dma_start3A_174 = arith.constant 0 : i32
    %dma_start3A_175 = tpu.memref_slice %arg4[%add3A_163, %dma_start3A_174] : memref<4480x72xi32, #tpu.memory_space<hbm>> -> memref<1x72xi32, #tpu.memory_space<hbm>>
    %dma_start3A_176 = tpu.memref_squeeze %dma_start3A_175 : memref<1x72xi32, #tpu.memory_space<hbm>> -> memref<72xi32, #tpu.memory_space<hbm>>
    tpu.enqueue_dma source(%dma_start3A_176 : memref<72xi32, #tpu.memory_space<hbm>>) target(%dma_start3A_173 : memref<72xi32, #tpu.memory_space<vmem>>) target_semaphore(%arg13 : memref<!tpu.dma_semaphore, #tpu.memory_space<semaphore_mem>>)
    %multiple_of3A_177 = arith.constant 216 : i32
    %multiple_of3A_178 = tpu.assume_multiple %multiple_of3A_177, 8 : i32
    %dma_start3A_179 = arith.constant 3 : i32
    %dma_start3A_180 = arith.constant 0 : i32
    %dma_start3A_181 = arith.constant 0 : i32
    %dma_start3A_182 = tpu.memref_slice %arg9[%dma_start3A_179, %dma_start3A_180, %dma_start3A_181] : memref<4x72x128xf32, #tpu.memory_space<vmem>> -> memref<1x72x128xf32, #tpu.memory_space<vmem>>
    %dma_start3A_183 = tpu.memref_squeeze %dma_start3A_182 : memref<1x72x128xf32, #tpu.memory_space<vmem>> -> memref<72x128xf32, #tpu.memory_space<vmem>>
    %dma_start3A_184 = tpu.memref_slice %arg7[%multiple_of3A_178] : memref<10080xi32, #tpu.memory_space<vmem>> -> memref<72xi32, #tpu.memory_space<vmem>>
    %dma_start3A_185 = arith.constant 0 : i32
    %dma_start3A_186 = arith.constant 0 : i32
    %dma_start3A_187 = tpu.memref_slice %arg2[%dma_start3A_185, %dma_start3A_186] : memref<10112x128xf32, #tpu.memory_space<hbm>> -> memref<10112x128xf32, #tpu.memory_space<hbm>>
    tpu.enqueue_indirect_dma source(%dma_start3A_187 : memref<10112x128xf32, #tpu.memory_space<hbm>>) target(%dma_start3A_183 : memref<72x128xf32, #tpu.memory_space<vmem>>) offsets(%dma_start3A_184 : memref<72xi32, #tpu.memory_space<vmem>>) semaphore(%arg11 : memref<!tpu.dma_semaphore, #tpu.memory_space<semaphore_mem>>)
    %scan3A = arith.constant 0 : i32
    %scan3A_188 = arith.constant 0 : i32
    %scan3A_189 = arith.constant 34 : i32
    %scan3A_190 = arith.addi %scan3A_188, %scan3A_189 : i32
    %scan3A_191 = arith.constant 1 : i32
    scf.for %scan3A_324 = %scan3A_188 to %scan3A_190 step %scan3A_191  : i32 {
      %mul3A_325 = arith.constant 4 : i32
      %mul3A_326 = arith.muli %mul3A_325, %scan3A_324 : i32
      %add3A_327 = arith.constant 2 : i32
      %add3A_328 = arith.addi %mul3A_326, %add3A_327 : i32
      %dma_wait3A_329 = arith.constant 2 : i32
      %dma_wait3A_330 = arith.constant 0 : i32
      %dma_wait3A_331 = arith.constant 0 : i32
      %dma_wait3A_332 = tpu.memref_slice %arg9[%dma_wait3A_329, %dma_wait3A_330, %dma_wait3A_331] : memref<4x72x128xf32, #tpu.memory_space<vmem>> -> memref<1x72x128xf32, #tpu.memory_space<vmem>>
      %dma_wait3A_333 = tpu.memref_squeeze %dma_wait3A_332 : memref<1x72x128xf32, #tpu.memory_space<vmem>> -> memref<72x128xf32, #tpu.memory_space<vmem>>
      %dma_wait3A_334 = arith.constant 0 : i32
      %dma_wait3A_335 = arith.constant 0 : i32
      %dma_wait3A_336 = tpu.memref_slice %arg2[%dma_wait3A_334, %dma_wait3A_335] : memref<10112x128xf32, #tpu.memory_space<hbm>> -> memref<72x128xf32, #tpu.memory_space<hbm>>
      %dma_wait3A_337 = arith.constant 0 : i32
      %dma_wait3A_338 = arith.constant 0 : i32
      %dma_wait3A_339 = tpu.memref_slice %arg9[%dma_wait3A_329, %dma_wait3A_337, %dma_wait3A_338] : memref<4x72x128xf32, #tpu.memory_space<vmem>> -> memref<1x72x128xf32, #tpu.memory_space<vmem>>
      %dma_wait3A_340 = tpu.memref_squeeze %dma_wait3A_339 : memref<1x72x128xf32, #tpu.memory_space<vmem>> -> memref<72x128xf32, #tpu.memory_space<vmem>>
      %dma_wait3A_341 = arith.constant 0 : i32
      %dma_wait3A_342 = arith.constant 0 : i32
      %dma_wait3A_343 = tpu.memref_slice %arg2[%dma_wait3A_341, %dma_wait3A_342] : memref<10112x128xf32, #tpu.memory_space<hbm>> -> memref<72x128xf32, #tpu.memory_space<hbm>>
      tpu.wait_dma2 semaphore(%arg11 : memref<!tpu.dma_semaphore, #tpu.memory_space<semaphore_mem>>) src(%dma_wait3A_343 : memref<72x128xf32, #tpu.memory_space<hbm>>) dst(%dma_wait3A_340 : memref<72x128xf32, #tpu.memory_space<vmem>>)
      %dma_wait3A_344 = arith.constant 0 : i32
      %dma_wait3A_345 = arith.constant 2 : i32
      %dma_wait3A_346 = arith.constant 0 : i32
      %dma_wait3A_347 = tpu.memref_slice %arg8[%dma_wait3A_345, %dma_wait3A_346] : memref<4x72xi32, #tpu.memory_space<vmem>> -> memref<1x72xi32, #tpu.memory_space<vmem>>
      %dma_wait3A_348 = tpu.memref_squeeze %dma_wait3A_347 : memref<1x72xi32, #tpu.memory_space<vmem>> -> memref<72xi32, #tpu.memory_space<vmem>>
      %dma_wait3A_349 = arith.constant 0 : i32
      %dma_wait3A_350 = tpu.memref_slice %arg4[%dma_wait3A_344, %dma_wait3A_349] : memref<4480x72xi32, #tpu.memory_space<hbm>> -> memref<1x72xi32, #tpu.memory_space<hbm>>
      %dma_wait3A_351 = tpu.memref_squeeze %dma_wait3A_350 : memref<1x72xi32, #tpu.memory_space<hbm>> -> memref<72xi32, #tpu.memory_space<hbm>>
      %dma_wait3A_352 = arith.constant 0 : i32
      %dma_wait3A_353 = tpu.memref_slice %arg8[%dma_wait3A_345, %dma_wait3A_352] : memref<4x72xi32, #tpu.memory_space<vmem>> -> memref<1x72xi32, #tpu.memory_space<vmem>>
      %dma_wait3A_354 = tpu.memref_squeeze %dma_wait3A_353 : memref<1x72xi32, #tpu.memory_space<vmem>> -> memref<72xi32, #tpu.memory_space<vmem>>
      %dma_wait3A_355 = arith.constant 0 : i32
      %dma_wait3A_356 = tpu.memref_slice %arg4[%dma_wait3A_344, %dma_wait3A_355] : memref<4480x72xi32, #tpu.memory_space<hbm>> -> memref<1x72xi32, #tpu.memory_space<hbm>>
      %dma_wait3A_357 = tpu.memref_squeeze %dma_wait3A_356 : memref<1x72xi32, #tpu.memory_space<hbm>> -> memref<72xi32, #tpu.memory_space<hbm>>
      tpu.wait_dma2 semaphore(%arg13 : memref<!tpu.dma_semaphore, #tpu.memory_space<semaphore_mem>>) src(%dma_wait3A_357 : memref<72xi32, #tpu.memory_space<hbm>>) dst(%dma_wait3A_354 : memref<72xi32, #tpu.memory_space<vmem>>)
      %dma_start3A_358 = arith.constant 2 : i32
      %dma_start3A_359 = arith.constant 2 : i32
      %dma_start3A_360 = arith.constant 0 : i32
      %dma_start3A_361 = arith.constant 0 : i32
      %dma_start3A_362 = tpu.memref_slice %arg9[%dma_start3A_358, %dma_start3A_360, %dma_start3A_361] : memref<4x72x128xf32, #tpu.memory_space<vmem>> -> memref<1x72x128xf32, #tpu.memory_space<vmem>>
      %dma_start3A_363 = tpu.memref_squeeze %dma_start3A_362 : memref<1x72x128xf32, #tpu.memory_space<vmem>> -> memref<72x128xf32, #tpu.memory_space<vmem>>
      %dma_start3A_364 = arith.constant 0 : i32
      %dma_start3A_365 = tpu.memref_slice %arg8[%dma_start3A_359, %dma_start3A_364] : memref<4x72xi32, #tpu.memory_space<vmem>> -> memref<1x72xi32, #tpu.memory_space<vmem>>
      %dma_start3A_366 = tpu.memref_squeeze %dma_start3A_365 : memref<1x72xi32, #tpu.memory_space<vmem>> -> memref<72xi32, #tpu.memory_space<vmem>>
      %dma_start3A_367 = arith.constant 0 : i32
      %dma_start3A_368 = arith.constant 0 : i32
      %dma_start3A_369 = tpu.memref_slice %arg10[%dma_start3A_367, %dma_start3A_368] : memref<10112x128xf32, #tpu.memory_space<vmem_shared>> -> memref<10112x128xf32, #tpu.memory_space<vmem_shared>>
      tpu.enqueue_indirect_dma source(%dma_start3A_363 : memref<72x128xf32, #tpu.memory_space<vmem>>) target(%dma_start3A_369 : memref<10112x128xf32, #tpu.memory_space<vmem_shared>>) offsets(%dma_start3A_366 : memref<72xi32, #tpu.memory_space<vmem>>) semaphore(%arg12 : memref<!tpu.dma_semaphore, #tpu.memory_space<semaphore_mem>>) {add = true}
      %dma_wait3A_370 = arith.constant 0 : i32
      %dma_wait3A_371 = arith.constant 0 : i32
      %dma_wait3A_372 = arith.constant 0 : i32
      %dma_wait3A_373 = arith.constant 0 : i32
      %dma_wait3A_374 = tpu.memref_slice %arg9[%dma_wait3A_370, %dma_wait3A_372, %dma_wait3A_373] : memref<4x72x128xf32, #tpu.memory_space<vmem>> -> memref<1x72x128xf32, #tpu.memory_space<vmem>>
      %dma_wait3A_375 = tpu.memref_squeeze %dma_wait3A_374 : memref<1x72x128xf32, #tpu.memory_space<vmem>> -> memref<72x128xf32, #tpu.memory_space<vmem>>
      %dma_wait3A_376 = arith.constant 0 : i32
      %dma_wait3A_377 = tpu.memref_slice %arg8[%dma_wait3A_371, %dma_wait3A_376] : memref<4x72xi32, #tpu.memory_space<vmem>> -> memref<1x72xi32, #tpu.memory_space<vmem>>
      %dma_wait3A_378 = tpu.memref_squeeze %dma_wait3A_377 : memref<1x72xi32, #tpu.memory_space<vmem>> -> memref<72xi32, #tpu.memory_space<vmem>>
      %dma_wait3A_379 = arith.constant 0 : i32
      %dma_wait3A_380 = arith.constant 0 : i32
      %dma_wait3A_381 = tpu.memref_slice %arg10[%dma_wait3A_379, %dma_wait3A_380] : memref<10112x128xf32, #tpu.memory_space<vmem_shared>> -> memref<10112x128xf32, #tpu.memory_space<vmem_shared>>
      tpu.wait_indirect_dma semaphore(%arg12 : memref<!tpu.dma_semaphore, #tpu.memory_space<semaphore_mem>>) src(%dma_wait3A_375 : memref<72x128xf32, #tpu.memory_space<vmem>>) dst(%dma_wait3A_381 : memref<10112x128xf32, #tpu.memory_space<vmem_shared>>)
      %add3A_382 = arith.constant 2 : i32
      %add3A_383 = arith.addi %add3A_328, %add3A_382 : i32
      %add3A_384 = arith.addi %mul3A_4, %add3A_383 : i32
      %dma_start3A_385 = arith.constant 0 : i32
      %dma_start3A_386 = arith.constant 0 : i32
      %dma_start3A_387 = tpu.memref_slice %arg8[%dma_start3A_385, %dma_start3A_386] : memref<4x72xi32, #tpu.memory_space<vmem>> -> memref<1x72xi32, #tpu.memory_space<vmem>>
      %dma_start3A_388 = tpu.memref_squeeze %dma_start3A_387 : memref<1x72xi32, #tpu.memory_space<vmem>> -> memref<72xi32, #tpu.memory_space<vmem>>
      %dma_start3A_389 = arith.constant 0 : i32
      %dma_start3A_390 = tpu.memref_slice %arg4[%add3A_384, %dma_start3A_389] : memref<4480x72xi32, #tpu.memory_space<hbm>> -> memref<1x72xi32, #tpu.memory_space<hbm>>
      %dma_start3A_391 = tpu.memref_squeeze %dma_start3A_390 : memref<1x72xi32, #tpu.memory_space<hbm>> -> memref<72xi32, #tpu.memory_space<hbm>>
      %dma_start3A_392 = arith.constant 0 : i32
      %dma_start3A_393 = tpu.memref_slice %arg8[%dma_start3A_385, %dma_start3A_392] : memref<4x72xi32, #tpu.memory_space<vmem>> -> memref<1x72xi32, #tpu.memory_space<vmem>>
      %dma_start3A_394 = tpu.memref_squeeze %dma_start3A_393 : memref<1x72xi32, #tpu.memory_space<vmem>> -> memref<72xi32, #tpu.memory_space<vmem>>
      %dma_start3A_395 = arith.constant 0 : i32
      %dma_start3A_396 = tpu.memref_slice %arg4[%add3A_384, %dma_start3A_395] : memref<4480x72xi32, #tpu.memory_space<hbm>> -> memref<1x72xi32, #tpu.memory_space<hbm>>
      %dma_start3A_397 = tpu.memref_squeeze %dma_start3A_396 : memref<1x72xi32, #tpu.memory_space<hbm>> -> memref<72xi32, #tpu.memory_space<hbm>>
      tpu.enqueue_dma source(%dma_start3A_397 : memref<72xi32, #tpu.memory_space<hbm>>) target(%dma_start3A_394 : memref<72xi32, #tpu.memory_space<vmem>>) target_semaphore(%arg13 : memref<!tpu.dma_semaphore, #tpu.memory_space<semaphore_mem>>)
      %add3A_398 = arith.constant 2 : i32
      %add3A_399 = arith.addi %add3A_328, %add3A_398 : i32
      %mul3A_400 = arith.constant 72 : i32
      %mul3A_401 = arith.muli %add3A_399, %mul3A_400 : i32
      %multiple_of3A_402 = tpu.assume_multiple %mul3A_401, 8 : i32
      %dma_start3A_403 = arith.constant 0 : i32
      %dma_start3A_404 = arith.constant 0 : i32
      %dma_start3A_405 = arith.constant 0 : i32
      %dma_start3A_406 = tpu.memref_slice %arg9[%dma_start3A_403, %dma_start3A_404, %dma_start3A_405] : memref<4x72x128xf32, #tpu.memory_space<vmem>> -> memref<1x72x128xf32, #tpu.memory_space<vmem>>
      %dma_start3A_407 = tpu.memref_squeeze %dma_start3A_406 : memref<1x72x128xf32, #tpu.memory_space<vmem>> -> memref<72x128xf32, #tpu.memory_space<vmem>>
      %dma_start3A_408 = tpu.memref_slice %arg7[%multiple_of3A_402] : memref<10080xi32, #tpu.memory_space<vmem>> -> memref<72xi32, #tpu.memory_space<vmem>>
      %dma_start3A_409 = arith.constant 0 : i32
      %dma_start3A_410 = arith.constant 0 : i32
      %dma_start3A_411 = tpu.memref_slice %arg2[%dma_start3A_409, %dma_start3A_410] : memref<10112x128xf32, #tpu.memory_space<hbm>> -> memref<10112x128xf32, #tpu.memory_space<hbm>>
      tpu.enqueue_indirect_dma source(%dma_start3A_411 : memref<10112x128xf32, #tpu.memory_space<hbm>>) target(%dma_start3A_407 : memref<72x128xf32, #tpu.memory_space<vmem>>) offsets(%dma_start3A_408 : memref<72xi32, #tpu.memory_space<vmem>>) semaphore(%arg11 : memref<!tpu.dma_semaphore, #tpu.memory_space<semaphore_mem>>)
      %add3A_412 = arith.constant 1 : i32
      %add3A_413 = arith.addi %add3A_328, %add3A_412 : i32
      %dma_wait3A_414 = arith.constant 3 : i32
      %dma_wait3A_415 = arith.constant 0 : i32
      %dma_wait3A_416 = arith.constant 0 : i32
      %dma_wait3A_417 = tpu.memref_slice %arg9[%dma_wait3A_414, %dma_wait3A_415, %dma_wait3A_416] : memref<4x72x128xf32, #tpu.memory_space<vmem>> -> memref<1x72x128xf32, #tpu.memory_space<vmem>>
      %dma_wait3A_418 = tpu.memref_squeeze %dma_wait3A_417 : memref<1x72x128xf32, #tpu.memory_space<vmem>> -> memref<72x128xf32, #tpu.memory_space<vmem>>
      %dma_wait3A_419 = arith.constant 0 : i32
      %dma_wait3A_420 = arith.constant 0 : i32
      %dma_wait3A_421 = tpu.memref_slice %arg2[%dma_wait3A_419, %dma_wait3A_420] : memref<10112x128xf32, #tpu.memory_space<hbm>> -> memref<72x128xf32, #tpu.memory_space<hbm>>
      %dma_wait3A_422 = arith.constant 0 : i32
      %dma_wait3A_423 = arith.constant 0 : i32
      %dma_wait3A_424 = tpu.memref_slice %arg9[%dma_wait3A_414, %dma_wait3A_422, %dma_wait3A_423] : memref<4x72x128xf32, #tpu.memory_space<vmem>> -> memref<1x72x128xf32, #tpu.memory_space<vmem>>
      %dma_wait3A_425 = tpu.memref_squeeze %dma_wait3A_424 : memref<1x72x128xf32, #tpu.memory_space<vmem>> -> memref<72x128xf32, #tpu.memory_space<vmem>>
      %dma_wait3A_426 = arith.constant 0 : i32
      %dma_wait3A_427 = arith.constant 0 : i32
      %dma_wait3A_428 = tpu.memref_slice %arg2[%dma_wait3A_426, %dma_wait3A_427] : memref<10112x128xf32, #tpu.memory_space<hbm>> -> memref<72x128xf32, #tpu.memory_space<hbm>>
      tpu.wait_dma2 semaphore(%arg11 : memref<!tpu.dma_semaphore, #tpu.memory_space<semaphore_mem>>) src(%dma_wait3A_428 : memref<72x128xf32, #tpu.memory_space<hbm>>) dst(%dma_wait3A_425 : memref<72x128xf32, #tpu.memory_space<vmem>>)
      %dma_wait3A_429 = arith.constant 0 : i32
      %dma_wait3A_430 = arith.constant 3 : i32
      %dma_wait3A_431 = arith.constant 0 : i32
      %dma_wait3A_432 = tpu.memref_slice %arg8[%dma_wait3A_430, %dma_wait3A_431] : memref<4x72xi32, #tpu.memory_space<vmem>> -> memref<1x72xi32, #tpu.memory_space<vmem>>
      %dma_wait3A_433 = tpu.memref_squeeze %dma_wait3A_432 : memref<1x72xi32, #tpu.memory_space<vmem>> -> memref<72xi32, #tpu.memory_space<vmem>>
      %dma_wait3A_434 = arith.constant 0 : i32
      %dma_wait3A_435 = tpu.memref_slice %arg4[%dma_wait3A_429, %dma_wait3A_434] : memref<4480x72xi32, #tpu.memory_space<hbm>> -> memref<1x72xi32, #tpu.memory_space<hbm>>
      %dma_wait3A_436 = tpu.memref_squeeze %dma_wait3A_435 : memref<1x72xi32, #tpu.memory_space<hbm>> -> memref<72xi32, #tpu.memory_space<hbm>>
      %dma_wait3A_437 = arith.constant 0 : i32
      %dma_wait3A_438 = tpu.memref_slice %arg8[%dma_wait3A_430, %dma_wait3A_437] : memref<4x72xi32, #tpu.memory_space<vmem>> -> memref<1x72xi32, #tpu.memory_space<vmem>>
      %dma_wait3A_439 = tpu.memref_squeeze %dma_wait3A_438 : memref<1x72xi32, #tpu.memory_space<vmem>> -> memref<72xi32, #tpu.memory_space<vmem>>
      %dma_wait3A_440 = arith.constant 0 : i32
      %dma_wait3A_441 = tpu.memref_slice %arg4[%dma_wait3A_429, %dma_wait3A_440] : memref<4480x72xi32, #tpu.memory_space<hbm>> -> memref<1x72xi32, #tpu.memory_space<hbm>>
      %dma_wait3A_442 = tpu.memref_squeeze %dma_wait3A_441 : memref<1x72xi32, #tpu.memory_space<hbm>> -> memref<72xi32, #tpu.memory_space<hbm>>
      tpu.wait_dma2 semaphore(%arg13 : memref<!tpu.dma_semaphore, #tpu.memory_space<semaphore_mem>>) src(%dma_wait3A_442 : memref<72xi32, #tpu.memory_space<hbm>>) dst(%dma_wait3A_439 : memref<72xi32, #tpu.memory_space<vmem>>)
      %dma_start3A_443 = arith.constant 3 : i32
      %dma_start3A_444 = arith.constant 3 : i32
      %dma_start3A_445 = arith.constant 0 : i32
      %dma_start3A_446 = arith.constant 0 : i32
      %dma_start3A_447 = tpu.memref_slice %arg9[%dma_start3A_443, %dma_start3A_445, %dma_start3A_446] : memref<4x72x128xf32, #tpu.memory_space<vmem>> -> memref<1x72x128xf32, #tpu.memory_space<vmem>>
      %dma_start3A_448 = tpu.memref_squeeze %dma_start3A_447 : memref<1x72x128xf32, #tpu.memory_space<vmem>> -> memref<72x128xf32, #tpu.memory_space<vmem>>
      %dma_start3A_449 = arith.constant 0 : i32
      %dma_start3A_450 = tpu.memref_slice %arg8[%dma_start3A_444, %dma_start3A_449] : memref<4x72xi32, #tpu.memory_space<vmem>> -> memref<1x72xi32, #tpu.memory_space<vmem>>
      %dma_start3A_451 = tpu.memref_squeeze %dma_start3A_450 : memref<1x72xi32, #tpu.memory_space<vmem>> -> memref<72xi32, #tpu.memory_space<vmem>>
      %dma_start3A_452 = arith.constant 0 : i32
      %dma_start3A_453 = arith.constant 0 : i32
      %dma_start3A_454 = tpu.memref_slice %arg10[%dma_start3A_452, %dma_start3A_453] : memref<10112x128xf32, #tpu.memory_space<vmem_shared>> -> memref<10112x128xf32, #tpu.memory_space<vmem_shared>>
      tpu.enqueue_indirect_dma source(%dma_start3A_448 : memref<72x128xf32, #tpu.memory_space<vmem>>) target(%dma_start3A_454 : memref<10112x128xf32, #tpu.memory_space<vmem_shared>>) offsets(%dma_start3A_451 : memref<72xi32, #tpu.memory_space<vmem>>) semaphore(%arg12 : memref<!tpu.dma_semaphore, #tpu.memory_space<semaphore_mem>>) {add = true}
      %dma_wait3A_455 = arith.constant 1 : i32
      %dma_wait3A_456 = arith.constant 0 : i32
      %dma_wait3A_457 = arith.constant 0 : i32
      %dma_wait3A_458 = arith.constant 0 : i32
      %dma_wait3A_459 = tpu.memref_slice %arg9[%dma_wait3A_455, %dma_wait3A_457, %dma_wait3A_458] : memref<4x72x128xf32, #tpu.memory_space<vmem>> -> memref<1x72x128xf32, #tpu.memory_space<vmem>>
      %dma_wait3A_460 = tpu.memref_squeeze %dma_wait3A_459 : memref<1x72x128xf32, #tpu.memory_space<vmem>> -> memref<72x128xf32, #tpu.memory_space<vmem>>
      %dma_wait3A_461 = arith.constant 0 : i32
      %dma_wait3A_462 = tpu.memref_slice %arg8[%dma_wait3A_456, %dma_wait3A_461] : memref<4x72xi32, #tpu.memory_space<vmem>> -> memref<1x72xi32, #tpu.memory_space<vmem>>
      %dma_wait3A_463 = tpu.memref_squeeze %dma_wait3A_462 : memref<1x72xi32, #tpu.memory_space<vmem>> -> memref<72xi32, #tpu.memory_space<vmem>>
      %dma_wait3A_464 = arith.constant 0 : i32
      %dma_wait3A_465 = arith.constant 0 : i32
      %dma_wait3A_466 = tpu.memref_slice %arg10[%dma_wait3A_464, %dma_wait3A_465] : memref<10112x128xf32, #tpu.memory_space<vmem_shared>> -> memref<10112x128xf32, #tpu.memory_space<vmem_shared>>
      tpu.wait_indirect_dma semaphore(%arg12 : memref<!tpu.dma_semaphore, #tpu.memory_space<semaphore_mem>>) src(%dma_wait3A_460 : memref<72x128xf32, #tpu.memory_space<vmem>>) dst(%dma_wait3A_466 : memref<10112x128xf32, #tpu.memory_space<vmem_shared>>)
      %add3A_467 = arith.constant 2 : i32
      %add3A_468 = arith.addi %add3A_413, %add3A_467 : i32
      %add3A_469 = arith.addi %mul3A_4, %add3A_468 : i32
      %dma_start3A_470 = arith.constant 1 : i32
      %dma_start3A_471 = arith.constant 0 : i32
      %dma_start3A_472 = tpu.memref_slice %arg8[%dma_start3A_470, %dma_start3A_471] : memref<4x72xi32, #tpu.memory_space<vmem>> -> memref<1x72xi32, #tpu.memory_space<vmem>>
      %dma_start3A_473 = tpu.memref_squeeze %dma_start3A_472 : memref<1x72xi32, #tpu.memory_space<vmem>> -> memref<72xi32, #tpu.memory_space<vmem>>
      %dma_start3A_474 = arith.constant 0 : i32
      %dma_start3A_475 = tpu.memref_slice %arg4[%add3A_469, %dma_start3A_474] : memref<4480x72xi32, #tpu.memory_space<hbm>> -> memref<1x72xi32, #tpu.memory_space<hbm>>
      %dma_start3A_476 = tpu.memref_squeeze %dma_start3A_475 : memref<1x72xi32, #tpu.memory_space<hbm>> -> memref<72xi32, #tpu.memory_space<hbm>>
      %dma_start3A_477 = arith.constant 0 : i32
      %dma_start3A_478 = tpu.memref_slice %arg8[%dma_start3A_470, %dma_start3A_477] : memref<4x72xi32, #tpu.memory_space<vmem>> -> memref<1x72xi32, #tpu.memory_space<vmem>>
      %dma_start3A_479 = tpu.memref_squeeze %dma_start3A_478 : memref<1x72xi32, #tpu.memory_space<vmem>> -> memref<72xi32, #tpu.memory_space<vmem>>
      %dma_start3A_480 = arith.constant 0 : i32
      %dma_start3A_481 = tpu.memref_slice %arg4[%add3A_469, %dma_start3A_480] : memref<4480x72xi32, #tpu.memory_space<hbm>> -> memref<1x72xi32, #tpu.memory_space<hbm>>
      %dma_start3A_482 = tpu.memref_squeeze %dma_start3A_481 : memref<1x72xi32, #tpu.memory_space<hbm>> -> memref<72xi32, #tpu.memory_space<hbm>>
      tpu.enqueue_dma source(%dma_start3A_482 : memref<72xi32, #tpu.memory_space<hbm>>) target(%dma_start3A_479 : memref<72xi32, #tpu.memory_space<vmem>>) target_semaphore(%arg13 : memref<!tpu.dma_semaphore, #tpu.memory_space<semaphore_mem>>)
      %add3A_483 = arith.constant 2 : i32
      %add3A_484 = arith.addi %add3A_413, %add3A_483 : i32
      %mul3A_485 = arith.constant 72 : i32
      %mul3A_486 = arith.muli %add3A_484, %mul3A_485 : i32
      %multiple_of3A_487 = tpu.assume_multiple %mul3A_486, 8 : i32
      %dma_start3A_488 = arith.constant 1 : i32
      %dma_start3A_489 = arith.constant 0 : i32
      %dma_start3A_490 = arith.constant 0 : i32
      %dma_start3A_491 = tpu.memref_slice %arg9[%dma_start3A_488, %dma_start3A_489, %dma_start3A_490] : memref<4x72x128xf32, #tpu.memory_space<vmem>> -> memref<1x72x128xf32, #tpu.memory_space<vmem>>
      %dma_start3A_492 = tpu.memref_squeeze %dma_start3A_491 : memref<1x72x128xf32, #tpu.memory_space<vmem>> -> memref<72x128xf32, #tpu.memory_space<vmem>>
      %dma_start3A_493 = tpu.memref_slice %arg7[%multiple_of3A_487] : memref<10080xi32, #tpu.memory_space<vmem>> -> memref<72xi32, #tpu.memory_space<vmem>>
      %dma_start3A_494 = arith.constant 0 : i32
      %dma_start3A_495 = arith.constant 0 : i32
      %dma_start3A_496 = tpu.memref_slice %arg2[%dma_start3A_494, %dma_start3A_495] : memref<10112x128xf32, #tpu.memory_space<hbm>> -> memref<10112x128xf32, #tpu.memory_space<hbm>>
      tpu.enqueue_indirect_dma source(%dma_start3A_496 : memref<10112x128xf32, #tpu.memory_space<hbm>>) target(%dma_start3A_492 : memref<72x128xf32, #tpu.memory_space<vmem>>) offsets(%dma_start3A_493 : memref<72xi32, #tpu.memory_space<vmem>>) semaphore(%arg11 : memref<!tpu.dma_semaphore, #tpu.memory_space<semaphore_mem>>)
      %add3A_497 = arith.constant 2 : i32
      %add3A_498 = arith.addi %add3A_328, %add3A_497 : i32
      %dma_wait3A_499 = arith.constant 0 : i32
      %dma_wait3A_500 = arith.constant 0 : i32
      %dma_wait3A_501 = arith.constant 0 : i32
      %dma_wait3A_502 = tpu.memref_slice %arg9[%dma_wait3A_499, %dma_wait3A_500, %dma_wait3A_501] : memref<4x72x128xf32, #tpu.memory_space<vmem>> -> memref<1x72x128xf32, #tpu.memory_space<vmem>>
      %dma_wait3A_503 = tpu.memref_squeeze %dma_wait3A_502 : memref<1x72x128xf32, #tpu.memory_space<vmem>> -> memref<72x128xf32, #tpu.memory_space<vmem>>
      %dma_wait3A_504 = arith.constant 0 : i32
      %dma_wait3A_505 = arith.constant 0 : i32
      %dma_wait3A_506 = tpu.memref_slice %arg2[%dma_wait3A_504, %dma_wait3A_505] : memref<10112x128xf32, #tpu.memory_space<hbm>> -> memref<72x128xf32, #tpu.memory_space<hbm>>
      %dma_wait3A_507 = arith.constant 0 : i32
      %dma_wait3A_508 = arith.constant 0 : i32
      %dma_wait3A_509 = tpu.memref_slice %arg9[%dma_wait3A_499, %dma_wait3A_507, %dma_wait3A_508] : memref<4x72x128xf32, #tpu.memory_space<vmem>> -> memref<1x72x128xf32, #tpu.memory_space<vmem>>
      %dma_wait3A_510 = tpu.memref_squeeze %dma_wait3A_509 : memref<1x72x128xf32, #tpu.memory_space<vmem>> -> memref<72x128xf32, #tpu.memory_space<vmem>>
      %dma_wait3A_511 = arith.constant 0 : i32
      %dma_wait3A_512 = arith.constant 0 : i32
      %dma_wait3A_513 = tpu.memref_slice %arg2[%dma_wait3A_511, %dma_wait3A_512] : memref<10112x128xf32, #tpu.memory_space<hbm>> -> memref<72x128xf32, #tpu.memory_space<hbm>>
      tpu.wait_dma2 semaphore(%arg11 : memref<!tpu.dma_semaphore, #tpu.memory_space<semaphore_mem>>) src(%dma_wait3A_513 : memref<72x128xf32, #tpu.memory_space<hbm>>) dst(%dma_wait3A_510 : memref<72x128xf32, #tpu.memory_space<vmem>>)
      %dma_wait3A_514 = arith.constant 0 : i32
      %dma_wait3A_515 = arith.constant 0 : i32
      %dma_wait3A_516 = arith.constant 0 : i32
      %dma_wait3A_517 = tpu.memref_slice %arg8[%dma_wait3A_515, %dma_wait3A_516] : memref<4x72xi32, #tpu.memory_space<vmem>> -> memref<1x72xi32, #tpu.memory_space<vmem>>
      %dma_wait3A_518 = tpu.memref_squeeze %dma_wait3A_517 : memref<1x72xi32, #tpu.memory_space<vmem>> -> memref<72xi32, #tpu.memory_space<vmem>>
      %dma_wait3A_519 = arith.constant 0 : i32
      %dma_wait3A_520 = tpu.memref_slice %arg4[%dma_wait3A_514, %dma_wait3A_519] : memref<4480x72xi32, #tpu.memory_space<hbm>> -> memref<1x72xi32, #tpu.memory_space<hbm>>
      %dma_wait3A_521 = tpu.memref_squeeze %dma_wait3A_520 : memref<1x72xi32, #tpu.memory_space<hbm>> -> memref<72xi32, #tpu.memory_space<hbm>>
      %dma_wait3A_522 = arith.constant 0 : i32
      %dma_wait3A_523 = tpu.memref_slice %arg8[%dma_wait3A_515, %dma_wait3A_522] : memref<4x72xi32, #tpu.memory_space<vmem>> -> memref<1x72xi32, #tpu.memory_space<vmem>>
      %dma_wait3A_524 = tpu.memref_squeeze %dma_wait3A_523 : memref<1x72xi32, #tpu.memory_space<vmem>> -> memref<72xi32, #tpu.memory_space<vmem>>
      %dma_wait3A_525 = arith.constant 0 : i32
      %dma_wait3A_526 = tpu.memref_slice %arg4[%dma_wait3A_514, %dma_wait3A_525] : memref<4480x72xi32, #tpu.memory_space<hbm>> -> memref<1x72xi32, #tpu.memory_space<hbm>>
      %dma_wait3A_527 = tpu.memref_squeeze %dma_wait3A_526 : memref<1x72xi32, #tpu.memory_space<hbm>> -> memref<72xi32, #tpu.memory_space<hbm>>
      tpu.wait_dma2 semaphore(%arg13 : memref<!tpu.dma_semaphore, #tpu.memory_space<semaphore_mem>>) src(%dma_wait3A_527 : memref<72xi32, #tpu.memory_space<hbm>>) dst(%dma_wait3A_524 : memref<72xi32, #tpu.memory_space<vmem>>)
      %dma_start3A_528 = arith.constant 0 : i32
      %dma_start3A_529 = arith.constant 0 : i32
      %dma_start3A_530 = arith.constant 0 : i32
      %dma_start3A_531 = arith.constant 0 : i32
      %dma_start3A_532 = tpu.memref_slice %arg9[%dma_start3A_528, %dma_start3A_530, %dma_start3A_531] : memref<4x72x128xf32, #tpu.memory_space<vmem>> -> memref<1x72x128xf32, #tpu.memory_space<vmem>>
      %dma_start3A_533 = tpu.memref_squeeze %dma_start3A_532 : memref<1x72x128xf32, #tpu.memory_space<vmem>> -> memref<72x128xf32, #tpu.memory_space<vmem>>
      %dma_start3A_534 = arith.constant 0 : i32
      %dma_start3A_535 = tpu.memref_slice %arg8[%dma_start3A_529, %dma_start3A_534] : memref<4x72xi32, #tpu.memory_space<vmem>> -> memref<1x72xi32, #tpu.memory_space<vmem>>
      %dma_start3A_536 = tpu.memref_squeeze %dma_start3A_535 : memref<1x72xi32, #tpu.memory_space<vmem>> -> memref<72xi32, #tpu.memory_space<vmem>>
      %dma_start3A_537 = arith.constant 0 : i32
      %dma_start3A_538 = arith.constant 0 : i32
      %dma_start3A_539 = tpu.memref_slice %arg10[%dma_start3A_537, %dma_start3A_538] : memref<10112x128xf32, #tpu.memory_space<vmem_shared>> -> memref<10112x128xf32, #tpu.memory_space<vmem_shared>>
      tpu.enqueue_indirect_dma source(%dma_start3A_533 : memref<72x128xf32, #tpu.memory_space<vmem>>) target(%dma_start3A_539 : memref<10112x128xf32, #tpu.memory_space<vmem_shared>>) offsets(%dma_start3A_536 : memref<72xi32, #tpu.memory_space<vmem>>) semaphore(%arg12 : memref<!tpu.dma_semaphore, #tpu.memory_space<semaphore_mem>>) {add = true}
      %dma_wait3A_540 = arith.constant 2 : i32
      %dma_wait3A_541 = arith.constant 0 : i32
      %dma_wait3A_542 = arith.constant 0 : i32
      %dma_wait3A_543 = arith.constant 0 : i32
      %dma_wait3A_544 = tpu.memref_slice %arg9[%dma_wait3A_540, %dma_wait3A_542, %dma_wait3A_543] : memref<4x72x128xf32, #tpu.memory_space<vmem>> -> memref<1x72x128xf32, #tpu.memory_space<vmem>>
      %dma_wait3A_545 = tpu.memref_squeeze %dma_wait3A_544 : memref<1x72x128xf32, #tpu.memory_space<vmem>> -> memref<72x128xf32, #tpu.memory_space<vmem>>
      %dma_wait3A_546 = arith.constant 0 : i32
      %dma_wait3A_547 = tpu.memref_slice %arg8[%dma_wait3A_541, %dma_wait3A_546] : memref<4x72xi32, #tpu.memory_space<vmem>> -> memref<1x72xi32, #tpu.memory_space<vmem>>
      %dma_wait3A_548 = tpu.memref_squeeze %dma_wait3A_547 : memref<1x72xi32, #tpu.memory_space<vmem>> -> memref<72xi32, #tpu.memory_space<vmem>>
      %dma_wait3A_549 = arith.constant 0 : i32
      %dma_wait3A_550 = arith.constant 0 : i32
      %dma_wait3A_551 = tpu.memref_slice %arg10[%dma_wait3A_549, %dma_wait3A_550] : memref<10112x128xf32, #tpu.memory_space<vmem_shared>> -> memref<10112x128xf32, #tpu.memory_space<vmem_shared>>
      tpu.wait_indirect_dma semaphore(%arg12 : memref<!tpu.dma_semaphore, #tpu.memory_space<semaphore_mem>>) src(%dma_wait3A_545 : memref<72x128xf32, #tpu.memory_space<vmem>>) dst(%dma_wait3A_551 : memref<10112x128xf32, #tpu.memory_space<vmem_shared>>)
      %add3A_552 = arith.constant 2 : i32
      %add3A_553 = arith.addi %add3A_498, %add3A_552 : i32
      %add3A_554 = arith.addi %mul3A_4, %add3A_553 : i32
      %dma_start3A_555 = arith.constant 2 : i32
      %dma_start3A_556 = arith.constant 0 : i32
      %dma_start3A_557 = tpu.memref_slice %arg8[%dma_start3A_555, %dma_start3A_556] : memref<4x72xi32, #tpu.memory_space<vmem>> -> memref<1x72xi32, #tpu.memory_space<vmem>>
      %dma_start3A_558 = tpu.memref_squeeze %dma_start3A_557 : memref<1x72xi32, #tpu.memory_space<vmem>> -> memref<72xi32, #tpu.memory_space<vmem>>
      %dma_start3A_559 = arith.constant 0 : i32
      %dma_start3A_560 = tpu.memref_slice %arg4[%add3A_554, %dma_start3A_559] : memref<4480x72xi32, #tpu.memory_space<hbm>> -> memref<1x72xi32, #tpu.memory_space<hbm>>
      %dma_start3A_561 = tpu.memref_squeeze %dma_start3A_560 : memref<1x72xi32, #tpu.memory_space<hbm>> -> memref<72xi32, #tpu.memory_space<hbm>>
      %dma_start3A_562 = arith.constant 0 : i32
      %dma_start3A_563 = tpu.memref_slice %arg8[%dma_start3A_555, %dma_start3A_562] : memref<4x72xi32, #tpu.memory_space<vmem>> -> memref<1x72xi32, #tpu.memory_space<vmem>>
      %dma_start3A_564 = tpu.memref_squeeze %dma_start3A_563 : memref<1x72xi32, #tpu.memory_space<vmem>> -> memref<72xi32, #tpu.memory_space<vmem>>
      %dma_start3A_565 = arith.constant 0 : i32
      %dma_start3A_566 = tpu.memref_slice %arg4[%add3A_554, %dma_start3A_565] : memref<4480x72xi32, #tpu.memory_space<hbm>> -> memref<1x72xi32, #tpu.memory_space<hbm>>
      %dma_start3A_567 = tpu.memref_squeeze %dma_start3A_566 : memref<1x72xi32, #tpu.memory_space<hbm>> -> memref<72xi32, #tpu.memory_space<hbm>>
      tpu.enqueue_dma source(%dma_start3A_567 : memref<72xi32, #tpu.memory_space<hbm>>) target(%dma_start3A_564 : memref<72xi32, #tpu.memory_space<vmem>>) target_semaphore(%arg13 : memref<!tpu.dma_semaphore, #tpu.memory_space<semaphore_mem>>)
      %add3A_568 = arith.constant 2 : i32
      %add3A_569 = arith.addi %add3A_498, %add3A_568 : i32
      %mul3A_570 = arith.constant 72 : i32
      %mul3A_571 = arith.muli %add3A_569, %mul3A_570 : i32
      %multiple_of3A_572 = tpu.assume_multiple %mul3A_571, 8 : i32
      %dma_start3A_573 = arith.constant 2 : i32
      %dma_start3A_574 = arith.constant 0 : i32
      %dma_start3A_575 = arith.constant 0 : i32
      %dma_start3A_576 = tpu.memref_slice %arg9[%dma_start3A_573, %dma_start3A_574, %dma_start3A_575] : memref<4x72x128xf32, #tpu.memory_space<vmem>> -> memref<1x72x128xf32, #tpu.memory_space<vmem>>
      %dma_start3A_577 = tpu.memref_squeeze %dma_start3A_576 : memref<1x72x128xf32, #tpu.memory_space<vmem>> -> memref<72x128xf32, #tpu.memory_space<vmem>>
      %dma_start3A_578 = tpu.memref_slice %arg7[%multiple_of3A_572] : memref<10080xi32, #tpu.memory_space<vmem>> -> memref<72xi32, #tpu.memory_space<vmem>>
      %dma_start3A_579 = arith.constant 0 : i32
      %dma_start3A_580 = arith.constant 0 : i32
      %dma_start3A_581 = tpu.memref_slice %arg2[%dma_start3A_579, %dma_start3A_580] : memref<10112x128xf32, #tpu.memory_space<hbm>> -> memref<10112x128xf32, #tpu.memory_space<hbm>>
      tpu.enqueue_indirect_dma source(%dma_start3A_581 : memref<10112x128xf32, #tpu.memory_space<hbm>>) target(%dma_start3A_577 : memref<72x128xf32, #tpu.memory_space<vmem>>) offsets(%dma_start3A_578 : memref<72xi32, #tpu.memory_space<vmem>>) semaphore(%arg11 : memref<!tpu.dma_semaphore, #tpu.memory_space<semaphore_mem>>)
      %add3A_582 = arith.constant 3 : i32
      %add3A_583 = arith.addi %add3A_328, %add3A_582 : i32
      %dma_wait3A_584 = arith.constant 1 : i32
      %dma_wait3A_585 = arith.constant 0 : i32
      %dma_wait3A_586 = arith.constant 0 : i32
      %dma_wait3A_587 = tpu.memref_slice %arg9[%dma_wait3A_584, %dma_wait3A_585, %dma_wait3A_586] : memref<4x72x128xf32, #tpu.memory_space<vmem>> -> memref<1x72x128xf32, #tpu.memory_space<vmem>>
      %dma_wait3A_588 = tpu.memref_squeeze %dma_wait3A_587 : memref<1x72x128xf32, #tpu.memory_space<vmem>> -> memref<72x128xf32, #tpu.memory_space<vmem>>
      %dma_wait3A_589 = arith.constant 0 : i32
      %dma_wait3A_590 = arith.constant 0 : i32
      %dma_wait3A_591 = tpu.memref_slice %arg2[%dma_wait3A_589, %dma_wait3A_590] : memref<10112x128xf32, #tpu.memory_space<hbm>> -> memref<72x128xf32, #tpu.memory_space<hbm>>
      %dma_wait3A_592 = arith.constant 0 : i32
      %dma_wait3A_593 = arith.constant 0 : i32
      %dma_wait3A_594 = tpu.memref_slice %arg9[%dma_wait3A_584, %dma_wait3A_592, %dma_wait3A_593] : memref<4x72x128xf32, #tpu.memory_space<vmem>> -> memref<1x72x128xf32, #tpu.memory_space<vmem>>
      %dma_wait3A_595 = tpu.memref_squeeze %dma_wait3A_594 : memref<1x72x128xf32, #tpu.memory_space<vmem>> -> memref<72x128xf32, #tpu.memory_space<vmem>>
      %dma_wait3A_596 = arith.constant 0 : i32
      %dma_wait3A_597 = arith.constant 0 : i32
      %dma_wait3A_598 = tpu.memref_slice %arg2[%dma_wait3A_596, %dma_wait3A_597] : memref<10112x128xf32, #tpu.memory_space<hbm>> -> memref<72x128xf32, #tpu.memory_space<hbm>>
      tpu.wait_dma2 semaphore(%arg11 : memref<!tpu.dma_semaphore, #tpu.memory_space<semaphore_mem>>) src(%dma_wait3A_598 : memref<72x128xf32, #tpu.memory_space<hbm>>) dst(%dma_wait3A_595 : memref<72x128xf32, #tpu.memory_space<vmem>>)
      %dma_wait3A_599 = arith.constant 0 : i32
      %dma_wait3A_600 = arith.constant 1 : i32
      %dma_wait3A_601 = arith.constant 0 : i32
      %dma_wait3A_602 = tpu.memref_slice %arg8[%dma_wait3A_600, %dma_wait3A_601] : memref<4x72xi32, #tpu.memory_space<vmem>> -> memref<1x72xi32, #tpu.memory_space<vmem>>
      %dma_wait3A_603 = tpu.memref_squeeze %dma_wait3A_602 : memref<1x72xi32, #tpu.memory_space<vmem>> -> memref<72xi32, #tpu.memory_space<vmem>>
      %dma_wait3A_604 = arith.constant 0 : i32
      %dma_wait3A_605 = tpu.memref_slice %arg4[%dma_wait3A_599, %dma_wait3A_604] : memref<4480x72xi32, #tpu.memory_space<hbm>> -> memref<1x72xi32, #tpu.memory_space<hbm>>
      %dma_wait3A_606 = tpu.memref_squeeze %dma_wait3A_605 : memref<1x72xi32, #tpu.memory_space<hbm>> -> memref<72xi32, #tpu.memory_space<hbm>>
      %dma_wait3A_607 = arith.constant 0 : i32
      %dma_wait3A_608 = tpu.memref_slice %arg8[%dma_wait3A_600, %dma_wait3A_607] : memref<4x72xi32, #tpu.memory_space<vmem>> -> memref<1x72xi32, #tpu.memory_space<vmem>>
      %dma_wait3A_609 = tpu.memref_squeeze %dma_wait3A_608 : memref<1x72xi32, #tpu.memory_space<vmem>> -> memref<72xi32, #tpu.memory_space<vmem>>
      %dma_wait3A_610 = arith.constant 0 : i32
      %dma_wait3A_611 = tpu.memref_slice %arg4[%dma_wait3A_599, %dma_wait3A_610] : memref<4480x72xi32, #tpu.memory_space<hbm>> -> memref<1x72xi32, #tpu.memory_space<hbm>>
      %dma_wait3A_612 = tpu.memref_squeeze %dma_wait3A_611 : memref<1x72xi32, #tpu.memory_space<hbm>> -> memref<72xi32, #tpu.memory_space<hbm>>
      tpu.wait_dma2 semaphore(%arg13 : memref<!tpu.dma_semaphore, #tpu.memory_space<semaphore_mem>>) src(%dma_wait3A_612 : memref<72xi32, #tpu.memory_space<hbm>>) dst(%dma_wait3A_609 : memref<72xi32, #tpu.memory_space<vmem>>)
      %dma_start3A_613 = arith.constant 1 : i32
      %dma_start3A_614 = arith.constant 1 : i32
      %dma_start3A_615 = arith.constant 0 : i32
      %dma_start3A_616 = arith.constant 0 : i32
      %dma_start3A_617 = tpu.memref_slice %arg9[%dma_start3A_613, %dma_start3A_615, %dma_start3A_616] : memref<4x72x128xf32, #tpu.memory_space<vmem>> -> memref<1x72x128xf32, #tpu.memory_space<vmem>>
      %dma_start3A_618 = tpu.memref_squeeze %dma_start3A_617 : memref<1x72x128xf32, #tpu.memory_space<vmem>> -> memref<72x128xf32, #tpu.memory_space<vmem>>
      %dma_start3A_619 = arith.constant 0 : i32
      %dma_start3A_620 = tpu.memref_slice %arg8[%dma_start3A_614, %dma_start3A_619] : memref<4x72xi32, #tpu.memory_space<vmem>> -> memref<1x72xi32, #tpu.memory_space<vmem>>
      %dma_start3A_621 = tpu.memref_squeeze %dma_start3A_620 : memref<1x72xi32, #tpu.memory_space<vmem>> -> memref<72xi32, #tpu.memory_space<vmem>>
      %dma_start3A_622 = arith.constant 0 : i32
      %dma_start3A_623 = arith.constant 0 : i32
      %dma_start3A_624 = tpu.memref_slice %arg10[%dma_start3A_622, %dma_start3A_623] : memref<10112x128xf32, #tpu.memory_space<vmem_shared>> -> memref<10112x128xf32, #tpu.memory_space<vmem_shared>>
      tpu.enqueue_indirect_dma source(%dma_start3A_618 : memref<72x128xf32, #tpu.memory_space<vmem>>) target(%dma_start3A_624 : memref<10112x128xf32, #tpu.memory_space<vmem_shared>>) offsets(%dma_start3A_621 : memref<72xi32, #tpu.memory_space<vmem>>) semaphore(%arg12 : memref<!tpu.dma_semaphore, #tpu.memory_space<semaphore_mem>>) {add = true}
      %dma_wait3A_625 = arith.constant 3 : i32
      %dma_wait3A_626 = arith.constant 0 : i32
      %dma_wait3A_627 = arith.constant 0 : i32
      %dma_wait3A_628 = arith.constant 0 : i32
      %dma_wait3A_629 = tpu.memref_slice %arg9[%dma_wait3A_625, %dma_wait3A_627, %dma_wait3A_628] : memref<4x72x128xf32, #tpu.memory_space<vmem>> -> memref<1x72x128xf32, #tpu.memory_space<vmem>>
      %dma_wait3A_630 = tpu.memref_squeeze %dma_wait3A_629 : memref<1x72x128xf32, #tpu.memory_space<vmem>> -> memref<72x128xf32, #tpu.memory_space<vmem>>
      %dma_wait3A_631 = arith.constant 0 : i32
      %dma_wait3A_632 = tpu.memref_slice %arg8[%dma_wait3A_626, %dma_wait3A_631] : memref<4x72xi32, #tpu.memory_space<vmem>> -> memref<1x72xi32, #tpu.memory_space<vmem>>
      %dma_wait3A_633 = tpu.memref_squeeze %dma_wait3A_632 : memref<1x72xi32, #tpu.memory_space<vmem>> -> memref<72xi32, #tpu.memory_space<vmem>>
      %dma_wait3A_634 = arith.constant 0 : i32
      %dma_wait3A_635 = arith.constant 0 : i32
      %dma_wait3A_636 = tpu.memref_slice %arg10[%dma_wait3A_634, %dma_wait3A_635] : memref<10112x128xf32, #tpu.memory_space<vmem_shared>> -> memref<10112x128xf32, #tpu.memory_space<vmem_shared>>
      tpu.wait_indirect_dma semaphore(%arg12 : memref<!tpu.dma_semaphore, #tpu.memory_space<semaphore_mem>>) src(%dma_wait3A_630 : memref<72x128xf32, #tpu.memory_space<vmem>>) dst(%dma_wait3A_636 : memref<10112x128xf32, #tpu.memory_space<vmem_shared>>)
      %add3A_637 = arith.constant 2 : i32
      %add3A_638 = arith.addi %add3A_583, %add3A_637 : i32
      %add3A_639 = arith.addi %mul3A_4, %add3A_638 : i32
      %dma_start3A_640 = arith.constant 3 : i32
      %dma_start3A_641 = arith.constant 0 : i32
      %dma_start3A_642 = tpu.memref_slice %arg8[%dma_start3A_640, %dma_start3A_641] : memref<4x72xi32, #tpu.memory_space<vmem>> -> memref<1x72xi32, #tpu.memory_space<vmem>>
      %dma_start3A_643 = tpu.memref_squeeze %dma_start3A_642 : memref<1x72xi32, #tpu.memory_space<vmem>> -> memref<72xi32, #tpu.memory_space<vmem>>
      %dma_start3A_644 = arith.constant 0 : i32
      %dma_start3A_645 = tpu.memref_slice %arg4[%add3A_639, %dma_start3A_644] : memref<4480x72xi32, #tpu.memory_space<hbm>> -> memref<1x72xi32, #tpu.memory_space<hbm>>
      %dma_start3A_646 = tpu.memref_squeeze %dma_start3A_645 : memref<1x72xi32, #tpu.memory_space<hbm>> -> memref<72xi32, #tpu.memory_space<hbm>>
      %dma_start3A_647 = arith.constant 0 : i32
      %dma_start3A_648 = tpu.memref_slice %arg8[%dma_start3A_640, %dma_start3A_647] : memref<4x72xi32, #tpu.memory_space<vmem>> -> memref<1x72xi32, #tpu.memory_space<vmem>>
      %dma_start3A_649 = tpu.memref_squeeze %dma_start3A_648 : memref<1x72xi32, #tpu.memory_space<vmem>> -> memref<72xi32, #tpu.memory_space<vmem>>
      %dma_start3A_650 = arith.constant 0 : i32
      %dma_start3A_651 = tpu.memref_slice %arg4[%add3A_639, %dma_start3A_650] : memref<4480x72xi32, #tpu.memory_space<hbm>> -> memref<1x72xi32, #tpu.memory_space<hbm>>
      %dma_start3A_652 = tpu.memref_squeeze %dma_start3A_651 : memref<1x72xi32, #tpu.memory_space<hbm>> -> memref<72xi32, #tpu.memory_space<hbm>>
      tpu.enqueue_dma source(%dma_start3A_652 : memref<72xi32, #tpu.memory_space<hbm>>) target(%dma_start3A_649 : memref<72xi32, #tpu.memory_space<vmem>>) target_semaphore(%arg13 : memref<!tpu.dma_semaphore, #tpu.memory_space<semaphore_mem>>)
      %add3A_653 = arith.constant 2 : i32
      %add3A_654 = arith.addi %add3A_583, %add3A_653 : i32
      %mul3A_655 = arith.constant 72 : i32
      %mul3A_656 = arith.muli %add3A_654, %mul3A_655 : i32
      %multiple_of3A_657 = tpu.assume_multiple %mul3A_656, 8 : i32
      %dma_start3A_658 = arith.constant 3 : i32
      %dma_start3A_659 = arith.constant 0 : i32
      %dma_start3A_660 = arith.constant 0 : i32
      %dma_start3A_661 = tpu.memref_slice %arg9[%dma_start3A_658, %dma_start3A_659, %dma_start3A_660] : memref<4x72x128xf32, #tpu.memory_space<vmem>> -> memref<1x72x128xf32, #tpu.memory_space<vmem>>
      %dma_start3A_662 = tpu.memref_squeeze %dma_start3A_661 : memref<1x72x128xf32, #tpu.memory_space<vmem>> -> memref<72x128xf32, #tpu.memory_space<vmem>>
      %dma_start3A_663 = tpu.memref_slice %arg7[%multiple_of3A_657] : memref<10080xi32, #tpu.memory_space<vmem>> -> memref<72xi32, #tpu.memory_space<vmem>>
      %dma_start3A_664 = arith.constant 0 : i32
      %dma_start3A_665 = arith.constant 0 : i32
      %dma_start3A_666 = tpu.memref_slice %arg2[%dma_start3A_664, %dma_start3A_665] : memref<10112x128xf32, #tpu.memory_space<hbm>> -> memref<10112x128xf32, #tpu.memory_space<hbm>>
      tpu.enqueue_indirect_dma source(%dma_start3A_666 : memref<10112x128xf32, #tpu.memory_space<hbm>>) target(%dma_start3A_662 : memref<72x128xf32, #tpu.memory_space<vmem>>) offsets(%dma_start3A_663 : memref<72xi32, #tpu.memory_space<vmem>>) semaphore(%arg11 : memref<!tpu.dma_semaphore, #tpu.memory_space<semaphore_mem>>)
    }
    %scan3A_192 = arith.constant 34 : i32
    %dma_wait3A_193 = arith.constant 2 : i32
    %dma_wait3A_194 = arith.constant 0 : i32
    %dma_wait3A_195 = arith.constant 0 : i32
    %dma_wait3A_196 = tpu.memref_slice %arg9[%dma_wait3A_193, %dma_wait3A_194, %dma_wait3A_195] : memref<4x72x128xf32, #tpu.memory_space<vmem>> -> memref<1x72x128xf32, #tpu.memory_space<vmem>>
    %dma_wait3A_197 = tpu.memref_squeeze %dma_wait3A_196 : memref<1x72x128xf32, #tpu.memory_space<vmem>> -> memref<72x128xf32, #tpu.memory_space<vmem>>
    %dma_wait3A_198 = arith.constant 0 : i32
    %dma_wait3A_199 = arith.constant 0 : i32
    %dma_wait3A_200 = tpu.memref_slice %arg2[%dma_wait3A_198, %dma_wait3A_199] : memref<10112x128xf32, #tpu.memory_space<hbm>> -> memref<72x128xf32, #tpu.memory_space<hbm>>
    %dma_wait3A_201 = arith.constant 0 : i32
    %dma_wait3A_202 = arith.constant 0 : i32
    %dma_wait3A_203 = tpu.memref_slice %arg9[%dma_wait3A_193, %dma_wait3A_201, %dma_wait3A_202] : memref<4x72x128xf32, #tpu.memory_space<vmem>> -> memref<1x72x128xf32, #tpu.memory_space<vmem>>
    %dma_wait3A_204 = tpu.memref_squeeze %dma_wait3A_203 : memref<1x72x128xf32, #tpu.memory_space<vmem>> -> memref<72x128xf32, #tpu.memory_space<vmem>>
    %dma_wait3A_205 = arith.constant 0 : i32
    %dma_wait3A_206 = arith.constant 0 : i32
    %dma_wait3A_207 = tpu.memref_slice %arg2[%dma_wait3A_205, %dma_wait3A_206] : memref<10112x128xf32, #tpu.memory_space<hbm>> -> memref<72x128xf32, #tpu.memory_space<hbm>>
    tpu.wait_dma2 semaphore(%arg11 : memref<!tpu.dma_semaphore, #tpu.memory_space<semaphore_mem>>) src(%dma_wait3A_207 : memref<72x128xf32, #tpu.memory_space<hbm>>) dst(%dma_wait3A_204 : memref<72x128xf32, #tpu.memory_space<vmem>>)
    %dma_wait3A_208 = arith.constant 0 : i32
    %dma_wait3A_209 = arith.constant 2 : i32
    %dma_wait3A_210 = arith.constant 0 : i32
    %dma_wait3A_211 = tpu.memref_slice %arg8[%dma_wait3A_209, %dma_wait3A_210] : memref<4x72xi32, #tpu.memory_space<vmem>> -> memref<1x72xi32, #tpu.memory_space<vmem>>
    %dma_wait3A_212 = tpu.memref_squeeze %dma_wait3A_211 : memref<1x72xi32, #tpu.memory_space<vmem>> -> memref<72xi32, #tpu.memory_space<vmem>>
    %dma_wait3A_213 = arith.constant 0 : i32
    %dma_wait3A_214 = tpu.memref_slice %arg4[%dma_wait3A_208, %dma_wait3A_213] : memref<4480x72xi32, #tpu.memory_space<hbm>> -> memref<1x72xi32, #tpu.memory_space<hbm>>
    %dma_wait3A_215 = tpu.memref_squeeze %dma_wait3A_214 : memref<1x72xi32, #tpu.memory_space<hbm>> -> memref<72xi32, #tpu.memory_space<hbm>>
    %dma_wait3A_216 = arith.constant 0 : i32
    %dma_wait3A_217 = tpu.memref_slice %arg8[%dma_wait3A_209, %dma_wait3A_216] : memref<4x72xi32, #tpu.memory_space<vmem>> -> memref<1x72xi32, #tpu.memory_space<vmem>>
    %dma_wait3A_218 = tpu.memref_squeeze %dma_wait3A_217 : memref<1x72xi32, #tpu.memory_space<vmem>> -> memref<72xi32, #tpu.memory_space<vmem>>
    %dma_wait3A_219 = arith.constant 0 : i32
    %dma_wait3A_220 = tpu.memref_slice %arg4[%dma_wait3A_208, %dma_wait3A_219] : memref<4480x72xi32, #tpu.memory_space<hbm>> -> memref<1x72xi32, #tpu.memory_space<hbm>>
    %dma_wait3A_221 = tpu.memref_squeeze %dma_wait3A_220 : memref<1x72xi32, #tpu.memory_space<hbm>> -> memref<72xi32, #tpu.memory_space<hbm>>
    tpu.wait_dma2 semaphore(%arg13 : memref<!tpu.dma_semaphore, #tpu.memory_space<semaphore_mem>>) src(%dma_wait3A_221 : memref<72xi32, #tpu.memory_space<hbm>>) dst(%dma_wait3A_218 : memref<72xi32, #tpu.memory_space<vmem>>)
    %dma_start3A_222 = arith.constant 2 : i32
    %dma_start3A_223 = arith.constant 2 : i32
    %dma_start3A_224 = arith.constant 0 : i32
    %dma_start3A_225 = arith.constant 0 : i32
    %dma_start3A_226 = tpu.memref_slice %arg9[%dma_start3A_222, %dma_start3A_224, %dma_start3A_225] : memref<4x72x128xf32, #tpu.memory_space<vmem>> -> memref<1x72x128xf32, #tpu.memory_space<vmem>>
    %dma_start3A_227 = tpu.memref_squeeze %dma_start3A_226 : memref<1x72x128xf32, #tpu.memory_space<vmem>> -> memref<72x128xf32, #tpu.memory_space<vmem>>
    %dma_start3A_228 = arith.constant 0 : i32
    %dma_start3A_229 = tpu.memref_slice %arg8[%dma_start3A_223, %dma_start3A_228] : memref<4x72xi32, #tpu.memory_space<vmem>> -> memref<1x72xi32, #tpu.memory_space<vmem>>
    %dma_start3A_230 = tpu.memref_squeeze %dma_start3A_229 : memref<1x72xi32, #tpu.memory_space<vmem>> -> memref<72xi32, #tpu.memory_space<vmem>>
    %dma_start3A_231 = arith.constant 0 : i32
    %dma_start3A_232 = arith.constant 0 : i32
    %dma_start3A_233 = tpu.memref_slice %arg10[%dma_start3A_231, %dma_start3A_232] : memref<10112x128xf32, #tpu.memory_space<vmem_shared>> -> memref<10112x128xf32, #tpu.memory_space<vmem_shared>>
    tpu.enqueue_indirect_dma source(%dma_start3A_227 : memref<72x128xf32, #tpu.memory_space<vmem>>) target(%dma_start3A_233 : memref<10112x128xf32, #tpu.memory_space<vmem_shared>>) offsets(%dma_start3A_230 : memref<72xi32, #tpu.memory_space<vmem>>) semaphore(%arg12 : memref<!tpu.dma_semaphore, #tpu.memory_space<semaphore_mem>>) {add = true}
    %dma_wait3A_234 = arith.constant 3 : i32
    %dma_wait3A_235 = arith.constant 0 : i32
    %dma_wait3A_236 = arith.constant 0 : i32
    %dma_wait3A_237 = tpu.memref_slice %arg9[%dma_wait3A_234, %dma_wait3A_235, %dma_wait3A_236] : memref<4x72x128xf32, #tpu.memory_space<vmem>> -> memref<1x72x128xf32, #tpu.memory_space<vmem>>
    %dma_wait3A_238 = tpu.memref_squeeze %dma_wait3A_237 : memref<1x72x128xf32, #tpu.memory_space<vmem>> -> memref<72x128xf32, #tpu.memory_space<vmem>>
    %dma_wait3A_239 = arith.constant 0 : i32
    %dma_wait3A_240 = arith.constant 0 : i32
    %dma_wait3A_241 = tpu.memref_slice %arg2[%dma_wait3A_239, %dma_wait3A_240] : memref<10112x128xf32, #tpu.memory_space<hbm>> -> memref<72x128xf32, #tpu.memory_space<hbm>>
    %dma_wait3A_242 = arith.constant 0 : i32
    %dma_wait3A_243 = arith.constant 0 : i32
    %dma_wait3A_244 = tpu.memref_slice %arg9[%dma_wait3A_234, %dma_wait3A_242, %dma_wait3A_243] : memref<4x72x128xf32, #tpu.memory_space<vmem>> -> memref<1x72x128xf32, #tpu.memory_space<vmem>>
    %dma_wait3A_245 = tpu.memref_squeeze %dma_wait3A_244 : memref<1x72x128xf32, #tpu.memory_space<vmem>> -> memref<72x128xf32, #tpu.memory_space<vmem>>
    %dma_wait3A_246 = arith.constant 0 : i32
    %dma_wait3A_247 = arith.constant 0 : i32
    %dma_wait3A_248 = tpu.memref_slice %arg2[%dma_wait3A_246, %dma_wait3A_247] : memref<10112x128xf32, #tpu.memory_space<hbm>> -> memref<72x128xf32, #tpu.memory_space<hbm>>
    tpu.wait_dma2 semaphore(%arg11 : memref<!tpu.dma_semaphore, #tpu.memory_space<semaphore_mem>>) src(%dma_wait3A_248 : memref<72x128xf32, #tpu.memory_space<hbm>>) dst(%dma_wait3A_245 : memref<72x128xf32, #tpu.memory_space<vmem>>)
    %dma_wait3A_249 = arith.constant 0 : i32
    %dma_wait3A_250 = arith.constant 3 : i32
    %dma_wait3A_251 = arith.constant 0 : i32
    %dma_wait3A_252 = tpu.memref_slice %arg8[%dma_wait3A_250, %dma_wait3A_251] : memref<4x72xi32, #tpu.memory_space<vmem>> -> memref<1x72xi32, #tpu.memory_space<vmem>>
    %dma_wait3A_253 = tpu.memref_squeeze %dma_wait3A_252 : memref<1x72xi32, #tpu.memory_space<vmem>> -> memref<72xi32, #tpu.memory_space<vmem>>
    %dma_wait3A_254 = arith.constant 0 : i32
    %dma_wait3A_255 = tpu.memref_slice %arg4[%dma_wait3A_249, %dma_wait3A_254] : memref<4480x72xi32, #tpu.memory_space<hbm>> -> memref<1x72xi32, #tpu.memory_space<hbm>>
    %dma_wait3A_256 = tpu.memref_squeeze %dma_wait3A_255 : memref<1x72xi32, #tpu.memory_space<hbm>> -> memref<72xi32, #tpu.memory_space<hbm>>
    %dma_wait3A_257 = arith.constant 0 : i32
    %dma_wait3A_258 = tpu.memref_slice %arg8[%dma_wait3A_250, %dma_wait3A_257] : memref<4x72xi32, #tpu.memory_space<vmem>> -> memref<1x72xi32, #tpu.memory_space<vmem>>
    %dma_wait3A_259 = tpu.memref_squeeze %dma_wait3A_258 : memref<1x72xi32, #tpu.memory_space<vmem>> -> memref<72xi32, #tpu.memory_space<vmem>>
    %dma_wait3A_260 = arith.constant 0 : i32
    %dma_wait3A_261 = tpu.memref_slice %arg4[%dma_wait3A_249, %dma_wait3A_260] : memref<4480x72xi32, #tpu.memory_space<hbm>> -> memref<1x72xi32, #tpu.memory_space<hbm>>
    %dma_wait3A_262 = tpu.memref_squeeze %dma_wait3A_261 : memref<1x72xi32, #tpu.memory_space<hbm>> -> memref<72xi32, #tpu.memory_space<hbm>>
    tpu.wait_dma2 semaphore(%arg13 : memref<!tpu.dma_semaphore, #tpu.memory_space<semaphore_mem>>) src(%dma_wait3A_262 : memref<72xi32, #tpu.memory_space<hbm>>) dst(%dma_wait3A_259 : memref<72xi32, #tpu.memory_space<vmem>>)
    %dma_start3A_263 = arith.constant 3 : i32
    %dma_start3A_264 = arith.constant 3 : i32
    %dma_start3A_265 = arith.constant 0 : i32
    %dma_start3A_266 = arith.constant 0 : i32
    %dma_start3A_267 = tpu.memref_slice %arg9[%dma_start3A_263, %dma_start3A_265, %dma_start3A_266] : memref<4x72x128xf32, #tpu.memory_space<vmem>> -> memref<1x72x128xf32, #tpu.memory_space<vmem>>
    %dma_start3A_268 = tpu.memref_squeeze %dma_start3A_267 : memref<1x72x128xf32, #tpu.memory_space<vmem>> -> memref<72x128xf32, #tpu.memory_space<vmem>>
    %dma_start3A_269 = arith.constant 0 : i32
    %dma_start3A_270 = tpu.memref_slice %arg8[%dma_start3A_264, %dma_start3A_269] : memref<4x72xi32, #tpu.memory_space<vmem>> -> memref<1x72xi32, #tpu.memory_space<vmem>>
    %dma_start3A_271 = tpu.memref_squeeze %dma_start3A_270 : memref<1x72xi32, #tpu.memory_space<vmem>> -> memref<72xi32, #tpu.memory_space<vmem>>
    %dma_start3A_272 = arith.constant 0 : i32
    %dma_start3A_273 = arith.constant 0 : i32
    %dma_start3A_274 = tpu.memref_slice %arg10[%dma_start3A_272, %dma_start3A_273] : memref<10112x128xf32, #tpu.memory_space<vmem_shared>> -> memref<10112x128xf32, #tpu.memory_space<vmem_shared>>
    tpu.enqueue_indirect_dma source(%dma_start3A_268 : memref<72x128xf32, #tpu.memory_space<vmem>>) target(%dma_start3A_274 : memref<10112x128xf32, #tpu.memory_space<vmem_shared>>) offsets(%dma_start3A_271 : memref<72xi32, #tpu.memory_space<vmem>>) semaphore(%arg12 : memref<!tpu.dma_semaphore, #tpu.memory_space<semaphore_mem>>) {add = true}
    %dma_wait3A_275 = arith.constant 0 : i32
    %dma_wait3A_276 = arith.constant 0 : i32
    %dma_wait3A_277 = arith.constant 0 : i32
    %dma_wait3A_278 = arith.constant 0 : i32
    %dma_wait3A_279 = tpu.memref_slice %arg9[%dma_wait3A_275, %dma_wait3A_277, %dma_wait3A_278] : memref<4x72x128xf32, #tpu.memory_space<vmem>> -> memref<1x72x128xf32, #tpu.memory_space<vmem>>
    %dma_wait3A_280 = tpu.memref_squeeze %dma_wait3A_279 : memref<1x72x128xf32, #tpu.memory_space<vmem>> -> memref<72x128xf32, #tpu.memory_space<vmem>>
    %dma_wait3A_281 = arith.constant 0 : i32
    %dma_wait3A_282 = tpu.memref_slice %arg8[%dma_wait3A_276, %dma_wait3A_281] : memref<4x72xi32, #tpu.memory_space<vmem>> -> memref<1x72xi32, #tpu.memory_space<vmem>>
    %dma_wait3A_283 = tpu.memref_squeeze %dma_wait3A_282 : memref<1x72xi32, #tpu.memory_space<vmem>> -> memref<72xi32, #tpu.memory_space<vmem>>
    %dma_wait3A_284 = arith.constant 0 : i32
    %dma_wait3A_285 = arith.constant 0 : i32
    %dma_wait3A_286 = tpu.memref_slice %arg10[%dma_wait3A_284, %dma_wait3A_285] : memref<10112x128xf32, #tpu.memory_space<vmem_shared>> -> memref<10112x128xf32, #tpu.memory_space<vmem_shared>>
    tpu.wait_indirect_dma semaphore(%arg12 : memref<!tpu.dma_semaphore, #tpu.memory_space<semaphore_mem>>) src(%dma_wait3A_280 : memref<72x128xf32, #tpu.memory_space<vmem>>) dst(%dma_wait3A_286 : memref<10112x128xf32, #tpu.memory_space<vmem_shared>>)
    %dma_wait3A_287 = arith.constant 1 : i32
    %dma_wait3A_288 = arith.constant 0 : i32
    %dma_wait3A_289 = arith.constant 0 : i32
    %dma_wait3A_290 = arith.constant 0 : i32
    %dma_wait3A_291 = tpu.memref_slice %arg9[%dma_wait3A_287, %dma_wait3A_289, %dma_wait3A_290] : memref<4x72x128xf32, #tpu.memory_space<vmem>> -> memref<1x72x128xf32, #tpu.memory_space<vmem>>
    %dma_wait3A_292 = tpu.memref_squeeze %dma_wait3A_291 : memref<1x72x128xf32, #tpu.memory_space<vmem>> -> memref<72x128xf32, #tpu.memory_space<vmem>>
    %dma_wait3A_293 = arith.constant 0 : i32
    %dma_wait3A_294 = tpu.memref_slice %arg8[%dma_wait3A_288, %dma_wait3A_293] : memref<4x72xi32, #tpu.memory_space<vmem>> -> memref<1x72xi32, #tpu.memory_space<vmem>>
    %dma_wait3A_295 = tpu.memref_squeeze %dma_wait3A_294 : memref<1x72xi32, #tpu.memory_space<vmem>> -> memref<72xi32, #tpu.memory_space<vmem>>
    %dma_wait3A_296 = arith.constant 0 : i32
    %dma_wait3A_297 = arith.constant 0 : i32
    %dma_wait3A_298 = tpu.memref_slice %arg10[%dma_wait3A_296, %dma_wait3A_297] : memref<10112x128xf32, #tpu.memory_space<vmem_shared>> -> memref<10112x128xf32, #tpu.memory_space<vmem_shared>>
    tpu.wait_indirect_dma semaphore(%arg12 : memref<!tpu.dma_semaphore, #tpu.memory_space<semaphore_mem>>) src(%dma_wait3A_292 : memref<72x128xf32, #tpu.memory_space<vmem>>) dst(%dma_wait3A_298 : memref<10112x128xf32, #tpu.memory_space<vmem_shared>>)
    %dma_wait3A_299 = arith.constant 2 : i32
    %dma_wait3A_300 = arith.constant 0 : i32
    %dma_wait3A_301 = arith.constant 0 : i32
    %dma_wait3A_302 = arith.constant 0 : i32
    %dma_wait3A_303 = tpu.memref_slice %arg9[%dma_wait3A_299, %dma_wait3A_301, %dma_wait3A_302] : memref<4x72x128xf32, #tpu.memory_space<vmem>> -> memref<1x72x128xf32, #tpu.memory_space<vmem>>
    %dma_wait3A_304 = tpu.memref_squeeze %dma_wait3A_303 : memref<1x72x128xf32, #tpu.memory_space<vmem>> -> memref<72x128xf32, #tpu.memory_space<vmem>>
    %dma_wait3A_305 = arith.constant 0 : i32
    %dma_wait3A_306 = tpu.memref_slice %arg8[%dma_wait3A_300, %dma_wait3A_305] : memref<4x72xi32, #tpu.memory_space<vmem>> -> memref<1x72xi32, #tpu.memory_space<vmem>>
    %dma_wait3A_307 = tpu.memref_squeeze %dma_wait3A_306 : memref<1x72xi32, #tpu.memory_space<vmem>> -> memref<72xi32, #tpu.memory_space<vmem>>
    %dma_wait3A_308 = arith.constant 0 : i32
    %dma_wait3A_309 = arith.constant 0 : i32
    %dma_wait3A_310 = tpu.memref_slice %arg10[%dma_wait3A_308, %dma_wait3A_309] : memref<10112x128xf32, #tpu.memory_space<vmem_shared>> -> memref<10112x128xf32, #tpu.memory_space<vmem_shared>>
    tpu.wait_indirect_dma semaphore(%arg12 : memref<!tpu.dma_semaphore, #tpu.memory_space<semaphore_mem>>) src(%dma_wait3A_304 : memref<72x128xf32, #tpu.memory_space<vmem>>) dst(%dma_wait3A_310 : memref<10112x128xf32, #tpu.memory_space<vmem_shared>>)
    %dma_wait3A_311 = arith.constant 3 : i32
    %dma_wait3A_312 = arith.constant 0 : i32
    %dma_wait3A_313 = arith.constant 0 : i32
    %dma_wait3A_314 = arith.constant 0 : i32
    %dma_wait3A_315 = tpu.memref_slice %arg9[%dma_wait3A_311, %dma_wait3A_313, %dma_wait3A_314] : memref<4x72x128xf32, #tpu.memory_space<vmem>> -> memref<1x72x128xf32, #tpu.memory_space<vmem>>
    %dma_wait3A_316 = tpu.memref_squeeze %dma_wait3A_315 : memref<1x72x128xf32, #tpu.memory_space<vmem>> -> memref<72x128xf32, #tpu.memory_space<vmem>>
    %dma_wait3A_317 = arith.constant 0 : i32
    %dma_wait3A_318 = tpu.memref_slice %arg8[%dma_wait3A_312, %dma_wait3A_317] : memref<4x72xi32, #tpu.memory_space<vmem>> -> memref<1x72xi32, #tpu.memory_space<vmem>>
    %dma_wait3A_319 = tpu.memref_squeeze %dma_wait3A_318 : memref<1x72xi32, #tpu.memory_space<vmem>> -> memref<72xi32, #tpu.memory_space<vmem>>
    %dma_wait3A_320 = arith.constant 0 : i32
    %dma_wait3A_321 = arith.constant 0 : i32
    %dma_wait3A_322 = tpu.memref_slice %arg10[%dma_wait3A_320, %dma_wait3A_321] : memref<10112x128xf32, #tpu.memory_space<vmem_shared>> -> memref<10112x128xf32, #tpu.memory_space<vmem_shared>>
    tpu.wait_indirect_dma semaphore(%arg12 : memref<!tpu.dma_semaphore, #tpu.memory_space<semaphore_mem>>) src(%dma_wait3A_316 : memref<72x128xf32, #tpu.memory_space<vmem>>) dst(%dma_wait3A_322 : memref<10112x128xf32, #tpu.memory_space<vmem_shared>>)
    %barrier3A_323 = arith.constant 0 : index
    tpu.barrier barrier_id(%barrier3A_323)
    "tpu.region"() ({
      %run_scoped3A = tpu.sem_alloc : memref<!tpu.dma_semaphore, #tpu.memory_space<semaphore_mem>>
      %dma_start3A_324 = arith.constant 0 : i32
      %dma_start3A_325 = tpu.memref_slice %arg6[%arg0, %mul3A_2, %dma_start3A_324] : memref<2x10112x128xf32, #tpu.memory_space<hbm>> -> memref<1x632x128xf32, #tpu.memory_space<hbm>>
      %dma_start3A_326 = tpu.memref_squeeze %dma_start3A_325 : memref<1x632x128xf32, #tpu.memory_space<hbm>> -> memref<632x128xf32, #tpu.memory_space<hbm>>
      %dma_start3A_327 = arith.constant 0 : i32
      %dma_start3A_328 = tpu.memref_slice %arg10[%mul3A_2, %dma_start3A_327] : memref<10112x128xf32, #tpu.memory_space<vmem_shared>> -> memref<632x128xf32, #tpu.memory_space<vmem_shared>>
      tpu.enqueue_dma source(%dma_start3A_328 : memref<632x128xf32, #tpu.memory_space<vmem_shared>>) target(%dma_start3A_326 : memref<632x128xf32, #tpu.memory_space<hbm>>) target_semaphore(%run_scoped3A : memref<!tpu.dma_semaphore, #tpu.memory_space<semaphore_mem>>)
      %dma_wait3A_329 = arith.constant 0 : i32
      %dma_wait3A_330 = tpu.memref_slice %arg6[%arg0, %mul3A_2, %dma_wait3A_329] : memref<2x10112x128xf32, #tpu.memory_space<hbm>> -> memref<1x632x128xf32, #tpu.memory_space<hbm>>
      %dma_wait3A_331 = tpu.memref_squeeze %dma_wait3A_330 : memref<1x632x128xf32, #tpu.memory_space<hbm>> -> memref<632x128xf32, #tpu.memory_space<hbm>>
      %dma_wait3A_332 = arith.constant 0 : i32
      %dma_wait3A_333 = tpu.memref_slice %arg10[%mul3A_2, %dma_wait3A_332] : memref<10112x128xf32, #tpu.memory_space<vmem_shared>> -> memref<632x128xf32, #tpu.memory_space<vmem_shared>>
      tpu.wait_dma2 semaphore(%run_scoped3A : memref<!tpu.dma_semaphore, #tpu.memory_space<semaphore_mem>>) src(%dma_wait3A_333 : memref<632x128xf32, #tpu.memory_space<vmem_shared>>) dst(%dma_wait3A_331 : memref<632x128xf32, #tpu.memory_space<hbm>>)
      tpu.yield
    }) : () -> ()
    return
  }
}

#map = affine_map<(d0, d1) -> (0, 0)>
#map1 = affine_map<(d0, d1) -> (0, 0, 0)>
module attributes {stable_mosaic.version = 14 : i64} {
  func.func @_seg_body(%arg0: i32, %arg1: i32, %arg2: memref<10112x128xf32, #tpu.memory_space<hbm>>, %arg3: memref<32x10080xi32, #tpu.memory_space<hbm>>, %arg4: memref<4480x72xi32, #tpu.memory_space<hbm>>, %arg5: memref<10112x128xf32, #tpu.memory_space<hbm>>, %arg6: memref<2x10112x128xf32, #tpu.memory_space<hbm>>, %arg7: memref<10080xi32, #tpu.memory_space<vmem>>, %arg8: memref<4x72xi32, #tpu.memory_space<vmem>>, %arg9: memref<4x72x128xf32, #tpu.memory_space<vmem>>, %arg10: memref<10112x128xf32, #tpu.memory_space<vmem_shared>>, %arg11: memref<!tpu.dma_semaphore, #tpu.memory_space<semaphore_mem>>, %arg12: memref<!tpu.dma_semaphore, #tpu.memory_space<semaphore_mem>>, %arg13: memref<!tpu.dma_semaphore, #tpu.memory_space<semaphore_mem>>) attributes {dimension_semantics = [#tpu.dimension_semantics<core_parallel>, #tpu.dimension_semantics<subcore_parallel>], iteration_bounds = array<i64: 2, 16>, scalar_prefetch = 0 : i64, scratch_operands = 7 : i64, tpu.core_type = #tpu.core_type<sc_vector_subcore>, window_params = [{transform_indices = #map}, {transform_indices = #map}, {transform_indices = #map}, {transform_indices = #map}, {transform_indices = #map1}]} {
    %mul3A = arith.constant 16 : i32
    %mul3A_0 = arith.muli %arg0, %mul3A : i32
    %add3A = arith.addi %mul3A_0, %arg1 : i32
    %mul3A_1 = arith.constant 632 : i32
    %mul3A_2 = arith.muli %arg1, %mul3A_1 : i32
    %mul3A_3 = arith.constant 140 : i32
    %mul3A_4 = arith.muli %add3A, %mul3A_3 : i32
    "tpu.region"() ({
      %run_scoped3A = tpu.sem_alloc : memref<!tpu.dma_semaphore, #tpu.memory_space<semaphore_mem>>
      %dma_start3A_324 = arith.constant 0 : i32
      %dma_start3A_325 = tpu.memref_slice %arg10[%mul3A_2, %dma_start3A_324] : memref<10112x128xf32, #tpu.memory_space<vmem_shared>> -> memref<632x128xf32, #tpu.memory_space<vmem_shared>>
      %dma_start3A_326 = arith.constant 0 : i32
      %dma_start3A_327 = tpu.memref_slice %arg5[%mul3A_2, %dma_start3A_326] : memref<10112x128xf32, #tpu.memory_space<hbm>> -> memref<632x128xf32, #tpu.memory_space<hbm>>
      tpu.enqueue_dma source(%dma_start3A_327 : memref<632x128xf32, #tpu.memory_space<hbm>>) target(%dma_start3A_325 : memref<632x128xf32, #tpu.memory_space<vmem_shared>>) target_semaphore(%run_scoped3A : memref<!tpu.dma_semaphore, #tpu.memory_space<semaphore_mem>>)
      %dma_wait3A_328 = arith.constant 0 : i32
      %dma_wait3A_329 = tpu.memref_slice %arg10[%mul3A_2, %dma_wait3A_328] : memref<10112x128xf32, #tpu.memory_space<vmem_shared>> -> memref<632x128xf32, #tpu.memory_space<vmem_shared>>
      %dma_wait3A_330 = arith.constant 0 : i32
      %dma_wait3A_331 = tpu.memref_slice %arg5[%mul3A_2, %dma_wait3A_330] : memref<10112x128xf32, #tpu.memory_space<hbm>> -> memref<632x128xf32, #tpu.memory_space<hbm>>
      tpu.wait_dma2 semaphore(%run_scoped3A : memref<!tpu.dma_semaphore, #tpu.memory_space<semaphore_mem>>) src(%dma_wait3A_331 : memref<632x128xf32, #tpu.memory_space<hbm>>) dst(%dma_wait3A_329 : memref<632x128xf32, #tpu.memory_space<vmem_shared>>)
      tpu.yield
    }) : () -> ()
    "tpu.region"() ({
      %run_scoped3A = tpu.sem_alloc : memref<!tpu.dma_semaphore, #tpu.memory_space<semaphore_mem>>
      %dma_start3A_324 = arith.constant 0 : i32
      %dma_start3A_325 = tpu.memref_slice %arg3[%add3A, %dma_start3A_324] : memref<32x10080xi32, #tpu.memory_space<hbm>> -> memref<1x10080xi32, #tpu.memory_space<hbm>>
      %dma_start3A_326 = tpu.memref_squeeze %dma_start3A_325 : memref<1x10080xi32, #tpu.memory_space<hbm>> -> memref<10080xi32, #tpu.memory_space<hbm>>
      %dma_start3A_327 = arith.constant 0 : i32
      %dma_start3A_328 = tpu.memref_slice %arg3[%add3A, %dma_start3A_327] : memref<32x10080xi32, #tpu.memory_space<hbm>> -> memref<1x10080xi32, #tpu.memory_space<hbm>>
      %dma_start3A_329 = tpu.memref_squeeze %dma_start3A_328 : memref<1x10080xi32, #tpu.memory_space<hbm>> -> memref<10080xi32, #tpu.memory_space<hbm>>
      tpu.enqueue_dma source(%dma_start3A_329 : memref<10080xi32, #tpu.memory_space<hbm>>) target(%arg7 : memref<10080xi32, #tpu.memory_space<vmem>>) target_semaphore(%run_scoped3A : memref<!tpu.dma_semaphore, #tpu.memory_space<semaphore_mem>>)
      %dma_wait3A_330 = arith.constant 0 : i32
      %dma_wait3A_331 = tpu.memref_slice %arg3[%add3A, %dma_wait3A_330] : memref<32x10080xi32, #tpu.memory_space<hbm>> -> memref<1x10080xi32, #tpu.memory_space<hbm>>
      %dma_wait3A_332 = tpu.memref_squeeze %dma_wait3A_331 : memref<1x10080xi32, #tpu.memory_space<hbm>> -> memref<10080xi32, #tpu.memory_space<hbm>>
      %dma_wait3A_333 = arith.constant 0 : i32
      %dma_wait3A_334 = tpu.memref_slice %arg3[%add3A, %dma_wait3A_333] : memref<32x10080xi32, #tpu.memory_space<hbm>> -> memref<1x10080xi32, #tpu.memory_space<hbm>>
      %dma_wait3A_335 = tpu.memref_squeeze %dma_wait3A_334 : memref<1x10080xi32, #tpu.memory_space<hbm>> -> memref<10080xi32, #tpu.memory_space<hbm>>
      tpu.wait_dma2 semaphore(%run_scoped3A : memref<!tpu.dma_semaphore, #tpu.memory_space<semaphore_mem>>) src(%dma_wait3A_335 : memref<10080xi32, #tpu.memory_space<hbm>>) dst(%arg7 : memref<10080xi32, #tpu.memory_space<vmem>>)
      tpu.yield
    }) : () -> ()
    %barrier3A = arith.constant 0 : index
    tpu.barrier barrier_id(%barrier3A)
    %add3A_5 = arith.constant 0 : i32
    %add3A_6 = arith.addi %mul3A_4, %add3A_5 : i32
    %dma_start3A = arith.constant 0 : i32
    %dma_start3A_7 = arith.constant 0 : i32
    %dma_start3A_8 = tpu.memref_slice %arg8[%dma_start3A, %dma_start3A_7] : memref<4x72xi32, #tpu.memory_space<vmem>> -> memref<1x72xi32, #tpu.memory_space<vmem>>
    %dma_start3A_9 = tpu.memref_squeeze %dma_start3A_8 : memref<1x72xi32, #tpu.memory_space<vmem>> -> memref<72xi32, #tpu.memory_space<vmem>>
    %dma_start3A_10 = arith.constant 0 : i32
    %dma_start3A_11 = tpu.memref_slice %arg4[%add3A_6, %dma_start3A_10] : memref<4480x72xi32, #tpu.memory_space<hbm>> -> memref<1x72xi32, #tpu.memory_space<hbm>>
    %dma_start3A_12 = tpu.memref_squeeze %dma_start3A_11 : memref<1x72xi32, #tpu.memory_space<hbm>> -> memref<72xi32, #tpu.memory_space<hbm>>
    %dma_start3A_13 = arith.constant 0 : i32
    %dma_start3A_14 = tpu.memref_slice %arg8[%dma_start3A, %dma_start3A_13] : memref<4x72xi32, #tpu.memory_space<vmem>> -> memref<1x72xi32, #tpu.memory_space<vmem>>
    %dma_start3A_15 = tpu.memref_squeeze %dma_start3A_14 : memref<1x72xi32, #tpu.memory_space<vmem>> -> memref<72xi32, #tpu.memory_space<vmem>>
    %dma_start3A_16 = arith.constant 0 : i32
    %dma_start3A_17 = tpu.memref_slice %arg4[%add3A_6, %dma_start3A_16] : memref<4480x72xi32, #tpu.memory_space<hbm>> -> memref<1x72xi32, #tpu.memory_space<hbm>>
    %dma_start3A_18 = tpu.memref_squeeze %dma_start3A_17 : memref<1x72xi32, #tpu.memory_space<hbm>> -> memref<72xi32, #tpu.memory_space<hbm>>
    tpu.enqueue_dma source(%dma_start3A_18 : memref<72xi32, #tpu.memory_space<hbm>>) target(%dma_start3A_15 : memref<72xi32, #tpu.memory_space<vmem>>) target_semaphore(%arg13 : memref<!tpu.dma_semaphore, #tpu.memory_space<semaphore_mem>>)
    %multiple_of3A = arith.constant 0 : i32
    %multiple_of3A_19 = tpu.assume_multiple %multiple_of3A, 8 : i32
    %dma_start3A_20 = arith.constant 0 : i32
    %dma_start3A_21 = arith.constant 0 : i32
    %dma_start3A_22 = arith.constant 0 : i32
    %dma_start3A_23 = tpu.memref_slice %arg9[%dma_start3A_20, %dma_start3A_21, %dma_start3A_22] : memref<4x72x128xf32, #tpu.memory_space<vmem>> -> memref<1x72x128xf32, #tpu.memory_space<vmem>>
    %dma_start3A_24 = tpu.memref_squeeze %dma_start3A_23 : memref<1x72x128xf32, #tpu.memory_space<vmem>> -> memref<72x128xf32, #tpu.memory_space<vmem>>
    %dma_start3A_25 = tpu.memref_slice %arg7[%multiple_of3A_19] : memref<10080xi32, #tpu.memory_space<vmem>> -> memref<72xi32, #tpu.memory_space<vmem>>
    %dma_start3A_26 = arith.constant 0 : i32
    %dma_start3A_27 = arith.constant 0 : i32
    %dma_start3A_28 = tpu.memref_slice %arg2[%dma_start3A_26, %dma_start3A_27] : memref<10112x128xf32, #tpu.memory_space<hbm>> -> memref<10112x128xf32, #tpu.memory_space<hbm>>
    tpu.enqueue_indirect_dma source(%dma_start3A_28 : memref<10112x128xf32, #tpu.memory_space<hbm>>) target(%dma_start3A_24 : memref<72x128xf32, #tpu.memory_space<vmem>>) offsets(%dma_start3A_25 : memref<72xi32, #tpu.memory_space<vmem>>) semaphore(%arg11 : memref<!tpu.dma_semaphore, #tpu.memory_space<semaphore_mem>>)
    %add3A_29 = arith.constant 1 : i32
    %add3A_30 = arith.addi %mul3A_4, %add3A_29 : i32
    %dma_start3A_31 = arith.constant 1 : i32
    %dma_start3A_32 = arith.constant 0 : i32
    %dma_start3A_33 = tpu.memref_slice %arg8[%dma_start3A_31, %dma_start3A_32] : memref<4x72xi32, #tpu.memory_space<vmem>> -> memref<1x72xi32, #tpu.memory_space<vmem>>
    %dma_start3A_34 = tpu.memref_squeeze %dma_start3A_33 : memref<1x72xi32, #tpu.memory_space<vmem>> -> memref<72xi32, #tpu.memory_space<vmem>>
    %dma_start3A_35 = arith.constant 0 : i32
    %dma_start3A_36 = tpu.memref_slice %arg4[%add3A_30, %dma_start3A_35] : memref<4480x72xi32, #tpu.memory_space<hbm>> -> memref<1x72xi32, #tpu.memory_space<hbm>>
    %dma_start3A_37 = tpu.memref_squeeze %dma_start3A_36 : memref<1x72xi32, #tpu.memory_space<hbm>> -> memref<72xi32, #tpu.memory_space<hbm>>
    %dma_start3A_38 = arith.constant 0 : i32
    %dma_start3A_39 = tpu.memref_slice %arg8[%dma_start3A_31, %dma_start3A_38] : memref<4x72xi32, #tpu.memory_space<vmem>> -> memref<1x72xi32, #tpu.memory_space<vmem>>
    %dma_start3A_40 = tpu.memref_squeeze %dma_start3A_39 : memref<1x72xi32, #tpu.memory_space<vmem>> -> memref<72xi32, #tpu.memory_space<vmem>>
    %dma_start3A_41 = arith.constant 0 : i32
    %dma_start3A_42 = tpu.memref_slice %arg4[%add3A_30, %dma_start3A_41] : memref<4480x72xi32, #tpu.memory_space<hbm>> -> memref<1x72xi32, #tpu.memory_space<hbm>>
    %dma_start3A_43 = tpu.memref_squeeze %dma_start3A_42 : memref<1x72xi32, #tpu.memory_space<hbm>> -> memref<72xi32, #tpu.memory_space<hbm>>
    tpu.enqueue_dma source(%dma_start3A_43 : memref<72xi32, #tpu.memory_space<hbm>>) target(%dma_start3A_40 : memref<72xi32, #tpu.memory_space<vmem>>) target_semaphore(%arg13 : memref<!tpu.dma_semaphore, #tpu.memory_space<semaphore_mem>>)
    %multiple_of3A_44 = arith.constant 72 : i32
    %multiple_of3A_45 = tpu.assume_multiple %multiple_of3A_44, 8 : i32
    %dma_start3A_46 = arith.constant 1 : i32
    %dma_start3A_47 = arith.constant 0 : i32
    %dma_start3A_48 = arith.constant 0 : i32
    %dma_start3A_49 = tpu.memref_slice %arg9[%dma_start3A_46, %dma_start3A_47, %dma_start3A_48] : memref<4x72x128xf32, #tpu.memory_space<vmem>> -> memref<1x72x128xf32, #tpu.memory_space<vmem>>
    %dma_start3A_50 = tpu.memref_squeeze %dma_start3A_49 : memref<1x72x128xf32, #tpu.memory_space<vmem>> -> memref<72x128xf32, #tpu.memory_space<vmem>>
    %dma_start3A_51 = tpu.memref_slice %arg7[%multiple_of3A_45] : memref<10080xi32, #tpu.memory_space<vmem>> -> memref<72xi32, #tpu.memory_space<vmem>>
    %dma_start3A_52 = arith.constant 0 : i32
    %dma_start3A_53 = arith.constant 0 : i32
    %dma_start3A_54 = tpu.memref_slice %arg2[%dma_start3A_52, %dma_start3A_53] : memref<10112x128xf32, #tpu.memory_space<hbm>> -> memref<10112x128xf32, #tpu.memory_space<hbm>>
    tpu.enqueue_indirect_dma source(%dma_start3A_54 : memref<10112x128xf32, #tpu.memory_space<hbm>>) target(%dma_start3A_50 : memref<72x128xf32, #tpu.memory_space<vmem>>) offsets(%dma_start3A_51 : memref<72xi32, #tpu.memory_space<vmem>>) semaphore(%arg11 : memref<!tpu.dma_semaphore, #tpu.memory_space<semaphore_mem>>)
    %dma_wait3A = arith.constant 0 : i32
    %dma_wait3A_55 = arith.constant 0 : i32
    %dma_wait3A_56 = arith.constant 0 : i32
    %dma_wait3A_57 = tpu.memref_slice %arg9[%dma_wait3A, %dma_wait3A_55, %dma_wait3A_56] : memref<4x72x128xf32, #tpu.memory_space<vmem>> -> memref<1x72x128xf32, #tpu.memory_space<vmem>>
    %dma_wait3A_58 = tpu.memref_squeeze %dma_wait3A_57 : memref<1x72x128xf32, #tpu.memory_space<vmem>> -> memref<72x128xf32, #tpu.memory_space<vmem>>
    %dma_wait3A_59 = arith.constant 0 : i32
    %dma_wait3A_60 = arith.constant 0 : i32
    %dma_wait3A_61 = tpu.memref_slice %arg2[%dma_wait3A_59, %dma_wait3A_60] : memref<10112x128xf32, #tpu.memory_space<hbm>> -> memref<72x128xf32, #tpu.memory_space<hbm>>
    %dma_wait3A_62 = arith.constant 0 : i32
    %dma_wait3A_63 = arith.constant 0 : i32
    %dma_wait3A_64 = tpu.memref_slice %arg9[%dma_wait3A, %dma_wait3A_62, %dma_wait3A_63] : memref<4x72x128xf32, #tpu.memory_space<vmem>> -> memref<1x72x128xf32, #tpu.memory_space<vmem>>
    %dma_wait3A_65 = tpu.memref_squeeze %dma_wait3A_64 : memref<1x72x128xf32, #tpu.memory_space<vmem>> -> memref<72x128xf32, #tpu.memory_space<vmem>>
    %dma_wait3A_66 = arith.constant 0 : i32
    %dma_wait3A_67 = arith.constant 0 : i32
    %dma_wait3A_68 = tpu.memref_slice %arg2[%dma_wait3A_66, %dma_wait3A_67] : memref<10112x128xf32, #tpu.memory_space<hbm>> -> memref<72x128xf32, #tpu.memory_space<hbm>>
    tpu.wait_dma2 semaphore(%arg11 : memref<!tpu.dma_semaphore, #tpu.memory_space<semaphore_mem>>) src(%dma_wait3A_68 : memref<72x128xf32, #tpu.memory_space<hbm>>) dst(%dma_wait3A_65 : memref<72x128xf32, #tpu.memory_space<vmem>>)
    %dma_wait3A_69 = arith.constant 0 : i32
    %dma_wait3A_70 = arith.constant 0 : i32
    %dma_wait3A_71 = arith.constant 0 : i32
    %dma_wait3A_72 = tpu.memref_slice %arg8[%dma_wait3A_70, %dma_wait3A_71] : memref<4x72xi32, #tpu.memory_space<vmem>> -> memref<1x72xi32, #tpu.memory_space<vmem>>
    %dma_wait3A_73 = tpu.memref_squeeze %dma_wait3A_72 : memref<1x72xi32, #tpu.memory_space<vmem>> -> memref<72xi32, #tpu.memory_space<vmem>>
    %dma_wait3A_74 = arith.constant 0 : i32
    %dma_wait3A_75 = tpu.memref_slice %arg4[%dma_wait3A_69, %dma_wait3A_74] : memref<4480x72xi32, #tpu.memory_space<hbm>> -> memref<1x72xi32, #tpu.memory_space<hbm>>
    %dma_wait3A_76 = tpu.memref_squeeze %dma_wait3A_75 : memref<1x72xi32, #tpu.memory_space<hbm>> -> memref<72xi32, #tpu.memory_space<hbm>>
    %dma_wait3A_77 = arith.constant 0 : i32
    %dma_wait3A_78 = tpu.memref_slice %arg8[%dma_wait3A_70, %dma_wait3A_77] : memref<4x72xi32, #tpu.memory_space<vmem>> -> memref<1x72xi32, #tpu.memory_space<vmem>>
    %dma_wait3A_79 = tpu.memref_squeeze %dma_wait3A_78 : memref<1x72xi32, #tpu.memory_space<vmem>> -> memref<72xi32, #tpu.memory_space<vmem>>
    %dma_wait3A_80 = arith.constant 0 : i32
    %dma_wait3A_81 = tpu.memref_slice %arg4[%dma_wait3A_69, %dma_wait3A_80] : memref<4480x72xi32, #tpu.memory_space<hbm>> -> memref<1x72xi32, #tpu.memory_space<hbm>>
    %dma_wait3A_82 = tpu.memref_squeeze %dma_wait3A_81 : memref<1x72xi32, #tpu.memory_space<hbm>> -> memref<72xi32, #tpu.memory_space<hbm>>
    tpu.wait_dma2 semaphore(%arg13 : memref<!tpu.dma_semaphore, #tpu.memory_space<semaphore_mem>>) src(%dma_wait3A_82 : memref<72xi32, #tpu.memory_space<hbm>>) dst(%dma_wait3A_79 : memref<72xi32, #tpu.memory_space<vmem>>)
    %dma_start3A_83 = arith.constant 0 : i32
    %dma_start3A_84 = arith.constant 0 : i32
    %dma_start3A_85 = arith.constant 0 : i32
    %dma_start3A_86 = arith.constant 0 : i32
    %dma_start3A_87 = tpu.memref_slice %arg9[%dma_start3A_83, %dma_start3A_85, %dma_start3A_86] : memref<4x72x128xf32, #tpu.memory_space<vmem>> -> memref<1x72x128xf32, #tpu.memory_space<vmem>>
    %dma_start3A_88 = tpu.memref_squeeze %dma_start3A_87 : memref<1x72x128xf32, #tpu.memory_space<vmem>> -> memref<72x128xf32, #tpu.memory_space<vmem>>
    %dma_start3A_89 = arith.constant 0 : i32
    %dma_start3A_90 = tpu.memref_slice %arg8[%dma_start3A_84, %dma_start3A_89] : memref<4x72xi32, #tpu.memory_space<vmem>> -> memref<1x72xi32, #tpu.memory_space<vmem>>
    %dma_start3A_91 = tpu.memref_squeeze %dma_start3A_90 : memref<1x72xi32, #tpu.memory_space<vmem>> -> memref<72xi32, #tpu.memory_space<vmem>>
    %dma_start3A_92 = arith.constant 0 : i32
    %dma_start3A_93 = arith.constant 0 : i32
    %dma_start3A_94 = tpu.memref_slice %arg10[%dma_start3A_92, %dma_start3A_93] : memref<10112x128xf32, #tpu.memory_space<vmem_shared>> -> memref<10112x128xf32, #tpu.memory_space<vmem_shared>>
    tpu.enqueue_indirect_dma source(%dma_start3A_88 : memref<72x128xf32, #tpu.memory_space<vmem>>) target(%dma_start3A_94 : memref<10112x128xf32, #tpu.memory_space<vmem_shared>>) offsets(%dma_start3A_91 : memref<72xi32, #tpu.memory_space<vmem>>) semaphore(%arg12 : memref<!tpu.dma_semaphore, #tpu.memory_space<semaphore_mem>>) {add = true}
    %add3A_95 = arith.constant 2 : i32
    %add3A_96 = arith.addi %mul3A_4, %add3A_95 : i32
    %dma_start3A_97 = arith.constant 2 : i32
    %dma_start3A_98 = arith.constant 0 : i32
    %dma_start3A_99 = tpu.memref_slice %arg8[%dma_start3A_97, %dma_start3A_98] : memref<4x72xi32, #tpu.memory_space<vmem>> -> memref<1x72xi32, #tpu.memory_space<vmem>>
    %dma_start3A_100 = tpu.memref_squeeze %dma_start3A_99 : memref<1x72xi32, #tpu.memory_space<vmem>> -> memref<72xi32, #tpu.memory_space<vmem>>
    %dma_start3A_101 = arith.constant 0 : i32
    %dma_start3A_102 = tpu.memref_slice %arg4[%add3A_96, %dma_start3A_101] : memref<4480x72xi32, #tpu.memory_space<hbm>> -> memref<1x72xi32, #tpu.memory_space<hbm>>
    %dma_start3A_103 = tpu.memref_squeeze %dma_start3A_102 : memref<1x72xi32, #tpu.memory_space<hbm>> -> memref<72xi32, #tpu.memory_space<hbm>>
    %dma_start3A_104 = arith.constant 0 : i32
    %dma_start3A_105 = tpu.memref_slice %arg8[%dma_start3A_97, %dma_start3A_104] : memref<4x72xi32, #tpu.memory_space<vmem>> -> memref<1x72xi32, #tpu.memory_space<vmem>>
    %dma_start3A_106 = tpu.memref_squeeze %dma_start3A_105 : memref<1x72xi32, #tpu.memory_space<vmem>> -> memref<72xi32, #tpu.memory_space<vmem>>
    %dma_start3A_107 = arith.constant 0 : i32
    %dma_start3A_108 = tpu.memref_slice %arg4[%add3A_96, %dma_start3A_107] : memref<4480x72xi32, #tpu.memory_space<hbm>> -> memref<1x72xi32, #tpu.memory_space<hbm>>
    %dma_start3A_109 = tpu.memref_squeeze %dma_start3A_108 : memref<1x72xi32, #tpu.memory_space<hbm>> -> memref<72xi32, #tpu.memory_space<hbm>>
    tpu.enqueue_dma source(%dma_start3A_109 : memref<72xi32, #tpu.memory_space<hbm>>) target(%dma_start3A_106 : memref<72xi32, #tpu.memory_space<vmem>>) target_semaphore(%arg13 : memref<!tpu.dma_semaphore, #tpu.memory_space<semaphore_mem>>)
    %multiple_of3A_110 = arith.constant 144 : i32
    %multiple_of3A_111 = tpu.assume_multiple %multiple_of3A_110, 8 : i32
    %dma_start3A_112 = arith.constant 2 : i32
    %dma_start3A_113 = arith.constant 0 : i32
    %dma_start3A_114 = arith.constant 0 : i32
    %dma_start3A_115 = tpu.memref_slice %arg9[%dma_start3A_112, %dma_start3A_113, %dma_start3A_114] : memref<4x72x128xf32, #tpu.memory_space<vmem>> -> memref<1x72x128xf32, #tpu.memory_space<vmem>>
    %dma_start3A_116 = tpu.memref_squeeze %dma_start3A_115 : memref<1x72x128xf32, #tpu.memory_space<vmem>> -> memref<72x128xf32, #tpu.memory_space<vmem>>
    %dma_start3A_117 = tpu.memref_slice %arg7[%multiple_of3A_111] : memref<10080xi32, #tpu.memory_space<vmem>> -> memref<72xi32, #tpu.memory_space<vmem>>
    %dma_start3A_118 = arith.constant 0 : i32
    %dma_start3A_119 = arith.constant 0 : i32
    %dma_start3A_120 = tpu.memref_slice %arg2[%dma_start3A_118, %dma_start3A_119] : memref<10112x128xf32, #tpu.memory_space<hbm>> -> memref<10112x128xf32, #tpu.memory_space<hbm>>
    tpu.enqueue_indirect_dma source(%dma_start3A_120 : memref<10112x128xf32, #tpu.memory_space<hbm>>) target(%dma_start3A_116 : memref<72x128xf32, #tpu.memory_space<vmem>>) offsets(%dma_start3A_117 : memref<72xi32, #tpu.memory_space<vmem>>) semaphore(%arg11 : memref<!tpu.dma_semaphore, #tpu.memory_space<semaphore_mem>>)
    %dma_wait3A_121 = arith.constant 1 : i32
    %dma_wait3A_122 = arith.constant 0 : i32
    %dma_wait3A_123 = arith.constant 0 : i32
    %dma_wait3A_124 = tpu.memref_slice %arg9[%dma_wait3A_121, %dma_wait3A_122, %dma_wait3A_123] : memref<4x72x128xf32, #tpu.memory_space<vmem>> -> memref<1x72x128xf32, #tpu.memory_space<vmem>>
    %dma_wait3A_125 = tpu.memref_squeeze %dma_wait3A_124 : memref<1x72x128xf32, #tpu.memory_space<vmem>> -> memref<72x128xf32, #tpu.memory_space<vmem>>
    %dma_wait3A_126 = arith.constant 0 : i32
    %dma_wait3A_127 = arith.constant 0 : i32
    %dma_wait3A_128 = tpu.memref_slice %arg2[%dma_wait3A_126, %dma_wait3A_127] : memref<10112x128xf32, #tpu.memory_space<hbm>> -> memref<72x128xf32, #tpu.memory_space<hbm>>
    %dma_wait3A_129 = arith.constant 0 : i32
    %dma_wait3A_130 = arith.constant 0 : i32
    %dma_wait3A_131 = tpu.memref_slice %arg9[%dma_wait3A_121, %dma_wait3A_129, %dma_wait3A_130] : memref<4x72x128xf32, #tpu.memory_space<vmem>> -> memref<1x72x128xf32, #tpu.memory_space<vmem>>
    %dma_wait3A_132 = tpu.memref_squeeze %dma_wait3A_131 : memref<1x72x128xf32, #tpu.memory_space<vmem>> -> memref<72x128xf32, #tpu.memory_space<vmem>>
    %dma_wait3A_133 = arith.constant 0 : i32
    %dma_wait3A_134 = arith.constant 0 : i32
    %dma_wait3A_135 = tpu.memref_slice %arg2[%dma_wait3A_133, %dma_wait3A_134] : memref<10112x128xf32, #tpu.memory_space<hbm>> -> memref<72x128xf32, #tpu.memory_space<hbm>>
    tpu.wait_dma2 semaphore(%arg11 : memref<!tpu.dma_semaphore, #tpu.memory_space<semaphore_mem>>) src(%dma_wait3A_135 : memref<72x128xf32, #tpu.memory_space<hbm>>) dst(%dma_wait3A_132 : memref<72x128xf32, #tpu.memory_space<vmem>>)
    %dma_wait3A_136 = arith.constant 0 : i32
    %dma_wait3A_137 = arith.constant 1 : i32
    %dma_wait3A_138 = arith.constant 0 : i32
    %dma_wait3A_139 = tpu.memref_slice %arg8[%dma_wait3A_137, %dma_wait3A_138] : memref<4x72xi32, #tpu.memory_space<vmem>> -> memref<1x72xi32, #tpu.memory_space<vmem>>
    %dma_wait3A_140 = tpu.memref_squeeze %dma_wait3A_139 : memref<1x72xi32, #tpu.memory_space<vmem>> -> memref<72xi32, #tpu.memory_space<vmem>>
    %dma_wait3A_141 = arith.constant 0 : i32
    %dma_wait3A_142 = tpu.memref_slice %arg4[%dma_wait3A_136, %dma_wait3A_141] : memref<4480x72xi32, #tpu.memory_space<hbm>> -> memref<1x72xi32, #tpu.memory_space<hbm>>
    %dma_wait3A_143 = tpu.memref_squeeze %dma_wait3A_142 : memref<1x72xi32, #tpu.memory_space<hbm>> -> memref<72xi32, #tpu.memory_space<hbm>>
    %dma_wait3A_144 = arith.constant 0 : i32
    %dma_wait3A_145 = tpu.memref_slice %arg8[%dma_wait3A_137, %dma_wait3A_144] : memref<4x72xi32, #tpu.memory_space<vmem>> -> memref<1x72xi32, #tpu.memory_space<vmem>>
    %dma_wait3A_146 = tpu.memref_squeeze %dma_wait3A_145 : memref<1x72xi32, #tpu.memory_space<vmem>> -> memref<72xi32, #tpu.memory_space<vmem>>
    %dma_wait3A_147 = arith.constant 0 : i32
    %dma_wait3A_148 = tpu.memref_slice %arg4[%dma_wait3A_136, %dma_wait3A_147] : memref<4480x72xi32, #tpu.memory_space<hbm>> -> memref<1x72xi32, #tpu.memory_space<hbm>>
    %dma_wait3A_149 = tpu.memref_squeeze %dma_wait3A_148 : memref<1x72xi32, #tpu.memory_space<hbm>> -> memref<72xi32, #tpu.memory_space<hbm>>
    tpu.wait_dma2 semaphore(%arg13 : memref<!tpu.dma_semaphore, #tpu.memory_space<semaphore_mem>>) src(%dma_wait3A_149 : memref<72xi32, #tpu.memory_space<hbm>>) dst(%dma_wait3A_146 : memref<72xi32, #tpu.memory_space<vmem>>)
    %dma_start3A_150 = arith.constant 1 : i32
    %dma_start3A_151 = arith.constant 1 : i32
    %dma_start3A_152 = arith.constant 0 : i32
    %dma_start3A_153 = arith.constant 0 : i32
    %dma_start3A_154 = tpu.memref_slice %arg9[%dma_start3A_150, %dma_start3A_152, %dma_start3A_153] : memref<4x72x128xf32, #tpu.memory_space<vmem>> -> memref<1x72x128xf32, #tpu.memory_space<vmem>>
    %dma_start3A_155 = tpu.memref_squeeze %dma_start3A_154 : memref<1x72x128xf32, #tpu.memory_space<vmem>> -> memref<72x128xf32, #tpu.memory_space<vmem>>
    %dma_start3A_156 = arith.constant 0 : i32
    %dma_start3A_157 = tpu.memref_slice %arg8[%dma_start3A_151, %dma_start3A_156] : memref<4x72xi32, #tpu.memory_space<vmem>> -> memref<1x72xi32, #tpu.memory_space<vmem>>
    %dma_start3A_158 = tpu.memref_squeeze %dma_start3A_157 : memref<1x72xi32, #tpu.memory_space<vmem>> -> memref<72xi32, #tpu.memory_space<vmem>>
    %dma_start3A_159 = arith.constant 0 : i32
    %dma_start3A_160 = arith.constant 0 : i32
    %dma_start3A_161 = tpu.memref_slice %arg10[%dma_start3A_159, %dma_start3A_160] : memref<10112x128xf32, #tpu.memory_space<vmem_shared>> -> memref<10112x128xf32, #tpu.memory_space<vmem_shared>>
    tpu.enqueue_indirect_dma source(%dma_start3A_155 : memref<72x128xf32, #tpu.memory_space<vmem>>) target(%dma_start3A_161 : memref<10112x128xf32, #tpu.memory_space<vmem_shared>>) offsets(%dma_start3A_158 : memref<72xi32, #tpu.memory_space<vmem>>) semaphore(%arg12 : memref<!tpu.dma_semaphore, #tpu.memory_space<semaphore_mem>>) {add = true}
    %add3A_162 = arith.constant 3 : i32
    %add3A_163 = arith.addi %mul3A_4, %add3A_162 : i32
    %dma_start3A_164 = arith.constant 3 : i32
    %dma_start3A_165 = arith.constant 0 : i32
    %dma_start3A_166 = tpu.memref_slice %arg8[%dma_start3A_164, %dma_start3A_165] : memref<4x72xi32, #tpu.memory_space<vmem>> -> memref<1x72xi32, #tpu.memory_space<vmem>>
    %dma_start3A_167 = tpu.memref_squeeze %dma_start3A_166 : memref<1x72xi32, #tpu.memory_space<vmem>> -> memref<72xi32, #tpu.memory_space<vmem>>
    %dma_start3A_168 = arith.constant 0 : i32
    %dma_start3A_169 = tpu.memref_slice %arg4[%add3A_163, %dma_start3A_168] : memref<4480x72xi32, #tpu.memory_space<hbm>> -> memref<1x72xi32, #tpu.memory_space<hbm>>
    %dma_start3A_170 = tpu.memref_squeeze %dma_start3A_169 : memref<1x72xi32, #tpu.memory_space<hbm>> -> memref<72xi32, #tpu.memory_space<hbm>>
    %dma_start3A_171 = arith.constant 0 : i32
    %dma_start3A_172 = tpu.memref_slice %arg8[%dma_start3A_164, %dma_start3A_171] : memref<4x72xi32, #tpu.memory_space<vmem>> -> memref<1x72xi32, #tpu.memory_space<vmem>>
    %dma_start3A_173 = tpu.memref_squeeze %dma_start3A_172 : memref<1x72xi32, #tpu.memory_space<vmem>> -> memref<72xi32, #tpu.memory_space<vmem>>
    %dma_start3A_174 = arith.constant 0 : i32
    %dma_start3A_175 = tpu.memref_slice %arg4[%add3A_163, %dma_start3A_174] : memref<4480x72xi32, #tpu.memory_space<hbm>> -> memref<1x72xi32, #tpu.memory_space<hbm>>
    %dma_start3A_176 = tpu.memref_squeeze %dma_start3A_175 : memref<1x72xi32, #tpu.memory_space<hbm>> -> memref<72xi32, #tpu.memory_space<hbm>>
    tpu.enqueue_dma source(%dma_start3A_176 : memref<72xi32, #tpu.memory_space<hbm>>) target(%dma_start3A_173 : memref<72xi32, #tpu.memory_space<vmem>>) target_semaphore(%arg13 : memref<!tpu.dma_semaphore, #tpu.memory_space<semaphore_mem>>)
    %multiple_of3A_177 = arith.constant 216 : i32
    %multiple_of3A_178 = tpu.assume_multiple %multiple_of3A_177, 8 : i32
    %dma_start3A_179 = arith.constant 3 : i32
    %dma_start3A_180 = arith.constant 0 : i32
    %dma_start3A_181 = arith.constant 0 : i32
    %dma_start3A_182 = tpu.memref_slice %arg9[%dma_start3A_179, %dma_start3A_180, %dma_start3A_181] : memref<4x72x128xf32, #tpu.memory_space<vmem>> -> memref<1x72x128xf32, #tpu.memory_space<vmem>>
    %dma_start3A_183 = tpu.memref_squeeze %dma_start3A_182 : memref<1x72x128xf32, #tpu.memory_space<vmem>> -> memref<72x128xf32, #tpu.memory_space<vmem>>
    %dma_start3A_184 = tpu.memref_slice %arg7[%multiple_of3A_178] : memref<10080xi32, #tpu.memory_space<vmem>> -> memref<72xi32, #tpu.memory_space<vmem>>
    %dma_start3A_185 = arith.constant 0 : i32
    %dma_start3A_186 = arith.constant 0 : i32
    %dma_start3A_187 = tpu.memref_slice %arg2[%dma_start3A_185, %dma_start3A_186] : memref<10112x128xf32, #tpu.memory_space<hbm>> -> memref<10112x128xf32, #tpu.memory_space<hbm>>
    tpu.enqueue_indirect_dma source(%dma_start3A_187 : memref<10112x128xf32, #tpu.memory_space<hbm>>) target(%dma_start3A_183 : memref<72x128xf32, #tpu.memory_space<vmem>>) offsets(%dma_start3A_184 : memref<72xi32, #tpu.memory_space<vmem>>) semaphore(%arg11 : memref<!tpu.dma_semaphore, #tpu.memory_space<semaphore_mem>>)
    %scan3A = arith.constant 0 : i32
    %scan3A_188 = arith.constant 0 : i32
    %scan3A_189 = arith.constant 34 : i32
    %scan3A_190 = arith.addi %scan3A_188, %scan3A_189 : i32
    %scan3A_191 = arith.constant 1 : i32
    scf.for %scan3A_324 = %scan3A_188 to %scan3A_190 step %scan3A_191  : i32 {
      %mul3A_325 = arith.constant 4 : i32
      %mul3A_326 = arith.muli %mul3A_325, %scan3A_324 : i32
      %add3A_327 = arith.constant 2 : i32
      %add3A_328 = arith.addi %mul3A_326, %add3A_327 : i32
      %dma_wait3A_329 = arith.constant 2 : i32
      %dma_wait3A_330 = arith.constant 0 : i32
      %dma_wait3A_331 = arith.constant 0 : i32
      %dma_wait3A_332 = tpu.memref_slice %arg9[%dma_wait3A_329, %dma_wait3A_330, %dma_wait3A_331] : memref<4x72x128xf32, #tpu.memory_space<vmem>> -> memref<1x72x128xf32, #tpu.memory_space<vmem>>
      %dma_wait3A_333 = tpu.memref_squeeze %dma_wait3A_332 : memref<1x72x128xf32, #tpu.memory_space<vmem>> -> memref<72x128xf32, #tpu.memory_space<vmem>>
      %dma_wait3A_334 = arith.constant 0 : i32
      %dma_wait3A_335 = arith.constant 0 : i32
      %dma_wait3A_336 = tpu.memref_slice %arg2[%dma_wait3A_334, %dma_wait3A_335] : memref<10112x128xf32, #tpu.memory_space<hbm>> -> memref<72x128xf32, #tpu.memory_space<hbm>>
      %dma_wait3A_337 = arith.constant 0 : i32
      %dma_wait3A_338 = arith.constant 0 : i32
      %dma_wait3A_339 = tpu.memref_slice %arg9[%dma_wait3A_329, %dma_wait3A_337, %dma_wait3A_338] : memref<4x72x128xf32, #tpu.memory_space<vmem>> -> memref<1x72x128xf32, #tpu.memory_space<vmem>>
      %dma_wait3A_340 = tpu.memref_squeeze %dma_wait3A_339 : memref<1x72x128xf32, #tpu.memory_space<vmem>> -> memref<72x128xf32, #tpu.memory_space<vmem>>
      %dma_wait3A_341 = arith.constant 0 : i32
      %dma_wait3A_342 = arith.constant 0 : i32
      %dma_wait3A_343 = tpu.memref_slice %arg2[%dma_wait3A_341, %dma_wait3A_342] : memref<10112x128xf32, #tpu.memory_space<hbm>> -> memref<72x128xf32, #tpu.memory_space<hbm>>
      tpu.wait_dma2 semaphore(%arg11 : memref<!tpu.dma_semaphore, #tpu.memory_space<semaphore_mem>>) src(%dma_wait3A_343 : memref<72x128xf32, #tpu.memory_space<hbm>>) dst(%dma_wait3A_340 : memref<72x128xf32, #tpu.memory_space<vmem>>)
      %dma_wait3A_344 = arith.constant 0 : i32
      %dma_wait3A_345 = arith.constant 2 : i32
      %dma_wait3A_346 = arith.constant 0 : i32
      %dma_wait3A_347 = tpu.memref_slice %arg8[%dma_wait3A_345, %dma_wait3A_346] : memref<4x72xi32, #tpu.memory_space<vmem>> -> memref<1x72xi32, #tpu.memory_space<vmem>>
      %dma_wait3A_348 = tpu.memref_squeeze %dma_wait3A_347 : memref<1x72xi32, #tpu.memory_space<vmem>> -> memref<72xi32, #tpu.memory_space<vmem>>
      %dma_wait3A_349 = arith.constant 0 : i32
      %dma_wait3A_350 = tpu.memref_slice %arg4[%dma_wait3A_344, %dma_wait3A_349] : memref<4480x72xi32, #tpu.memory_space<hbm>> -> memref<1x72xi32, #tpu.memory_space<hbm>>
      %dma_wait3A_351 = tpu.memref_squeeze %dma_wait3A_350 : memref<1x72xi32, #tpu.memory_space<hbm>> -> memref<72xi32, #tpu.memory_space<hbm>>
      %dma_wait3A_352 = arith.constant 0 : i32
      %dma_wait3A_353 = tpu.memref_slice %arg8[%dma_wait3A_345, %dma_wait3A_352] : memref<4x72xi32, #tpu.memory_space<vmem>> -> memref<1x72xi32, #tpu.memory_space<vmem>>
      %dma_wait3A_354 = tpu.memref_squeeze %dma_wait3A_353 : memref<1x72xi32, #tpu.memory_space<vmem>> -> memref<72xi32, #tpu.memory_space<vmem>>
      %dma_wait3A_355 = arith.constant 0 : i32
      %dma_wait3A_356 = tpu.memref_slice %arg4[%dma_wait3A_344, %dma_wait3A_355] : memref<4480x72xi32, #tpu.memory_space<hbm>> -> memref<1x72xi32, #tpu.memory_space<hbm>>
      %dma_wait3A_357 = tpu.memref_squeeze %dma_wait3A_356 : memref<1x72xi32, #tpu.memory_space<hbm>> -> memref<72xi32, #tpu.memory_space<hbm>>
      tpu.wait_dma2 semaphore(%arg13 : memref<!tpu.dma_semaphore, #tpu.memory_space<semaphore_mem>>) src(%dma_wait3A_357 : memref<72xi32, #tpu.memory_space<hbm>>) dst(%dma_wait3A_354 : memref<72xi32, #tpu.memory_space<vmem>>)
      %dma_start3A_358 = arith.constant 2 : i32
      %dma_start3A_359 = arith.constant 2 : i32
      %dma_start3A_360 = arith.constant 0 : i32
      %dma_start3A_361 = arith.constant 0 : i32
      %dma_start3A_362 = tpu.memref_slice %arg9[%dma_start3A_358, %dma_start3A_360, %dma_start3A_361] : memref<4x72x128xf32, #tpu.memory_space<vmem>> -> memref<1x72x128xf32, #tpu.memory_space<vmem>>
      %dma_start3A_363 = tpu.memref_squeeze %dma_start3A_362 : memref<1x72x128xf32, #tpu.memory_space<vmem>> -> memref<72x128xf32, #tpu.memory_space<vmem>>
      %dma_start3A_364 = arith.constant 0 : i32
      %dma_start3A_365 = tpu.memref_slice %arg8[%dma_start3A_359, %dma_start3A_364] : memref<4x72xi32, #tpu.memory_space<vmem>> -> memref<1x72xi32, #tpu.memory_space<vmem>>
      %dma_start3A_366 = tpu.memref_squeeze %dma_start3A_365 : memref<1x72xi32, #tpu.memory_space<vmem>> -> memref<72xi32, #tpu.memory_space<vmem>>
      %dma_start3A_367 = arith.constant 0 : i32
      %dma_start3A_368 = arith.constant 0 : i32
      %dma_start3A_369 = tpu.memref_slice %arg10[%dma_start3A_367, %dma_start3A_368] : memref<10112x128xf32, #tpu.memory_space<vmem_shared>> -> memref<10112x128xf32, #tpu.memory_space<vmem_shared>>
      tpu.enqueue_indirect_dma source(%dma_start3A_363 : memref<72x128xf32, #tpu.memory_space<vmem>>) target(%dma_start3A_369 : memref<10112x128xf32, #tpu.memory_space<vmem_shared>>) offsets(%dma_start3A_366 : memref<72xi32, #tpu.memory_space<vmem>>) semaphore(%arg12 : memref<!tpu.dma_semaphore, #tpu.memory_space<semaphore_mem>>) {add = true}
      %dma_wait3A_370 = arith.constant 0 : i32
      %dma_wait3A_371 = arith.constant 0 : i32
      %dma_wait3A_372 = arith.constant 0 : i32
      %dma_wait3A_373 = arith.constant 0 : i32
      %dma_wait3A_374 = tpu.memref_slice %arg9[%dma_wait3A_370, %dma_wait3A_372, %dma_wait3A_373] : memref<4x72x128xf32, #tpu.memory_space<vmem>> -> memref<1x72x128xf32, #tpu.memory_space<vmem>>
      %dma_wait3A_375 = tpu.memref_squeeze %dma_wait3A_374 : memref<1x72x128xf32, #tpu.memory_space<vmem>> -> memref<72x128xf32, #tpu.memory_space<vmem>>
      %dma_wait3A_376 = arith.constant 0 : i32
      %dma_wait3A_377 = tpu.memref_slice %arg8[%dma_wait3A_371, %dma_wait3A_376] : memref<4x72xi32, #tpu.memory_space<vmem>> -> memref<1x72xi32, #tpu.memory_space<vmem>>
      %dma_wait3A_378 = tpu.memref_squeeze %dma_wait3A_377 : memref<1x72xi32, #tpu.memory_space<vmem>> -> memref<72xi32, #tpu.memory_space<vmem>>
      %dma_wait3A_379 = arith.constant 0 : i32
      %dma_wait3A_380 = arith.constant 0 : i32
      %dma_wait3A_381 = tpu.memref_slice %arg10[%dma_wait3A_379, %dma_wait3A_380] : memref<10112x128xf32, #tpu.memory_space<vmem_shared>> -> memref<10112x128xf32, #tpu.memory_space<vmem_shared>>
      tpu.wait_indirect_dma semaphore(%arg12 : memref<!tpu.dma_semaphore, #tpu.memory_space<semaphore_mem>>) src(%dma_wait3A_375 : memref<72x128xf32, #tpu.memory_space<vmem>>) dst(%dma_wait3A_381 : memref<10112x128xf32, #tpu.memory_space<vmem_shared>>)
      %add3A_382 = arith.constant 2 : i32
      %add3A_383 = arith.addi %add3A_328, %add3A_382 : i32
      %add3A_384 = arith.addi %mul3A_4, %add3A_383 : i32
      %dma_start3A_385 = arith.constant 0 : i32
      %dma_start3A_386 = arith.constant 0 : i32
      %dma_start3A_387 = tpu.memref_slice %arg8[%dma_start3A_385, %dma_start3A_386] : memref<4x72xi32, #tpu.memory_space<vmem>> -> memref<1x72xi32, #tpu.memory_space<vmem>>
      %dma_start3A_388 = tpu.memref_squeeze %dma_start3A_387 : memref<1x72xi32, #tpu.memory_space<vmem>> -> memref<72xi32, #tpu.memory_space<vmem>>
      %dma_start3A_389 = arith.constant 0 : i32
      %dma_start3A_390 = tpu.memref_slice %arg4[%add3A_384, %dma_start3A_389] : memref<4480x72xi32, #tpu.memory_space<hbm>> -> memref<1x72xi32, #tpu.memory_space<hbm>>
      %dma_start3A_391 = tpu.memref_squeeze %dma_start3A_390 : memref<1x72xi32, #tpu.memory_space<hbm>> -> memref<72xi32, #tpu.memory_space<hbm>>
      %dma_start3A_392 = arith.constant 0 : i32
      %dma_start3A_393 = tpu.memref_slice %arg8[%dma_start3A_385, %dma_start3A_392] : memref<4x72xi32, #tpu.memory_space<vmem>> -> memref<1x72xi32, #tpu.memory_space<vmem>>
      %dma_start3A_394 = tpu.memref_squeeze %dma_start3A_393 : memref<1x72xi32, #tpu.memory_space<vmem>> -> memref<72xi32, #tpu.memory_space<vmem>>
      %dma_start3A_395 = arith.constant 0 : i32
      %dma_start3A_396 = tpu.memref_slice %arg4[%add3A_384, %dma_start3A_395] : memref<4480x72xi32, #tpu.memory_space<hbm>> -> memref<1x72xi32, #tpu.memory_space<hbm>>
      %dma_start3A_397 = tpu.memref_squeeze %dma_start3A_396 : memref<1x72xi32, #tpu.memory_space<hbm>> -> memref<72xi32, #tpu.memory_space<hbm>>
      tpu.enqueue_dma source(%dma_start3A_397 : memref<72xi32, #tpu.memory_space<hbm>>) target(%dma_start3A_394 : memref<72xi32, #tpu.memory_space<vmem>>) target_semaphore(%arg13 : memref<!tpu.dma_semaphore, #tpu.memory_space<semaphore_mem>>)
      %add3A_398 = arith.constant 2 : i32
      %add3A_399 = arith.addi %add3A_328, %add3A_398 : i32
      %mul3A_400 = arith.constant 72 : i32
      %mul3A_401 = arith.muli %add3A_399, %mul3A_400 : i32
      %multiple_of3A_402 = tpu.assume_multiple %mul3A_401, 8 : i32
      %dma_start3A_403 = arith.constant 0 : i32
      %dma_start3A_404 = arith.constant 0 : i32
      %dma_start3A_405 = arith.constant 0 : i32
      %dma_start3A_406 = tpu.memref_slice %arg9[%dma_start3A_403, %dma_start3A_404, %dma_start3A_405] : memref<4x72x128xf32, #tpu.memory_space<vmem>> -> memref<1x72x128xf32, #tpu.memory_space<vmem>>
      %dma_start3A_407 = tpu.memref_squeeze %dma_start3A_406 : memref<1x72x128xf32, #tpu.memory_space<vmem>> -> memref<72x128xf32, #tpu.memory_space<vmem>>
      %dma_start3A_408 = tpu.memref_slice %arg7[%multiple_of3A_402] : memref<10080xi32, #tpu.memory_space<vmem>> -> memref<72xi32, #tpu.memory_space<vmem>>
      %dma_start3A_409 = arith.constant 0 : i32
      %dma_start3A_410 = arith.constant 0 : i32
      %dma_start3A_411 = tpu.memref_slice %arg2[%dma_start3A_409, %dma_start3A_410] : memref<10112x128xf32, #tpu.memory_space<hbm>> -> memref<10112x128xf32, #tpu.memory_space<hbm>>
      tpu.enqueue_indirect_dma source(%dma_start3A_411 : memref<10112x128xf32, #tpu.memory_space<hbm>>) target(%dma_start3A_407 : memref<72x128xf32, #tpu.memory_space<vmem>>) offsets(%dma_start3A_408 : memref<72xi32, #tpu.memory_space<vmem>>) semaphore(%arg11 : memref<!tpu.dma_semaphore, #tpu.memory_space<semaphore_mem>>)
      %add3A_412 = arith.constant 1 : i32
      %add3A_413 = arith.addi %add3A_328, %add3A_412 : i32
      %dma_wait3A_414 = arith.constant 3 : i32
      %dma_wait3A_415 = arith.constant 0 : i32
      %dma_wait3A_416 = arith.constant 0 : i32
      %dma_wait3A_417 = tpu.memref_slice %arg9[%dma_wait3A_414, %dma_wait3A_415, %dma_wait3A_416] : memref<4x72x128xf32, #tpu.memory_space<vmem>> -> memref<1x72x128xf32, #tpu.memory_space<vmem>>
      %dma_wait3A_418 = tpu.memref_squeeze %dma_wait3A_417 : memref<1x72x128xf32, #tpu.memory_space<vmem>> -> memref<72x128xf32, #tpu.memory_space<vmem>>
      %dma_wait3A_419 = arith.constant 0 : i32
      %dma_wait3A_420 = arith.constant 0 : i32
      %dma_wait3A_421 = tpu.memref_slice %arg2[%dma_wait3A_419, %dma_wait3A_420] : memref<10112x128xf32, #tpu.memory_space<hbm>> -> memref<72x128xf32, #tpu.memory_space<hbm>>
      %dma_wait3A_422 = arith.constant 0 : i32
      %dma_wait3A_423 = arith.constant 0 : i32
      %dma_wait3A_424 = tpu.memref_slice %arg9[%dma_wait3A_414, %dma_wait3A_422, %dma_wait3A_423] : memref<4x72x128xf32, #tpu.memory_space<vmem>> -> memref<1x72x128xf32, #tpu.memory_space<vmem>>
      %dma_wait3A_425 = tpu.memref_squeeze %dma_wait3A_424 : memref<1x72x128xf32, #tpu.memory_space<vmem>> -> memref<72x128xf32, #tpu.memory_space<vmem>>
      %dma_wait3A_426 = arith.constant 0 : i32
      %dma_wait3A_427 = arith.constant 0 : i32
      %dma_wait3A_428 = tpu.memref_slice %arg2[%dma_wait3A_426, %dma_wait3A_427] : memref<10112x128xf32, #tpu.memory_space<hbm>> -> memref<72x128xf32, #tpu.memory_space<hbm>>
      tpu.wait_dma2 semaphore(%arg11 : memref<!tpu.dma_semaphore, #tpu.memory_space<semaphore_mem>>) src(%dma_wait3A_428 : memref<72x128xf32, #tpu.memory_space<hbm>>) dst(%dma_wait3A_425 : memref<72x128xf32, #tpu.memory_space<vmem>>)
      %dma_wait3A_429 = arith.constant 0 : i32
      %dma_wait3A_430 = arith.constant 3 : i32
      %dma_wait3A_431 = arith.constant 0 : i32
      %dma_wait3A_432 = tpu.memref_slice %arg8[%dma_wait3A_430, %dma_wait3A_431] : memref<4x72xi32, #tpu.memory_space<vmem>> -> memref<1x72xi32, #tpu.memory_space<vmem>>
      %dma_wait3A_433 = tpu.memref_squeeze %dma_wait3A_432 : memref<1x72xi32, #tpu.memory_space<vmem>> -> memref<72xi32, #tpu.memory_space<vmem>>
      %dma_wait3A_434 = arith.constant 0 : i32
      %dma_wait3A_435 = tpu.memref_slice %arg4[%dma_wait3A_429, %dma_wait3A_434] : memref<4480x72xi32, #tpu.memory_space<hbm>> -> memref<1x72xi32, #tpu.memory_space<hbm>>
      %dma_wait3A_436 = tpu.memref_squeeze %dma_wait3A_435 : memref<1x72xi32, #tpu.memory_space<hbm>> -> memref<72xi32, #tpu.memory_space<hbm>>
      %dma_wait3A_437 = arith.constant 0 : i32
      %dma_wait3A_438 = tpu.memref_slice %arg8[%dma_wait3A_430, %dma_wait3A_437] : memref<4x72xi32, #tpu.memory_space<vmem>> -> memref<1x72xi32, #tpu.memory_space<vmem>>
      %dma_wait3A_439 = tpu.memref_squeeze %dma_wait3A_438 : memref<1x72xi32, #tpu.memory_space<vmem>> -> memref<72xi32, #tpu.memory_space<vmem>>
      %dma_wait3A_440 = arith.constant 0 : i32
      %dma_wait3A_441 = tpu.memref_slice %arg4[%dma_wait3A_429, %dma_wait3A_440] : memref<4480x72xi32, #tpu.memory_space<hbm>> -> memref<1x72xi32, #tpu.memory_space<hbm>>
      %dma_wait3A_442 = tpu.memref_squeeze %dma_wait3A_441 : memref<1x72xi32, #tpu.memory_space<hbm>> -> memref<72xi32, #tpu.memory_space<hbm>>
      tpu.wait_dma2 semaphore(%arg13 : memref<!tpu.dma_semaphore, #tpu.memory_space<semaphore_mem>>) src(%dma_wait3A_442 : memref<72xi32, #tpu.memory_space<hbm>>) dst(%dma_wait3A_439 : memref<72xi32, #tpu.memory_space<vmem>>)
      %dma_start3A_443 = arith.constant 3 : i32
      %dma_start3A_444 = arith.constant 3 : i32
      %dma_start3A_445 = arith.constant 0 : i32
      %dma_start3A_446 = arith.constant 0 : i32
      %dma_start3A_447 = tpu.memref_slice %arg9[%dma_start3A_443, %dma_start3A_445, %dma_start3A_446] : memref<4x72x128xf32, #tpu.memory_space<vmem>> -> memref<1x72x128xf32, #tpu.memory_space<vmem>>
      %dma_start3A_448 = tpu.memref_squeeze %dma_start3A_447 : memref<1x72x128xf32, #tpu.memory_space<vmem>> -> memref<72x128xf32, #tpu.memory_space<vmem>>
      %dma_start3A_449 = arith.constant 0 : i32
      %dma_start3A_450 = tpu.memref_slice %arg8[%dma_start3A_444, %dma_start3A_449] : memref<4x72xi32, #tpu.memory_space<vmem>> -> memref<1x72xi32, #tpu.memory_space<vmem>>
      %dma_start3A_451 = tpu.memref_squeeze %dma_start3A_450 : memref<1x72xi32, #tpu.memory_space<vmem>> -> memref<72xi32, #tpu.memory_space<vmem>>
      %dma_start3A_452 = arith.constant 0 : i32
      %dma_start3A_453 = arith.constant 0 : i32
      %dma_start3A_454 = tpu.memref_slice %arg10[%dma_start3A_452, %dma_start3A_453] : memref<10112x128xf32, #tpu.memory_space<vmem_shared>> -> memref<10112x128xf32, #tpu.memory_space<vmem_shared>>
      tpu.enqueue_indirect_dma source(%dma_start3A_448 : memref<72x128xf32, #tpu.memory_space<vmem>>) target(%dma_start3A_454 : memref<10112x128xf32, #tpu.memory_space<vmem_shared>>) offsets(%dma_start3A_451 : memref<72xi32, #tpu.memory_space<vmem>>) semaphore(%arg12 : memref<!tpu.dma_semaphore, #tpu.memory_space<semaphore_mem>>) {add = true}
      %dma_wait3A_455 = arith.constant 1 : i32
      %dma_wait3A_456 = arith.constant 0 : i32
      %dma_wait3A_457 = arith.constant 0 : i32
      %dma_wait3A_458 = arith.constant 0 : i32
      %dma_wait3A_459 = tpu.memref_slice %arg9[%dma_wait3A_455, %dma_wait3A_457, %dma_wait3A_458] : memref<4x72x128xf32, #tpu.memory_space<vmem>> -> memref<1x72x128xf32, #tpu.memory_space<vmem>>
      %dma_wait3A_460 = tpu.memref_squeeze %dma_wait3A_459 : memref<1x72x128xf32, #tpu.memory_space<vmem>> -> memref<72x128xf32, #tpu.memory_space<vmem>>
      %dma_wait3A_461 = arith.constant 0 : i32
      %dma_wait3A_462 = tpu.memref_slice %arg8[%dma_wait3A_456, %dma_wait3A_461] : memref<4x72xi32, #tpu.memory_space<vmem>> -> memref<1x72xi32, #tpu.memory_space<vmem>>
      %dma_wait3A_463 = tpu.memref_squeeze %dma_wait3A_462 : memref<1x72xi32, #tpu.memory_space<vmem>> -> memref<72xi32, #tpu.memory_space<vmem>>
      %dma_wait3A_464 = arith.constant 0 : i32
      %dma_wait3A_465 = arith.constant 0 : i32
      %dma_wait3A_466 = tpu.memref_slice %arg10[%dma_wait3A_464, %dma_wait3A_465] : memref<10112x128xf32, #tpu.memory_space<vmem_shared>> -> memref<10112x128xf32, #tpu.memory_space<vmem_shared>>
      tpu.wait_indirect_dma semaphore(%arg12 : memref<!tpu.dma_semaphore, #tpu.memory_space<semaphore_mem>>) src(%dma_wait3A_460 : memref<72x128xf32, #tpu.memory_space<vmem>>) dst(%dma_wait3A_466 : memref<10112x128xf32, #tpu.memory_space<vmem_shared>>)
      %add3A_467 = arith.constant 2 : i32
      %add3A_468 = arith.addi %add3A_413, %add3A_467 : i32
      %add3A_469 = arith.addi %mul3A_4, %add3A_468 : i32
      %dma_start3A_470 = arith.constant 1 : i32
      %dma_start3A_471 = arith.constant 0 : i32
      %dma_start3A_472 = tpu.memref_slice %arg8[%dma_start3A_470, %dma_start3A_471] : memref<4x72xi32, #tpu.memory_space<vmem>> -> memref<1x72xi32, #tpu.memory_space<vmem>>
      %dma_start3A_473 = tpu.memref_squeeze %dma_start3A_472 : memref<1x72xi32, #tpu.memory_space<vmem>> -> memref<72xi32, #tpu.memory_space<vmem>>
      %dma_start3A_474 = arith.constant 0 : i32
      %dma_start3A_475 = tpu.memref_slice %arg4[%add3A_469, %dma_start3A_474] : memref<4480x72xi32, #tpu.memory_space<hbm>> -> memref<1x72xi32, #tpu.memory_space<hbm>>
      %dma_start3A_476 = tpu.memref_squeeze %dma_start3A_475 : memref<1x72xi32, #tpu.memory_space<hbm>> -> memref<72xi32, #tpu.memory_space<hbm>>
      %dma_start3A_477 = arith.constant 0 : i32
      %dma_start3A_478 = tpu.memref_slice %arg8[%dma_start3A_470, %dma_start3A_477] : memref<4x72xi32, #tpu.memory_space<vmem>> -> memref<1x72xi32, #tpu.memory_space<vmem>>
      %dma_start3A_479 = tpu.memref_squeeze %dma_start3A_478 : memref<1x72xi32, #tpu.memory_space<vmem>> -> memref<72xi32, #tpu.memory_space<vmem>>
      %dma_start3A_480 = arith.constant 0 : i32
      %dma_start3A_481 = tpu.memref_slice %arg4[%add3A_469, %dma_start3A_480] : memref<4480x72xi32, #tpu.memory_space<hbm>> -> memref<1x72xi32, #tpu.memory_space<hbm>>
      %dma_start3A_482 = tpu.memref_squeeze %dma_start3A_481 : memref<1x72xi32, #tpu.memory_space<hbm>> -> memref<72xi32, #tpu.memory_space<hbm>>
      tpu.enqueue_dma source(%dma_start3A_482 : memref<72xi32, #tpu.memory_space<hbm>>) target(%dma_start3A_479 : memref<72xi32, #tpu.memory_space<vmem>>) target_semaphore(%arg13 : memref<!tpu.dma_semaphore, #tpu.memory_space<semaphore_mem>>)
      %add3A_483 = arith.constant 2 : i32
      %add3A_484 = arith.addi %add3A_413, %add3A_483 : i32
      %mul3A_485 = arith.constant 72 : i32
      %mul3A_486 = arith.muli %add3A_484, %mul3A_485 : i32
      %multiple_of3A_487 = tpu.assume_multiple %mul3A_486, 8 : i32
      %dma_start3A_488 = arith.constant 1 : i32
      %dma_start3A_489 = arith.constant 0 : i32
      %dma_start3A_490 = arith.constant 0 : i32
      %dma_start3A_491 = tpu.memref_slice %arg9[%dma_start3A_488, %dma_start3A_489, %dma_start3A_490] : memref<4x72x128xf32, #tpu.memory_space<vmem>> -> memref<1x72x128xf32, #tpu.memory_space<vmem>>
      %dma_start3A_492 = tpu.memref_squeeze %dma_start3A_491 : memref<1x72x128xf32, #tpu.memory_space<vmem>> -> memref<72x128xf32, #tpu.memory_space<vmem>>
      %dma_start3A_493 = tpu.memref_slice %arg7[%multiple_of3A_487] : memref<10080xi32, #tpu.memory_space<vmem>> -> memref<72xi32, #tpu.memory_space<vmem>>
      %dma_start3A_494 = arith.constant 0 : i32
      %dma_start3A_495 = arith.constant 0 : i32
      %dma_start3A_496 = tpu.memref_slice %arg2[%dma_start3A_494, %dma_start3A_495] : memref<10112x128xf32, #tpu.memory_space<hbm>> -> memref<10112x128xf32, #tpu.memory_space<hbm>>
      tpu.enqueue_indirect_dma source(%dma_start3A_496 : memref<10112x128xf32, #tpu.memory_space<hbm>>) target(%dma_start3A_492 : memref<72x128xf32, #tpu.memory_space<vmem>>) offsets(%dma_start3A_493 : memref<72xi32, #tpu.memory_space<vmem>>) semaphore(%arg11 : memref<!tpu.dma_semaphore, #tpu.memory_space<semaphore_mem>>)
      %add3A_497 = arith.constant 2 : i32
      %add3A_498 = arith.addi %add3A_328, %add3A_497 : i32
      %dma_wait3A_499 = arith.constant 0 : i32
      %dma_wait3A_500 = arith.constant 0 : i32
      %dma_wait3A_501 = arith.constant 0 : i32
      %dma_wait3A_502 = tpu.memref_slice %arg9[%dma_wait3A_499, %dma_wait3A_500, %dma_wait3A_501] : memref<4x72x128xf32, #tpu.memory_space<vmem>> -> memref<1x72x128xf32, #tpu.memory_space<vmem>>
      %dma_wait3A_503 = tpu.memref_squeeze %dma_wait3A_502 : memref<1x72x128xf32, #tpu.memory_space<vmem>> -> memref<72x128xf32, #tpu.memory_space<vmem>>
      %dma_wait3A_504 = arith.constant 0 : i32
      %dma_wait3A_505 = arith.constant 0 : i32
      %dma_wait3A_506 = tpu.memref_slice %arg2[%dma_wait3A_504, %dma_wait3A_505] : memref<10112x128xf32, #tpu.memory_space<hbm>> -> memref<72x128xf32, #tpu.memory_space<hbm>>
      %dma_wait3A_507 = arith.constant 0 : i32
      %dma_wait3A_508 = arith.constant 0 : i32
      %dma_wait3A_509 = tpu.memref_slice %arg9[%dma_wait3A_499, %dma_wait3A_507, %dma_wait3A_508] : memref<4x72x128xf32, #tpu.memory_space<vmem>> -> memref<1x72x128xf32, #tpu.memory_space<vmem>>
      %dma_wait3A_510 = tpu.memref_squeeze %dma_wait3A_509 : memref<1x72x128xf32, #tpu.memory_space<vmem>> -> memref<72x128xf32, #tpu.memory_space<vmem>>
      %dma_wait3A_511 = arith.constant 0 : i32
      %dma_wait3A_512 = arith.constant 0 : i32
      %dma_wait3A_513 = tpu.memref_slice %arg2[%dma_wait3A_511, %dma_wait3A_512] : memref<10112x128xf32, #tpu.memory_space<hbm>> -> memref<72x128xf32, #tpu.memory_space<hbm>>
      tpu.wait_dma2 semaphore(%arg11 : memref<!tpu.dma_semaphore, #tpu.memory_space<semaphore_mem>>) src(%dma_wait3A_513 : memref<72x128xf32, #tpu.memory_space<hbm>>) dst(%dma_wait3A_510 : memref<72x128xf32, #tpu.memory_space<vmem>>)
      %dma_wait3A_514 = arith.constant 0 : i32
      %dma_wait3A_515 = arith.constant 0 : i32
      %dma_wait3A_516 = arith.constant 0 : i32
      %dma_wait3A_517 = tpu.memref_slice %arg8[%dma_wait3A_515, %dma_wait3A_516] : memref<4x72xi32, #tpu.memory_space<vmem>> -> memref<1x72xi32, #tpu.memory_space<vmem>>
      %dma_wait3A_518 = tpu.memref_squeeze %dma_wait3A_517 : memref<1x72xi32, #tpu.memory_space<vmem>> -> memref<72xi32, #tpu.memory_space<vmem>>
      %dma_wait3A_519 = arith.constant 0 : i32
      %dma_wait3A_520 = tpu.memref_slice %arg4[%dma_wait3A_514, %dma_wait3A_519] : memref<4480x72xi32, #tpu.memory_space<hbm>> -> memref<1x72xi32, #tpu.memory_space<hbm>>
      %dma_wait3A_521 = tpu.memref_squeeze %dma_wait3A_520 : memref<1x72xi32, #tpu.memory_space<hbm>> -> memref<72xi32, #tpu.memory_space<hbm>>
      %dma_wait3A_522 = arith.constant 0 : i32
      %dma_wait3A_523 = tpu.memref_slice %arg8[%dma_wait3A_515, %dma_wait3A_522] : memref<4x72xi32, #tpu.memory_space<vmem>> -> memref<1x72xi32, #tpu.memory_space<vmem>>
      %dma_wait3A_524 = tpu.memref_squeeze %dma_wait3A_523 : memref<1x72xi32, #tpu.memory_space<vmem>> -> memref<72xi32, #tpu.memory_space<vmem>>
      %dma_wait3A_525 = arith.constant 0 : i32
      %dma_wait3A_526 = tpu.memref_slice %arg4[%dma_wait3A_514, %dma_wait3A_525] : memref<4480x72xi32, #tpu.memory_space<hbm>> -> memref<1x72xi32, #tpu.memory_space<hbm>>
      %dma_wait3A_527 = tpu.memref_squeeze %dma_wait3A_526 : memref<1x72xi32, #tpu.memory_space<hbm>> -> memref<72xi32, #tpu.memory_space<hbm>>
      tpu.wait_dma2 semaphore(%arg13 : memref<!tpu.dma_semaphore, #tpu.memory_space<semaphore_mem>>) src(%dma_wait3A_527 : memref<72xi32, #tpu.memory_space<hbm>>) dst(%dma_wait3A_524 : memref<72xi32, #tpu.memory_space<vmem>>)
      %dma_start3A_528 = arith.constant 0 : i32
      %dma_start3A_529 = arith.constant 0 : i32
      %dma_start3A_530 = arith.constant 0 : i32
      %dma_start3A_531 = arith.constant 0 : i32
      %dma_start3A_532 = tpu.memref_slice %arg9[%dma_start3A_528, %dma_start3A_530, %dma_start3A_531] : memref<4x72x128xf32, #tpu.memory_space<vmem>> -> memref<1x72x128xf32, #tpu.memory_space<vmem>>
      %dma_start3A_533 = tpu.memref_squeeze %dma_start3A_532 : memref<1x72x128xf32, #tpu.memory_space<vmem>> -> memref<72x128xf32, #tpu.memory_space<vmem>>
      %dma_start3A_534 = arith.constant 0 : i32
      %dma_start3A_535 = tpu.memref_slice %arg8[%dma_start3A_529, %dma_start3A_534] : memref<4x72xi32, #tpu.memory_space<vmem>> -> memref<1x72xi32, #tpu.memory_space<vmem>>
      %dma_start3A_536 = tpu.memref_squeeze %dma_start3A_535 : memref<1x72xi32, #tpu.memory_space<vmem>> -> memref<72xi32, #tpu.memory_space<vmem>>
      %dma_start3A_537 = arith.constant 0 : i32
      %dma_start3A_538 = arith.constant 0 : i32
      %dma_start3A_539 = tpu.memref_slice %arg10[%dma_start3A_537, %dma_start3A_538] : memref<10112x128xf32, #tpu.memory_space<vmem_shared>> -> memref<10112x128xf32, #tpu.memory_space<vmem_shared>>
      tpu.enqueue_indirect_dma source(%dma_start3A_533 : memref<72x128xf32, #tpu.memory_space<vmem>>) target(%dma_start3A_539 : memref<10112x128xf32, #tpu.memory_space<vmem_shared>>) offsets(%dma_start3A_536 : memref<72xi32, #tpu.memory_space<vmem>>) semaphore(%arg12 : memref<!tpu.dma_semaphore, #tpu.memory_space<semaphore_mem>>) {add = true}
      %dma_wait3A_540 = arith.constant 2 : i32
      %dma_wait3A_541 = arith.constant 0 : i32
      %dma_wait3A_542 = arith.constant 0 : i32
      %dma_wait3A_543 = arith.constant 0 : i32
      %dma_wait3A_544 = tpu.memref_slice %arg9[%dma_wait3A_540, %dma_wait3A_542, %dma_wait3A_543] : memref<4x72x128xf32, #tpu.memory_space<vmem>> -> memref<1x72x128xf32, #tpu.memory_space<vmem>>
      %dma_wait3A_545 = tpu.memref_squeeze %dma_wait3A_544 : memref<1x72x128xf32, #tpu.memory_space<vmem>> -> memref<72x128xf32, #tpu.memory_space<vmem>>
      %dma_wait3A_546 = arith.constant 0 : i32
      %dma_wait3A_547 = tpu.memref_slice %arg8[%dma_wait3A_541, %dma_wait3A_546] : memref<4x72xi32, #tpu.memory_space<vmem>> -> memref<1x72xi32, #tpu.memory_space<vmem>>
      %dma_wait3A_548 = tpu.memref_squeeze %dma_wait3A_547 : memref<1x72xi32, #tpu.memory_space<vmem>> -> memref<72xi32, #tpu.memory_space<vmem>>
      %dma_wait3A_549 = arith.constant 0 : i32
      %dma_wait3A_550 = arith.constant 0 : i32
      %dma_wait3A_551 = tpu.memref_slice %arg10[%dma_wait3A_549, %dma_wait3A_550] : memref<10112x128xf32, #tpu.memory_space<vmem_shared>> -> memref<10112x128xf32, #tpu.memory_space<vmem_shared>>
      tpu.wait_indirect_dma semaphore(%arg12 : memref<!tpu.dma_semaphore, #tpu.memory_space<semaphore_mem>>) src(%dma_wait3A_545 : memref<72x128xf32, #tpu.memory_space<vmem>>) dst(%dma_wait3A_551 : memref<10112x128xf32, #tpu.memory_space<vmem_shared>>)
      %add3A_552 = arith.constant 2 : i32
      %add3A_553 = arith.addi %add3A_498, %add3A_552 : i32
      %add3A_554 = arith.addi %mul3A_4, %add3A_553 : i32
      %dma_start3A_555 = arith.constant 2 : i32
      %dma_start3A_556 = arith.constant 0 : i32
      %dma_start3A_557 = tpu.memref_slice %arg8[%dma_start3A_555, %dma_start3A_556] : memref<4x72xi32, #tpu.memory_space<vmem>> -> memref<1x72xi32, #tpu.memory_space<vmem>>
      %dma_start3A_558 = tpu.memref_squeeze %dma_start3A_557 : memref<1x72xi32, #tpu.memory_space<vmem>> -> memref<72xi32, #tpu.memory_space<vmem>>
      %dma_start3A_559 = arith.constant 0 : i32
      %dma_start3A_560 = tpu.memref_slice %arg4[%add3A_554, %dma_start3A_559] : memref<4480x72xi32, #tpu.memory_space<hbm>> -> memref<1x72xi32, #tpu.memory_space<hbm>>
      %dma_start3A_561 = tpu.memref_squeeze %dma_start3A_560 : memref<1x72xi32, #tpu.memory_space<hbm>> -> memref<72xi32, #tpu.memory_space<hbm>>
      %dma_start3A_562 = arith.constant 0 : i32
      %dma_start3A_563 = tpu.memref_slice %arg8[%dma_start3A_555, %dma_start3A_562] : memref<4x72xi32, #tpu.memory_space<vmem>> -> memref<1x72xi32, #tpu.memory_space<vmem>>
      %dma_start3A_564 = tpu.memref_squeeze %dma_start3A_563 : memref<1x72xi32, #tpu.memory_space<vmem>> -> memref<72xi32, #tpu.memory_space<vmem>>
      %dma_start3A_565 = arith.constant 0 : i32
      %dma_start3A_566 = tpu.memref_slice %arg4[%add3A_554, %dma_start3A_565] : memref<4480x72xi32, #tpu.memory_space<hbm>> -> memref<1x72xi32, #tpu.memory_space<hbm>>
      %dma_start3A_567 = tpu.memref_squeeze %dma_start3A_566 : memref<1x72xi32, #tpu.memory_space<hbm>> -> memref<72xi32, #tpu.memory_space<hbm>>
      tpu.enqueue_dma source(%dma_start3A_567 : memref<72xi32, #tpu.memory_space<hbm>>) target(%dma_start3A_564 : memref<72xi32, #tpu.memory_space<vmem>>) target_semaphore(%arg13 : memref<!tpu.dma_semaphore, #tpu.memory_space<semaphore_mem>>)
      %add3A_568 = arith.constant 2 : i32
      %add3A_569 = arith.addi %add3A_498, %add3A_568 : i32
      %mul3A_570 = arith.constant 72 : i32
      %mul3A_571 = arith.muli %add3A_569, %mul3A_570 : i32
      %multiple_of3A_572 = tpu.assume_multiple %mul3A_571, 8 : i32
      %dma_start3A_573 = arith.constant 2 : i32
      %dma_start3A_574 = arith.constant 0 : i32
      %dma_start3A_575 = arith.constant 0 : i32
      %dma_start3A_576 = tpu.memref_slice %arg9[%dma_start3A_573, %dma_start3A_574, %dma_start3A_575] : memref<4x72x128xf32, #tpu.memory_space<vmem>> -> memref<1x72x128xf32, #tpu.memory_space<vmem>>
      %dma_start3A_577 = tpu.memref_squeeze %dma_start3A_576 : memref<1x72x128xf32, #tpu.memory_space<vmem>> -> memref<72x128xf32, #tpu.memory_space<vmem>>
      %dma_start3A_578 = tpu.memref_slice %arg7[%multiple_of3A_572] : memref<10080xi32, #tpu.memory_space<vmem>> -> memref<72xi32, #tpu.memory_space<vmem>>
      %dma_start3A_579 = arith.constant 0 : i32
      %dma_start3A_580 = arith.constant 0 : i32
      %dma_start3A_581 = tpu.memref_slice %arg2[%dma_start3A_579, %dma_start3A_580] : memref<10112x128xf32, #tpu.memory_space<hbm>> -> memref<10112x128xf32, #tpu.memory_space<hbm>>
      tpu.enqueue_indirect_dma source(%dma_start3A_581 : memref<10112x128xf32, #tpu.memory_space<hbm>>) target(%dma_start3A_577 : memref<72x128xf32, #tpu.memory_space<vmem>>) offsets(%dma_start3A_578 : memref<72xi32, #tpu.memory_space<vmem>>) semaphore(%arg11 : memref<!tpu.dma_semaphore, #tpu.memory_space<semaphore_mem>>)
      %add3A_582 = arith.constant 3 : i32
      %add3A_583 = arith.addi %add3A_328, %add3A_582 : i32
      %dma_wait3A_584 = arith.constant 1 : i32
      %dma_wait3A_585 = arith.constant 0 : i32
      %dma_wait3A_586 = arith.constant 0 : i32
      %dma_wait3A_587 = tpu.memref_slice %arg9[%dma_wait3A_584, %dma_wait3A_585, %dma_wait3A_586] : memref<4x72x128xf32, #tpu.memory_space<vmem>> -> memref<1x72x128xf32, #tpu.memory_space<vmem>>
      %dma_wait3A_588 = tpu.memref_squeeze %dma_wait3A_587 : memref<1x72x128xf32, #tpu.memory_space<vmem>> -> memref<72x128xf32, #tpu.memory_space<vmem>>
      %dma_wait3A_589 = arith.constant 0 : i32
      %dma_wait3A_590 = arith.constant 0 : i32
      %dma_wait3A_591 = tpu.memref_slice %arg2[%dma_wait3A_589, %dma_wait3A_590] : memref<10112x128xf32, #tpu.memory_space<hbm>> -> memref<72x128xf32, #tpu.memory_space<hbm>>
      %dma_wait3A_592 = arith.constant 0 : i32
      %dma_wait3A_593 = arith.constant 0 : i32
      %dma_wait3A_594 = tpu.memref_slice %arg9[%dma_wait3A_584, %dma_wait3A_592, %dma_wait3A_593] : memref<4x72x128xf32, #tpu.memory_space<vmem>> -> memref<1x72x128xf32, #tpu.memory_space<vmem>>
      %dma_wait3A_595 = tpu.memref_squeeze %dma_wait3A_594 : memref<1x72x128xf32, #tpu.memory_space<vmem>> -> memref<72x128xf32, #tpu.memory_space<vmem>>
      %dma_wait3A_596 = arith.constant 0 : i32
      %dma_wait3A_597 = arith.constant 0 : i32
      %dma_wait3A_598 = tpu.memref_slice %arg2[%dma_wait3A_596, %dma_wait3A_597] : memref<10112x128xf32, #tpu.memory_space<hbm>> -> memref<72x128xf32, #tpu.memory_space<hbm>>
      tpu.wait_dma2 semaphore(%arg11 : memref<!tpu.dma_semaphore, #tpu.memory_space<semaphore_mem>>) src(%dma_wait3A_598 : memref<72x128xf32, #tpu.memory_space<hbm>>) dst(%dma_wait3A_595 : memref<72x128xf32, #tpu.memory_space<vmem>>)
      %dma_wait3A_599 = arith.constant 0 : i32
      %dma_wait3A_600 = arith.constant 1 : i32
      %dma_wait3A_601 = arith.constant 0 : i32
      %dma_wait3A_602 = tpu.memref_slice %arg8[%dma_wait3A_600, %dma_wait3A_601] : memref<4x72xi32, #tpu.memory_space<vmem>> -> memref<1x72xi32, #tpu.memory_space<vmem>>
      %dma_wait3A_603 = tpu.memref_squeeze %dma_wait3A_602 : memref<1x72xi32, #tpu.memory_space<vmem>> -> memref<72xi32, #tpu.memory_space<vmem>>
      %dma_wait3A_604 = arith.constant 0 : i32
      %dma_wait3A_605 = tpu.memref_slice %arg4[%dma_wait3A_599, %dma_wait3A_604] : memref<4480x72xi32, #tpu.memory_space<hbm>> -> memref<1x72xi32, #tpu.memory_space<hbm>>
      %dma_wait3A_606 = tpu.memref_squeeze %dma_wait3A_605 : memref<1x72xi32, #tpu.memory_space<hbm>> -> memref<72xi32, #tpu.memory_space<hbm>>
      %dma_wait3A_607 = arith.constant 0 : i32
      %dma_wait3A_608 = tpu.memref_slice %arg8[%dma_wait3A_600, %dma_wait3A_607] : memref<4x72xi32, #tpu.memory_space<vmem>> -> memref<1x72xi32, #tpu.memory_space<vmem>>
      %dma_wait3A_609 = tpu.memref_squeeze %dma_wait3A_608 : memref<1x72xi32, #tpu.memory_space<vmem>> -> memref<72xi32, #tpu.memory_space<vmem>>
      %dma_wait3A_610 = arith.constant 0 : i32
      %dma_wait3A_611 = tpu.memref_slice %arg4[%dma_wait3A_599, %dma_wait3A_610] : memref<4480x72xi32, #tpu.memory_space<hbm>> -> memref<1x72xi32, #tpu.memory_space<hbm>>
      %dma_wait3A_612 = tpu.memref_squeeze %dma_wait3A_611 : memref<1x72xi32, #tpu.memory_space<hbm>> -> memref<72xi32, #tpu.memory_space<hbm>>
      tpu.wait_dma2 semaphore(%arg13 : memref<!tpu.dma_semaphore, #tpu.memory_space<semaphore_mem>>) src(%dma_wait3A_612 : memref<72xi32, #tpu.memory_space<hbm>>) dst(%dma_wait3A_609 : memref<72xi32, #tpu.memory_space<vmem>>)
      %dma_start3A_613 = arith.constant 1 : i32
      %dma_start3A_614 = arith.constant 1 : i32
      %dma_start3A_615 = arith.constant 0 : i32
      %dma_start3A_616 = arith.constant 0 : i32
      %dma_start3A_617 = tpu.memref_slice %arg9[%dma_start3A_613, %dma_start3A_615, %dma_start3A_616] : memref<4x72x128xf32, #tpu.memory_space<vmem>> -> memref<1x72x128xf32, #tpu.memory_space<vmem>>
      %dma_start3A_618 = tpu.memref_squeeze %dma_start3A_617 : memref<1x72x128xf32, #tpu.memory_space<vmem>> -> memref<72x128xf32, #tpu.memory_space<vmem>>
      %dma_start3A_619 = arith.constant 0 : i32
      %dma_start3A_620 = tpu.memref_slice %arg8[%dma_start3A_614, %dma_start3A_619] : memref<4x72xi32, #tpu.memory_space<vmem>> -> memref<1x72xi32, #tpu.memory_space<vmem>>
      %dma_start3A_621 = tpu.memref_squeeze %dma_start3A_620 : memref<1x72xi32, #tpu.memory_space<vmem>> -> memref<72xi32, #tpu.memory_space<vmem>>
      %dma_start3A_622 = arith.constant 0 : i32
      %dma_start3A_623 = arith.constant 0 : i32
      %dma_start3A_624 = tpu.memref_slice %arg10[%dma_start3A_622, %dma_start3A_623] : memref<10112x128xf32, #tpu.memory_space<vmem_shared>> -> memref<10112x128xf32, #tpu.memory_space<vmem_shared>>
      tpu.enqueue_indirect_dma source(%dma_start3A_618 : memref<72x128xf32, #tpu.memory_space<vmem>>) target(%dma_start3A_624 : memref<10112x128xf32, #tpu.memory_space<vmem_shared>>) offsets(%dma_start3A_621 : memref<72xi32, #tpu.memory_space<vmem>>) semaphore(%arg12 : memref<!tpu.dma_semaphore, #tpu.memory_space<semaphore_mem>>) {add = true}
      %dma_wait3A_625 = arith.constant 3 : i32
      %dma_wait3A_626 = arith.constant 0 : i32
      %dma_wait3A_627 = arith.constant 0 : i32
      %dma_wait3A_628 = arith.constant 0 : i32
      %dma_wait3A_629 = tpu.memref_slice %arg9[%dma_wait3A_625, %dma_wait3A_627, %dma_wait3A_628] : memref<4x72x128xf32, #tpu.memory_space<vmem>> -> memref<1x72x128xf32, #tpu.memory_space<vmem>>
      %dma_wait3A_630 = tpu.memref_squeeze %dma_wait3A_629 : memref<1x72x128xf32, #tpu.memory_space<vmem>> -> memref<72x128xf32, #tpu.memory_space<vmem>>
      %dma_wait3A_631 = arith.constant 0 : i32
      %dma_wait3A_632 = tpu.memref_slice %arg8[%dma_wait3A_626, %dma_wait3A_631] : memref<4x72xi32, #tpu.memory_space<vmem>> -> memref<1x72xi32, #tpu.memory_space<vmem>>
      %dma_wait3A_633 = tpu.memref_squeeze %dma_wait3A_632 : memref<1x72xi32, #tpu.memory_space<vmem>> -> memref<72xi32, #tpu.memory_space<vmem>>
      %dma_wait3A_634 = arith.constant 0 : i32
      %dma_wait3A_635 = arith.constant 0 : i32
      %dma_wait3A_636 = tpu.memref_slice %arg10[%dma_wait3A_634, %dma_wait3A_635] : memref<10112x128xf32, #tpu.memory_space<vmem_shared>> -> memref<10112x128xf32, #tpu.memory_space<vmem_shared>>
      tpu.wait_indirect_dma semaphore(%arg12 : memref<!tpu.dma_semaphore, #tpu.memory_space<semaphore_mem>>) src(%dma_wait3A_630 : memref<72x128xf32, #tpu.memory_space<vmem>>) dst(%dma_wait3A_636 : memref<10112x128xf32, #tpu.memory_space<vmem_shared>>)
      %add3A_637 = arith.constant 2 : i32
      %add3A_638 = arith.addi %add3A_583, %add3A_637 : i32
      %add3A_639 = arith.addi %mul3A_4, %add3A_638 : i32
      %dma_start3A_640 = arith.constant 3 : i32
      %dma_start3A_641 = arith.constant 0 : i32
      %dma_start3A_642 = tpu.memref_slice %arg8[%dma_start3A_640, %dma_start3A_641] : memref<4x72xi32, #tpu.memory_space<vmem>> -> memref<1x72xi32, #tpu.memory_space<vmem>>
      %dma_start3A_643 = tpu.memref_squeeze %dma_start3A_642 : memref<1x72xi32, #tpu.memory_space<vmem>> -> memref<72xi32, #tpu.memory_space<vmem>>
      %dma_start3A_644 = arith.constant 0 : i32
      %dma_start3A_645 = tpu.memref_slice %arg4[%add3A_639, %dma_start3A_644] : memref<4480x72xi32, #tpu.memory_space<hbm>> -> memref<1x72xi32, #tpu.memory_space<hbm>>
      %dma_start3A_646 = tpu.memref_squeeze %dma_start3A_645 : memref<1x72xi32, #tpu.memory_space<hbm>> -> memref<72xi32, #tpu.memory_space<hbm>>
      %dma_start3A_647 = arith.constant 0 : i32
      %dma_start3A_648 = tpu.memref_slice %arg8[%dma_start3A_640, %dma_start3A_647] : memref<4x72xi32, #tpu.memory_space<vmem>> -> memref<1x72xi32, #tpu.memory_space<vmem>>
      %dma_start3A_649 = tpu.memref_squeeze %dma_start3A_648 : memref<1x72xi32, #tpu.memory_space<vmem>> -> memref<72xi32, #tpu.memory_space<vmem>>
      %dma_start3A_650 = arith.constant 0 : i32
      %dma_start3A_651 = tpu.memref_slice %arg4[%add3A_639, %dma_start3A_650] : memref<4480x72xi32, #tpu.memory_space<hbm>> -> memref<1x72xi32, #tpu.memory_space<hbm>>
      %dma_start3A_652 = tpu.memref_squeeze %dma_start3A_651 : memref<1x72xi32, #tpu.memory_space<hbm>> -> memref<72xi32, #tpu.memory_space<hbm>>
      tpu.enqueue_dma source(%dma_start3A_652 : memref<72xi32, #tpu.memory_space<hbm>>) target(%dma_start3A_649 : memref<72xi32, #tpu.memory_space<vmem>>) target_semaphore(%arg13 : memref<!tpu.dma_semaphore, #tpu.memory_space<semaphore_mem>>)
      %add3A_653 = arith.constant 2 : i32
      %add3A_654 = arith.addi %add3A_583, %add3A_653 : i32
      %mul3A_655 = arith.constant 72 : i32
      %mul3A_656 = arith.muli %add3A_654, %mul3A_655 : i32
      %multiple_of3A_657 = tpu.assume_multiple %mul3A_656, 8 : i32
      %dma_start3A_658 = arith.constant 3 : i32
      %dma_start3A_659 = arith.constant 0 : i32
      %dma_start3A_660 = arith.constant 0 : i32
      %dma_start3A_661 = tpu.memref_slice %arg9[%dma_start3A_658, %dma_start3A_659, %dma_start3A_660] : memref<4x72x128xf32, #tpu.memory_space<vmem>> -> memref<1x72x128xf32, #tpu.memory_space<vmem>>
      %dma_start3A_662 = tpu.memref_squeeze %dma_start3A_661 : memref<1x72x128xf32, #tpu.memory_space<vmem>> -> memref<72x128xf32, #tpu.memory_space<vmem>>
      %dma_start3A_663 = tpu.memref_slice %arg7[%multiple_of3A_657] : memref<10080xi32, #tpu.memory_space<vmem>> -> memref<72xi32, #tpu.memory_space<vmem>>
      %dma_start3A_664 = arith.constant 0 : i32
      %dma_start3A_665 = arith.constant 0 : i32
      %dma_start3A_666 = tpu.memref_slice %arg2[%dma_start3A_664, %dma_start3A_665] : memref<10112x128xf32, #tpu.memory_space<hbm>> -> memref<10112x128xf32, #tpu.memory_space<hbm>>
      tpu.enqueue_indirect_dma source(%dma_start3A_666 : memref<10112x128xf32, #tpu.memory_space<hbm>>) target(%dma_start3A_662 : memref<72x128xf32, #tpu.memory_space<vmem>>) offsets(%dma_start3A_663 : memref<72xi32, #tpu.memory_space<vmem>>) semaphore(%arg11 : memref<!tpu.dma_semaphore, #tpu.memory_space<semaphore_mem>>)
    }
    %scan3A_192 = arith.constant 34 : i32
    %dma_wait3A_193 = arith.constant 2 : i32
    %dma_wait3A_194 = arith.constant 0 : i32
    %dma_wait3A_195 = arith.constant 0 : i32
    %dma_wait3A_196 = tpu.memref_slice %arg9[%dma_wait3A_193, %dma_wait3A_194, %dma_wait3A_195] : memref<4x72x128xf32, #tpu.memory_space<vmem>> -> memref<1x72x128xf32, #tpu.memory_space<vmem>>
    %dma_wait3A_197 = tpu.memref_squeeze %dma_wait3A_196 : memref<1x72x128xf32, #tpu.memory_space<vmem>> -> memref<72x128xf32, #tpu.memory_space<vmem>>
    %dma_wait3A_198 = arith.constant 0 : i32
    %dma_wait3A_199 = arith.constant 0 : i32
    %dma_wait3A_200 = tpu.memref_slice %arg2[%dma_wait3A_198, %dma_wait3A_199] : memref<10112x128xf32, #tpu.memory_space<hbm>> -> memref<72x128xf32, #tpu.memory_space<hbm>>
    %dma_wait3A_201 = arith.constant 0 : i32
    %dma_wait3A_202 = arith.constant 0 : i32
    %dma_wait3A_203 = tpu.memref_slice %arg9[%dma_wait3A_193, %dma_wait3A_201, %dma_wait3A_202] : memref<4x72x128xf32, #tpu.memory_space<vmem>> -> memref<1x72x128xf32, #tpu.memory_space<vmem>>
    %dma_wait3A_204 = tpu.memref_squeeze %dma_wait3A_203 : memref<1x72x128xf32, #tpu.memory_space<vmem>> -> memref<72x128xf32, #tpu.memory_space<vmem>>
    %dma_wait3A_205 = arith.constant 0 : i32
    %dma_wait3A_206 = arith.constant 0 : i32
    %dma_wait3A_207 = tpu.memref_slice %arg2[%dma_wait3A_205, %dma_wait3A_206] : memref<10112x128xf32, #tpu.memory_space<hbm>> -> memref<72x128xf32, #tpu.memory_space<hbm>>
    tpu.wait_dma2 semaphore(%arg11 : memref<!tpu.dma_semaphore, #tpu.memory_space<semaphore_mem>>) src(%dma_wait3A_207 : memref<72x128xf32, #tpu.memory_space<hbm>>) dst(%dma_wait3A_204 : memref<72x128xf32, #tpu.memory_space<vmem>>)
    %dma_wait3A_208 = arith.constant 0 : i32
    %dma_wait3A_209 = arith.constant 2 : i32
    %dma_wait3A_210 = arith.constant 0 : i32
    %dma_wait3A_211 = tpu.memref_slice %arg8[%dma_wait3A_209, %dma_wait3A_210] : memref<4x72xi32, #tpu.memory_space<vmem>> -> memref<1x72xi32, #tpu.memory_space<vmem>>
    %dma_wait3A_212 = tpu.memref_squeeze %dma_wait3A_211 : memref<1x72xi32, #tpu.memory_space<vmem>> -> memref<72xi32, #tpu.memory_space<vmem>>
    %dma_wait3A_213 = arith.constant 0 : i32
    %dma_wait3A_214 = tpu.memref_slice %arg4[%dma_wait3A_208, %dma_wait3A_213] : memref<4480x72xi32, #tpu.memory_space<hbm>> -> memref<1x72xi32, #tpu.memory_space<hbm>>
    %dma_wait3A_215 = tpu.memref_squeeze %dma_wait3A_214 : memref<1x72xi32, #tpu.memory_space<hbm>> -> memref<72xi32, #tpu.memory_space<hbm>>
    %dma_wait3A_216 = arith.constant 0 : i32
    %dma_wait3A_217 = tpu.memref_slice %arg8[%dma_wait3A_209, %dma_wait3A_216] : memref<4x72xi32, #tpu.memory_space<vmem>> -> memref<1x72xi32, #tpu.memory_space<vmem>>
    %dma_wait3A_218 = tpu.memref_squeeze %dma_wait3A_217 : memref<1x72xi32, #tpu.memory_space<vmem>> -> memref<72xi32, #tpu.memory_space<vmem>>
    %dma_wait3A_219 = arith.constant 0 : i32
    %dma_wait3A_220 = tpu.memref_slice %arg4[%dma_wait3A_208, %dma_wait3A_219] : memref<4480x72xi32, #tpu.memory_space<hbm>> -> memref<1x72xi32, #tpu.memory_space<hbm>>
    %dma_wait3A_221 = tpu.memref_squeeze %dma_wait3A_220 : memref<1x72xi32, #tpu.memory_space<hbm>> -> memref<72xi32, #tpu.memory_space<hbm>>
    tpu.wait_dma2 semaphore(%arg13 : memref<!tpu.dma_semaphore, #tpu.memory_space<semaphore_mem>>) src(%dma_wait3A_221 : memref<72xi32, #tpu.memory_space<hbm>>) dst(%dma_wait3A_218 : memref<72xi32, #tpu.memory_space<vmem>>)
    %dma_start3A_222 = arith.constant 2 : i32
    %dma_start3A_223 = arith.constant 2 : i32
    %dma_start3A_224 = arith.constant 0 : i32
    %dma_start3A_225 = arith.constant 0 : i32
    %dma_start3A_226 = tpu.memref_slice %arg9[%dma_start3A_222, %dma_start3A_224, %dma_start3A_225] : memref<4x72x128xf32, #tpu.memory_space<vmem>> -> memref<1x72x128xf32, #tpu.memory_space<vmem>>
    %dma_start3A_227 = tpu.memref_squeeze %dma_start3A_226 : memref<1x72x128xf32, #tpu.memory_space<vmem>> -> memref<72x128xf32, #tpu.memory_space<vmem>>
    %dma_start3A_228 = arith.constant 0 : i32
    %dma_start3A_229 = tpu.memref_slice %arg8[%dma_start3A_223, %dma_start3A_228] : memref<4x72xi32, #tpu.memory_space<vmem>> -> memref<1x72xi32, #tpu.memory_space<vmem>>
    %dma_start3A_230 = tpu.memref_squeeze %dma_start3A_229 : memref<1x72xi32, #tpu.memory_space<vmem>> -> memref<72xi32, #tpu.memory_space<vmem>>
    %dma_start3A_231 = arith.constant 0 : i32
    %dma_start3A_232 = arith.constant 0 : i32
    %dma_start3A_233 = tpu.memref_slice %arg10[%dma_start3A_231, %dma_start3A_232] : memref<10112x128xf32, #tpu.memory_space<vmem_shared>> -> memref<10112x128xf32, #tpu.memory_space<vmem_shared>>
    tpu.enqueue_indirect_dma source(%dma_start3A_227 : memref<72x128xf32, #tpu.memory_space<vmem>>) target(%dma_start3A_233 : memref<10112x128xf32, #tpu.memory_space<vmem_shared>>) offsets(%dma_start3A_230 : memref<72xi32, #tpu.memory_space<vmem>>) semaphore(%arg12 : memref<!tpu.dma_semaphore, #tpu.memory_space<semaphore_mem>>) {add = true}
    %dma_wait3A_234 = arith.constant 3 : i32
    %dma_wait3A_235 = arith.constant 0 : i32
    %dma_wait3A_236 = arith.constant 0 : i32
    %dma_wait3A_237 = tpu.memref_slice %arg9[%dma_wait3A_234, %dma_wait3A_235, %dma_wait3A_236] : memref<4x72x128xf32, #tpu.memory_space<vmem>> -> memref<1x72x128xf32, #tpu.memory_space<vmem>>
    %dma_wait3A_238 = tpu.memref_squeeze %dma_wait3A_237 : memref<1x72x128xf32, #tpu.memory_space<vmem>> -> memref<72x128xf32, #tpu.memory_space<vmem>>
    %dma_wait3A_239 = arith.constant 0 : i32
    %dma_wait3A_240 = arith.constant 0 : i32
    %dma_wait3A_241 = tpu.memref_slice %arg2[%dma_wait3A_239, %dma_wait3A_240] : memref<10112x128xf32, #tpu.memory_space<hbm>> -> memref<72x128xf32, #tpu.memory_space<hbm>>
    %dma_wait3A_242 = arith.constant 0 : i32
    %dma_wait3A_243 = arith.constant 0 : i32
    %dma_wait3A_244 = tpu.memref_slice %arg9[%dma_wait3A_234, %dma_wait3A_242, %dma_wait3A_243] : memref<4x72x128xf32, #tpu.memory_space<vmem>> -> memref<1x72x128xf32, #tpu.memory_space<vmem>>
    %dma_wait3A_245 = tpu.memref_squeeze %dma_wait3A_244 : memref<1x72x128xf32, #tpu.memory_space<vmem>> -> memref<72x128xf32, #tpu.memory_space<vmem>>
    %dma_wait3A_246 = arith.constant 0 : i32
    %dma_wait3A_247 = arith.constant 0 : i32
    %dma_wait3A_248 = tpu.memref_slice %arg2[%dma_wait3A_246, %dma_wait3A_247] : memref<10112x128xf32, #tpu.memory_space<hbm>> -> memref<72x128xf32, #tpu.memory_space<hbm>>
    tpu.wait_dma2 semaphore(%arg11 : memref<!tpu.dma_semaphore, #tpu.memory_space<semaphore_mem>>) src(%dma_wait3A_248 : memref<72x128xf32, #tpu.memory_space<hbm>>) dst(%dma_wait3A_245 : memref<72x128xf32, #tpu.memory_space<vmem>>)
    %dma_wait3A_249 = arith.constant 0 : i32
    %dma_wait3A_250 = arith.constant 3 : i32
    %dma_wait3A_251 = arith.constant 0 : i32
    %dma_wait3A_252 = tpu.memref_slice %arg8[%dma_wait3A_250, %dma_wait3A_251] : memref<4x72xi32, #tpu.memory_space<vmem>> -> memref<1x72xi32, #tpu.memory_space<vmem>>
    %dma_wait3A_253 = tpu.memref_squeeze %dma_wait3A_252 : memref<1x72xi32, #tpu.memory_space<vmem>> -> memref<72xi32, #tpu.memory_space<vmem>>
    %dma_wait3A_254 = arith.constant 0 : i32
    %dma_wait3A_255 = tpu.memref_slice %arg4[%dma_wait3A_249, %dma_wait3A_254] : memref<4480x72xi32, #tpu.memory_space<hbm>> -> memref<1x72xi32, #tpu.memory_space<hbm>>
    %dma_wait3A_256 = tpu.memref_squeeze %dma_wait3A_255 : memref<1x72xi32, #tpu.memory_space<hbm>> -> memref<72xi32, #tpu.memory_space<hbm>>
    %dma_wait3A_257 = arith.constant 0 : i32
    %dma_wait3A_258 = tpu.memref_slice %arg8[%dma_wait3A_250, %dma_wait3A_257] : memref<4x72xi32, #tpu.memory_space<vmem>> -> memref<1x72xi32, #tpu.memory_space<vmem>>
    %dma_wait3A_259 = tpu.memref_squeeze %dma_wait3A_258 : memref<1x72xi32, #tpu.memory_space<vmem>> -> memref<72xi32, #tpu.memory_space<vmem>>
    %dma_wait3A_260 = arith.constant 0 : i32
    %dma_wait3A_261 = tpu.memref_slice %arg4[%dma_wait3A_249, %dma_wait3A_260] : memref<4480x72xi32, #tpu.memory_space<hbm>> -> memref<1x72xi32, #tpu.memory_space<hbm>>
    %dma_wait3A_262 = tpu.memref_squeeze %dma_wait3A_261 : memref<1x72xi32, #tpu.memory_space<hbm>> -> memref<72xi32, #tpu.memory_space<hbm>>
    tpu.wait_dma2 semaphore(%arg13 : memref<!tpu.dma_semaphore, #tpu.memory_space<semaphore_mem>>) src(%dma_wait3A_262 : memref<72xi32, #tpu.memory_space<hbm>>) dst(%dma_wait3A_259 : memref<72xi32, #tpu.memory_space<vmem>>)
    %dma_start3A_263 = arith.constant 3 : i32
    %dma_start3A_264 = arith.constant 3 : i32
    %dma_start3A_265 = arith.constant 0 : i32
    %dma_start3A_266 = arith.constant 0 : i32
    %dma_start3A_267 = tpu.memref_slice %arg9[%dma_start3A_263, %dma_start3A_265, %dma_start3A_266] : memref<4x72x128xf32, #tpu.memory_space<vmem>> -> memref<1x72x128xf32, #tpu.memory_space<vmem>>
    %dma_start3A_268 = tpu.memref_squeeze %dma_start3A_267 : memref<1x72x128xf32, #tpu.memory_space<vmem>> -> memref<72x128xf32, #tpu.memory_space<vmem>>
    %dma_start3A_269 = arith.constant 0 : i32
    %dma_start3A_270 = tpu.memref_slice %arg8[%dma_start3A_264, %dma_start3A_269] : memref<4x72xi32, #tpu.memory_space<vmem>> -> memref<1x72xi32, #tpu.memory_space<vmem>>
    %dma_start3A_271 = tpu.memref_squeeze %dma_start3A_270 : memref<1x72xi32, #tpu.memory_space<vmem>> -> memref<72xi32, #tpu.memory_space<vmem>>
    %dma_start3A_272 = arith.constant 0 : i32
    %dma_start3A_273 = arith.constant 0 : i32
    %dma_start3A_274 = tpu.memref_slice %arg10[%dma_start3A_272, %dma_start3A_273] : memref<10112x128xf32, #tpu.memory_space<vmem_shared>> -> memref<10112x128xf32, #tpu.memory_space<vmem_shared>>
    tpu.enqueue_indirect_dma source(%dma_start3A_268 : memref<72x128xf32, #tpu.memory_space<vmem>>) target(%dma_start3A_274 : memref<10112x128xf32, #tpu.memory_space<vmem_shared>>) offsets(%dma_start3A_271 : memref<72xi32, #tpu.memory_space<vmem>>) semaphore(%arg12 : memref<!tpu.dma_semaphore, #tpu.memory_space<semaphore_mem>>) {add = true}
    %dma_wait3A_275 = arith.constant 0 : i32
    %dma_wait3A_276 = arith.constant 0 : i32
    %dma_wait3A_277 = arith.constant 0 : i32
    %dma_wait3A_278 = arith.constant 0 : i32
    %dma_wait3A_279 = tpu.memref_slice %arg9[%dma_wait3A_275, %dma_wait3A_277, %dma_wait3A_278] : memref<4x72x128xf32, #tpu.memory_space<vmem>> -> memref<1x72x128xf32, #tpu.memory_space<vmem>>
    %dma_wait3A_280 = tpu.memref_squeeze %dma_wait3A_279 : memref<1x72x128xf32, #tpu.memory_space<vmem>> -> memref<72x128xf32, #tpu.memory_space<vmem>>
    %dma_wait3A_281 = arith.constant 0 : i32
    %dma_wait3A_282 = tpu.memref_slice %arg8[%dma_wait3A_276, %dma_wait3A_281] : memref<4x72xi32, #tpu.memory_space<vmem>> -> memref<1x72xi32, #tpu.memory_space<vmem>>
    %dma_wait3A_283 = tpu.memref_squeeze %dma_wait3A_282 : memref<1x72xi32, #tpu.memory_space<vmem>> -> memref<72xi32, #tpu.memory_space<vmem>>
    %dma_wait3A_284 = arith.constant 0 : i32
    %dma_wait3A_285 = arith.constant 0 : i32
    %dma_wait3A_286 = tpu.memref_slice %arg10[%dma_wait3A_284, %dma_wait3A_285] : memref<10112x128xf32, #tpu.memory_space<vmem_shared>> -> memref<10112x128xf32, #tpu.memory_space<vmem_shared>>
    tpu.wait_indirect_dma semaphore(%arg12 : memref<!tpu.dma_semaphore, #tpu.memory_space<semaphore_mem>>) src(%dma_wait3A_280 : memref<72x128xf32, #tpu.memory_space<vmem>>) dst(%dma_wait3A_286 : memref<10112x128xf32, #tpu.memory_space<vmem_shared>>)
    %dma_wait3A_287 = arith.constant 1 : i32
    %dma_wait3A_288 = arith.constant 0 : i32
    %dma_wait3A_289 = arith.constant 0 : i32
    %dma_wait3A_290 = arith.constant 0 : i32
    %dma_wait3A_291 = tpu.memref_slice %arg9[%dma_wait3A_287, %dma_wait3A_289, %dma_wait3A_290] : memref<4x72x128xf32, #tpu.memory_space<vmem>> -> memref<1x72x128xf32, #tpu.memory_space<vmem>>
    %dma_wait3A_292 = tpu.memref_squeeze %dma_wait3A_291 : memref<1x72x128xf32, #tpu.memory_space<vmem>> -> memref<72x128xf32, #tpu.memory_space<vmem>>
    %dma_wait3A_293 = arith.constant 0 : i32
    %dma_wait3A_294 = tpu.memref_slice %arg8[%dma_wait3A_288, %dma_wait3A_293] : memref<4x72xi32, #tpu.memory_space<vmem>> -> memref<1x72xi32, #tpu.memory_space<vmem>>
    %dma_wait3A_295 = tpu.memref_squeeze %dma_wait3A_294 : memref<1x72xi32, #tpu.memory_space<vmem>> -> memref<72xi32, #tpu.memory_space<vmem>>
    %dma_wait3A_296 = arith.constant 0 : i32
    %dma_wait3A_297 = arith.constant 0 : i32
    %dma_wait3A_298 = tpu.memref_slice %arg10[%dma_wait3A_296, %dma_wait3A_297] : memref<10112x128xf32, #tpu.memory_space<vmem_shared>> -> memref<10112x128xf32, #tpu.memory_space<vmem_shared>>
    tpu.wait_indirect_dma semaphore(%arg12 : memref<!tpu.dma_semaphore, #tpu.memory_space<semaphore_mem>>) src(%dma_wait3A_292 : memref<72x128xf32, #tpu.memory_space<vmem>>) dst(%dma_wait3A_298 : memref<10112x128xf32, #tpu.memory_space<vmem_shared>>)
    %dma_wait3A_299 = arith.constant 2 : i32
    %dma_wait3A_300 = arith.constant 0 : i32
    %dma_wait3A_301 = arith.constant 0 : i32
    %dma_wait3A_302 = arith.constant 0 : i32
    %dma_wait3A_303 = tpu.memref_slice %arg9[%dma_wait3A_299, %dma_wait3A_301, %dma_wait3A_302] : memref<4x72x128xf32, #tpu.memory_space<vmem>> -> memref<1x72x128xf32, #tpu.memory_space<vmem>>
    %dma_wait3A_304 = tpu.memref_squeeze %dma_wait3A_303 : memref<1x72x128xf32, #tpu.memory_space<vmem>> -> memref<72x128xf32, #tpu.memory_space<vmem>>
    %dma_wait3A_305 = arith.constant 0 : i32
    %dma_wait3A_306 = tpu.memref_slice %arg8[%dma_wait3A_300, %dma_wait3A_305] : memref<4x72xi32, #tpu.memory_space<vmem>> -> memref<1x72xi32, #tpu.memory_space<vmem>>
    %dma_wait3A_307 = tpu.memref_squeeze %dma_wait3A_306 : memref<1x72xi32, #tpu.memory_space<vmem>> -> memref<72xi32, #tpu.memory_space<vmem>>
    %dma_wait3A_308 = arith.constant 0 : i32
    %dma_wait3A_309 = arith.constant 0 : i32
    %dma_wait3A_310 = tpu.memref_slice %arg10[%dma_wait3A_308, %dma_wait3A_309] : memref<10112x128xf32, #tpu.memory_space<vmem_shared>> -> memref<10112x128xf32, #tpu.memory_space<vmem_shared>>
    tpu.wait_indirect_dma semaphore(%arg12 : memref<!tpu.dma_semaphore, #tpu.memory_space<semaphore_mem>>) src(%dma_wait3A_304 : memref<72x128xf32, #tpu.memory_space<vmem>>) dst(%dma_wait3A_310 : memref<10112x128xf32, #tpu.memory_space<vmem_shared>>)
    %dma_wait3A_311 = arith.constant 3 : i32
    %dma_wait3A_312 = arith.constant 0 : i32
    %dma_wait3A_313 = arith.constant 0 : i32
    %dma_wait3A_314 = arith.constant 0 : i32
    %dma_wait3A_315 = tpu.memref_slice %arg9[%dma_wait3A_311, %dma_wait3A_313, %dma_wait3A_314] : memref<4x72x128xf32, #tpu.memory_space<vmem>> -> memref<1x72x128xf32, #tpu.memory_space<vmem>>
    %dma_wait3A_316 = tpu.memref_squeeze %dma_wait3A_315 : memref<1x72x128xf32, #tpu.memory_space<vmem>> -> memref<72x128xf32, #tpu.memory_space<vmem>>
    %dma_wait3A_317 = arith.constant 0 : i32
    %dma_wait3A_318 = tpu.memref_slice %arg8[%dma_wait3A_312, %dma_wait3A_317] : memref<4x72xi32, #tpu.memory_space<vmem>> -> memref<1x72xi32, #tpu.memory_space<vmem>>
    %dma_wait3A_319 = tpu.memref_squeeze %dma_wait3A_318 : memref<1x72xi32, #tpu.memory_space<vmem>> -> memref<72xi32, #tpu.memory_space<vmem>>
    %dma_wait3A_320 = arith.constant 0 : i32
    %dma_wait3A_321 = arith.constant 0 : i32
    %dma_wait3A_322 = tpu.memref_slice %arg10[%dma_wait3A_320, %dma_wait3A_321] : memref<10112x128xf32, #tpu.memory_space<vmem_shared>> -> memref<10112x128xf32, #tpu.memory_space<vmem_shared>>
    tpu.wait_indirect_dma semaphore(%arg12 : memref<!tpu.dma_semaphore, #tpu.memory_space<semaphore_mem>>) src(%dma_wait3A_316 : memref<72x128xf32, #tpu.memory_space<vmem>>) dst(%dma_wait3A_322 : memref<10112x128xf32, #tpu.memory_space<vmem_shared>>)
    %barrier3A_323 = arith.constant 0 : index
    tpu.barrier barrier_id(%barrier3A_323)
    "tpu.region"() ({
      %run_scoped3A = tpu.sem_alloc : memref<!tpu.dma_semaphore, #tpu.memory_space<semaphore_mem>>
      %dma_start3A_324 = arith.constant 0 : i32
      %dma_start3A_325 = tpu.memref_slice %arg6[%arg0, %mul3A_2, %dma_start3A_324] : memref<2x10112x128xf32, #tpu.memory_space<hbm>> -> memref<1x632x128xf32, #tpu.memory_space<hbm>>
      %dma_start3A_326 = tpu.memref_squeeze %dma_start3A_325 : memref<1x632x128xf32, #tpu.memory_space<hbm>> -> memref<632x128xf32, #tpu.memory_space<hbm>>
      %dma_start3A_327 = arith.constant 0 : i32
      %dma_start3A_328 = tpu.memref_slice %arg10[%mul3A_2, %dma_start3A_327] : memref<10112x128xf32, #tpu.memory_space<vmem_shared>> -> memref<632x128xf32, #tpu.memory_space<vmem_shared>>
      tpu.enqueue_dma source(%dma_start3A_328 : memref<632x128xf32, #tpu.memory_space<vmem_shared>>) target(%dma_start3A_326 : memref<632x128xf32, #tpu.memory_space<hbm>>) target_semaphore(%run_scoped3A : memref<!tpu.dma_semaphore, #tpu.memory_space<semaphore_mem>>)
      %dma_wait3A_329 = arith.constant 0 : i32
      %dma_wait3A_330 = tpu.memref_slice %arg6[%arg0, %mul3A_2, %dma_wait3A_329] : memref<2x10112x128xf32, #tpu.memory_space<hbm>> -> memref<1x632x128xf32, #tpu.memory_space<hbm>>
      %dma_wait3A_331 = tpu.memref_squeeze %dma_wait3A_330 : memref<1x632x128xf32, #tpu.memory_space<hbm>> -> memref<632x128xf32, #tpu.memory_space<hbm>>
      %dma_wait3A_332 = arith.constant 0 : i32
      %dma_wait3A_333 = tpu.memref_slice %arg10[%mul3A_2, %dma_wait3A_332] : memref<10112x128xf32, #tpu.memory_space<vmem_shared>> -> memref<632x128xf32, #tpu.memory_space<vmem_shared>>
      tpu.wait_dma2 semaphore(%run_scoped3A : memref<!tpu.dma_semaphore, #tpu.memory_space<semaphore_mem>>) src(%dma_wait3A_333 : memref<632x128xf32, #tpu.memory_space<vmem_shared>>) dst(%dma_wait3A_331 : memref<632x128xf32, #tpu.memory_space<hbm>>)
      tpu.yield
    }) : () -> ()
    return
  }
}

module attributes {stable_mosaic.version = 14 : i64} {
  func.func @_k1_body(%arg0: memref<10000x128xf32, #tpu.memory_space<vmem>>, %arg1: memref<128x128xf32, #tpu.memory_space<vmem>>, %arg2: memref<1x128xf32, #tpu.memory_space<vmem>>, %arg3: memref<10112x128xf32, #tpu.memory_space<vmem>>) attributes {dimension_semantics = [], scalar_prefetch = 0 : i64, scratch_operands = 0 : i64, tpu.core_type = #tpu.core_type<tc>} {
    %get3A = arith.constant 0 : index
    %get3A_0 = arith.constant 0 : index
    %get3A_1 = vector.load %arg0[%get3A, %get3A_0] : memref<10000x128xf32, #tpu.memory_space<vmem>>, vector<10000x128xf32>
    %get3A_2 = arith.constant 0 : index
    %get3A_3 = arith.constant 0 : index
    %get3A_4 = vector.load %arg1[%get3A_2, %get3A_3] : memref<128x128xf32, #tpu.memory_space<vmem>>, vector<128x128xf32>
    %dot_general3A = arith.constant dense<0.000000e+00> : vector<10000x128xf32>
    %dot_general3A_5 = tpu.matmul %get3A_1, %get3A_4, %dot_general3A {dimension_numbers = #tpu.dot_dimension_numbers<[1], [0], [0], [1], [0, 0, 1, 1], [], []>, transpose_lhs_hint = false} : vector<10000x128xf32>, vector<128x128xf32>, vector<10000x128xf32> -> vector<10000x128xf32>
    %get3A_6 = arith.constant 0 : index
    %get3A_7 = arith.constant 0 : index
    %get3A_8 = vector.load %arg2[%get3A_6, %get3A_7] : memref<1x128xf32, #tpu.memory_space<vmem>>, vector<1x128xf32>
    %add3A = vector.broadcast %get3A_8 : vector<1x128xf32> to vector<10000x128xf32>
    %add3A_9 = arith.addf %dot_general3A_5, %add3A : vector<10000x128xf32>
    %max3A = arith.constant 0.000000e+00 : f32
    %max3A_10 = vector.broadcast %max3A : f32 to vector<10000x128xf32>
    %max3A_11 = arith.maximumf %add3A_9, %max3A_10 : vector<10000x128xf32>
    %swap3A = arith.constant 0 : index
    %swap3A_12 = arith.constant 0 : index
    %swap3A_13 = vector.load %arg3[%swap3A, %swap3A_12] : memref<10112x128xf32, #tpu.memory_space<vmem>>, vector<10000x128xf32>
    tpu.vector_store %arg3[%swap3A, %swap3A_12], %max3A_11 {strides = array<i32>} : memref<10112x128xf32, #tpu.memory_space<vmem>>, vector<10000x128xf32>,
    %broadcast_in_dim3A = arith.constant 0.000000e+00 : f32
    %broadcast_in_dim3A_14 = vector.broadcast %broadcast_in_dim3A : f32 to vector<112x128xf32>
    %swap3A_15 = arith.constant 10000 : index
    %swap3A_16 = arith.constant 0 : index
    %swap3A_17 = vector.load %arg3[%swap3A_15, %swap3A_16] : memref<10112x128xf32, #tpu.memory_space<vmem>>, vector<112x128xf32>
    tpu.vector_store %arg3[%swap3A_15, %swap3A_16], %broadcast_in_dim3A_14 {strides = array<i32>} : memref<10112x128xf32, #tpu.memory_space<vmem>>, vector<112x128xf32>,
    return
  }
}

module attributes {stable_mosaic.version = 14 : i64} {
  func.func @_layer_body(%arg0: memref<2x10112x128xf32, #tpu.memory_space<vmem>>, %arg1: memref<10112x128xf32, #tpu.memory_space<vmem>>, %arg2: memref<128x128xf32, #tpu.memory_space<vmem>>, %arg3: memref<1x128xf32, #tpu.memory_space<vmem>>, %arg4: memref<1x128xf32, #tpu.memory_space<vmem>>, %arg5: memref<10112x128xf32, #tpu.memory_space<vmem>>) attributes {dimension_semantics = [], scalar_prefetch = 0 : i64, scratch_operands = 0 : i64, tpu.core_type = #tpu.core_type<tc>} {
    %get3A = arith.constant 0 : index
    %get3A_0 = arith.constant 0 : index
    %get3A_1 = arith.constant 0 : index
    %get3A_2 = vector.load %arg0[%get3A, %get3A_0, %get3A_1] : memref<2x10112x128xf32, #tpu.memory_space<vmem>>, vector<1x10112x128xf32>
    %get3A_3 = vector.shape_cast %get3A_2 : vector<1x10112x128xf32> to vector<10112x128xf32>
    %get3A_4 = arith.constant 1 : index
    %get3A_5 = arith.constant 0 : index
    %get3A_6 = arith.constant 0 : index
    %get3A_7 = vector.load %arg0[%get3A_4, %get3A_5, %get3A_6] : memref<2x10112x128xf32, #tpu.memory_space<vmem>>, vector<1x10112x128xf32>
    %get3A_8 = vector.shape_cast %get3A_7 : vector<1x10112x128xf32> to vector<10112x128xf32>
    %add3A = arith.addf %get3A_3, %get3A_8 : vector<10112x128xf32>
    %mul3A = arith.constant 0.899999976 : f32
    %mul3A_9 = vector.broadcast %mul3A : f32 to vector<10112x128xf32>
    %mul3A_10 = arith.mulf %add3A, %mul3A_9 : vector<10112x128xf32>
    %get3A_11 = arith.constant 0 : index
    %get3A_12 = arith.constant 0 : index
    %get3A_13 = vector.load %arg1[%get3A_11, %get3A_12] : memref<10112x128xf32, #tpu.memory_space<vmem>>, vector<10112x128xf32>
    %mul3A_14 = arith.constant 1.000000e-01 : f32
    %mul3A_15 = vector.broadcast %mul3A_14 : f32 to vector<10112x128xf32>
    %mul3A_16 = arith.mulf %mul3A_15, %get3A_13 : vector<10112x128xf32>
    %add3A_17 = arith.addf %mul3A_10, %mul3A_16 : vector<10112x128xf32>
    %mul3A_18 = arith.constant 0.594534874 : f32
    %mul3A_19 = vector.broadcast %mul3A_18 : f32 to vector<10112x128xf32>
    %mul3A_20 = arith.mulf %add3A_17, %mul3A_19 : vector<10112x128xf32>
    %get3A_21 = arith.constant 0 : index
    %get3A_22 = arith.constant 0 : index
    %get3A_23 = vector.load %arg2[%get3A_21, %get3A_22] : memref<128x128xf32, #tpu.memory_space<vmem>>, vector<128x128xf32>
    %dot_general3A = arith.constant dense<0.000000e+00> : vector<10112x128xf32>
    %dot_general3A_24 = tpu.matmul %add3A_17, %get3A_23, %dot_general3A {dimension_numbers = #tpu.dot_dimension_numbers<[1], [0], [0], [1], [0, 0, 1, 1], [], []>, transpose_lhs_hint = false} : vector<10112x128xf32>, vector<128x128xf32>, vector<10112x128xf32> -> vector<10112x128xf32>
    %mul3A_25 = arith.constant 0.405465096 : f32
    %mul3A_26 = vector.broadcast %mul3A_25 : f32 to vector<10112x128xf32>
    %mul3A_27 = arith.mulf %dot_general3A_24, %mul3A_26 : vector<10112x128xf32>
    %add3A_28 = arith.addf %mul3A_20, %mul3A_27 : vector<10112x128xf32>
    %iota3A = tpu.iota {dimensions = array<i32: 0>} : vector<10112x1xi32>
    %lt3A = arith.constant 10000 : i32
    %lt3A_29 = vector.broadcast %lt3A : i32 to vector<10112x1xi32>
    %lt3A_30 = arith.cmpi slt, %iota3A, %lt3A_29 : vector<10112x1xi32>
    %reduce_sum3A = arith.constant dense<0.000000e+00> : vector<128xf32>
    %reduce_sum3A_31 = vector.multi_reduction <add>, %add3A_28, %reduce_sum3A [0] : vector<10112x128xf32> to vector<128xf32>
    %broadcast_in_dim3A = vector.shape_cast %reduce_sum3A_31 : vector<128xf32> to vector<1x128xf32>
    %div3A = arith.constant 1.000000e+04 : f32
    %div3A_32 = vector.broadcast %div3A : f32 to vector<1x128xf32>
    %div3A_33 = arith.divf %broadcast_in_dim3A, %div3A_32 : vector<1x128xf32>
    %sub3A = vector.broadcast %div3A_33 : vector<1x128xf32> to vector<10112x128xf32>
    %sub3A_34 = arith.subf %add3A_28, %sub3A : vector<10112x128xf32>
    %jit3A = arith.constant 0.000000e+00 : f32
    %broadcast_in_dim3A_35 = vector.shape_cast %lt3A_30 : vector<10112x1xi1> to vector<10112x1xi1>
    %broadcast_in_dim3A_36 = vector.broadcast %broadcast_in_dim3A_35 : vector<10112x1xi1> to vector<10112x128xi1>
    %broadcast_in_dim3A_37 = vector.broadcast %jit3A : f32 to vector<10112x128xf32>
    %select_n3A = arith.select %broadcast_in_dim3A_36, %sub3A_34, %broadcast_in_dim3A_37 : vector<10112x128xi1>, vector<10112x128xf32>
    %mul3A_38 = arith.mulf %select_n3A, %select_n3A : vector<10112x128xf32>
    %reduce_sum3A_39 = arith.constant dense<0.000000e+00> : vector<128xf32>
    %reduce_sum3A_40 = vector.multi_reduction <add>, %mul3A_38, %reduce_sum3A_39 [0] : vector<10112x128xf32> to vector<128xf32>
    %broadcast_in_dim3A_41 = vector.shape_cast %reduce_sum3A_40 : vector<128xf32> to vector<1x128xf32>
    %div3A_42 = arith.constant 1.000000e+04 : f32
    %div3A_43 = vector.broadcast %div3A_42 : f32 to vector<1x128xf32>
    %div3A_44 = arith.divf %broadcast_in_dim3A_41, %div3A_43 : vector<1x128xf32>
    %add3A_45 = arith.constant 9.99999974E-6 : f32
    %add3A_46 = vector.broadcast %add3A_45 : f32 to vector<1x128xf32>
    %add3A_47 = arith.addf %div3A_44, %add3A_46 : vector<1x128xf32>
    %rsqrt3A = math.rsqrt %add3A_47 : vector<1x128xf32>
    %mul3A_48 = vector.broadcast %rsqrt3A : vector<1x128xf32> to vector<10112x128xf32>
    %mul3A_49 = arith.mulf %select_n3A, %mul3A_48 : vector<10112x128xf32>
    %get3A_50 = arith.constant 0 : index
    %get3A_51 = arith.constant 0 : index
    %get3A_52 = vector.load %arg3[%get3A_50, %get3A_51] : memref<1x128xf32, #tpu.memory_space<vmem>>, vector<1x128xf32>
    %mul3A_53 = vector.broadcast %get3A_52 : vector<1x128xf32> to vector<10112x128xf32>
    %mul3A_54 = arith.mulf %mul3A_49, %mul3A_53 : vector<10112x128xf32>
    %get3A_55 = arith.constant 0 : index
    %get3A_56 = arith.constant 0 : index
    %get3A_57 = vector.load %arg4[%get3A_55, %get3A_56] : memref<1x128xf32, #tpu.memory_space<vmem>>, vector<1x128xf32>
    %add3A_58 = vector.broadcast %get3A_57 : vector<1x128xf32> to vector<10112x128xf32>
    %add3A_59 = arith.addf %mul3A_54, %add3A_58 : vector<10112x128xf32>
    %max3A = arith.constant 0.000000e+00 : f32
    %max3A_60 = vector.broadcast %max3A : f32 to vector<10112x128xf32>
    %max3A_61 = arith.maximumf %add3A_59, %max3A_60 : vector<10112x128xf32>
    %jit3A_62 = arith.constant 0.000000e+00 : f32
    %broadcast_in_dim3A_63 = vector.shape_cast %lt3A_30 : vector<10112x1xi1> to vector<10112x1xi1>
    %broadcast_in_dim3A_64 = vector.broadcast %broadcast_in_dim3A_63 : vector<10112x1xi1> to vector<10112x128xi1>
    %broadcast_in_dim3A_65 = vector.broadcast %jit3A_62 : f32 to vector<10112x128xf32>
    %select_n3A_66 = arith.select %broadcast_in_dim3A_64, %max3A_61, %broadcast_in_dim3A_65 : vector<10112x128xi1>, vector<10112x128xf32>
    %swap3A = arith.constant 0 : index
    %swap3A_67 = arith.constant 0 : index
    %swap3A_68 = vector.load %arg5[%swap3A, %swap3A_67] : memref<10112x128xf32, #tpu.memory_space<vmem>>, vector<10112x128xf32>
    tpu.vector_store %arg5[%swap3A, %swap3A_67], %select_n3A_66 {strides = array<i32>} : memref<10112x128xf32, #tpu.memory_space<vmem>>, vector<10112x128xf32>,
    return
  }
}

module attributes {stable_mosaic.version = 14 : i64} {
  func.func @_layer_body(%arg0: memref<2x10112x128xf32, #tpu.memory_space<vmem>>, %arg1: memref<10112x128xf32, #tpu.memory_space<vmem>>, %arg2: memref<128x128xf32, #tpu.memory_space<vmem>>, %arg3: memref<1x128xf32, #tpu.memory_space<vmem>>, %arg4: memref<1x128xf32, #tpu.memory_space<vmem>>, %arg5: memref<10112x128xf32, #tpu.memory_space<vmem>>) attributes {dimension_semantics = [], scalar_prefetch = 0 : i64, scratch_operands = 0 : i64, tpu.core_type = #tpu.core_type<tc>} {
    %get3A = arith.constant 0 : index
    %get3A_0 = arith.constant 0 : index
    %get3A_1 = arith.constant 0 : index
    %get3A_2 = vector.load %arg0[%get3A, %get3A_0, %get3A_1] : memref<2x10112x128xf32, #tpu.memory_space<vmem>>, vector<1x10112x128xf32>
    %get3A_3 = vector.shape_cast %get3A_2 : vector<1x10112x128xf32> to vector<10112x128xf32>
    %get3A_4 = arith.constant 1 : index
    %get3A_5 = arith.constant 0 : index
    %get3A_6 = arith.constant 0 : index
    %get3A_7 = vector.load %arg0[%get3A_4, %get3A_5, %get3A_6] : memref<2x10112x128xf32, #tpu.memory_space<vmem>>, vector<1x10112x128xf32>
    %get3A_8 = vector.shape_cast %get3A_7 : vector<1x10112x128xf32> to vector<10112x128xf32>
    %add3A = arith.addf %get3A_3, %get3A_8 : vector<10112x128xf32>
    %mul3A = arith.constant 0.899999976 : f32
    %mul3A_9 = vector.broadcast %mul3A : f32 to vector<10112x128xf32>
    %mul3A_10 = arith.mulf %add3A, %mul3A_9 : vector<10112x128xf32>
    %get3A_11 = arith.constant 0 : index
    %get3A_12 = arith.constant 0 : index
    %get3A_13 = vector.load %arg1[%get3A_11, %get3A_12] : memref<10112x128xf32, #tpu.memory_space<vmem>>, vector<10112x128xf32>
    %mul3A_14 = arith.constant 1.000000e-01 : f32
    %mul3A_15 = vector.broadcast %mul3A_14 : f32 to vector<10112x128xf32>
    %mul3A_16 = arith.mulf %mul3A_15, %get3A_13 : vector<10112x128xf32>
    %add3A_17 = arith.addf %mul3A_10, %mul3A_16 : vector<10112x128xf32>
    %mul3A_18 = arith.constant 0.776856422 : f32
    %mul3A_19 = vector.broadcast %mul3A_18 : f32 to vector<10112x128xf32>
    %mul3A_20 = arith.mulf %add3A_17, %mul3A_19 : vector<10112x128xf32>
    %get3A_21 = arith.constant 0 : index
    %get3A_22 = arith.constant 0 : index
    %get3A_23 = vector.load %arg2[%get3A_21, %get3A_22] : memref<128x128xf32, #tpu.memory_space<vmem>>, vector<128x128xf32>
    %dot_general3A = arith.constant dense<0.000000e+00> : vector<10112x128xf32>
    %dot_general3A_24 = tpu.matmul %add3A_17, %get3A_23, %dot_general3A {dimension_numbers = #tpu.dot_dimension_numbers<[1], [0], [0], [1], [0, 0, 1, 1], [], []>, transpose_lhs_hint = false} : vector<10112x128xf32>, vector<128x128xf32>, vector<10112x128xf32> -> vector<10112x128xf32>
    %mul3A_25 = arith.constant 0.223143548 : f32
    %mul3A_26 = vector.broadcast %mul3A_25 : f32 to vector<10112x128xf32>
    %mul3A_27 = arith.mulf %dot_general3A_24, %mul3A_26 : vector<10112x128xf32>
    %add3A_28 = arith.addf %mul3A_20, %mul3A_27 : vector<10112x128xf32>
    %iota3A = tpu.iota {dimensions = array<i32: 0>} : vector<10112x1xi32>
    %lt3A = arith.constant 10000 : i32
    %lt3A_29 = vector.broadcast %lt3A : i32 to vector<10112x1xi32>
    %lt3A_30 = arith.cmpi slt, %iota3A, %lt3A_29 : vector<10112x1xi32>
    %reduce_sum3A = arith.constant dense<0.000000e+00> : vector<128xf32>
    %reduce_sum3A_31 = vector.multi_reduction <add>, %add3A_28, %reduce_sum3A [0] : vector<10112x128xf32> to vector<128xf32>
    %broadcast_in_dim3A = vector.shape_cast %reduce_sum3A_31 : vector<128xf32> to vector<1x128xf32>
    %div3A = arith.constant 1.000000e+04 : f32
    %div3A_32 = vector.broadcast %div3A : f32 to vector<1x128xf32>
    %div3A_33 = arith.divf %broadcast_in_dim3A, %div3A_32 : vector<1x128xf32>
    %sub3A = vector.broadcast %div3A_33 : vector<1x128xf32> to vector<10112x128xf32>
    %sub3A_34 = arith.subf %add3A_28, %sub3A : vector<10112x128xf32>
    %jit3A = arith.constant 0.000000e+00 : f32
    %broadcast_in_dim3A_35 = vector.shape_cast %lt3A_30 : vector<10112x1xi1> to vector<10112x1xi1>
    %broadcast_in_dim3A_36 = vector.broadcast %broadcast_in_dim3A_35 : vector<10112x1xi1> to vector<10112x128xi1>
    %broadcast_in_dim3A_37 = vector.broadcast %jit3A : f32 to vector<10112x128xf32>
    %select_n3A = arith.select %broadcast_in_dim3A_36, %sub3A_34, %broadcast_in_dim3A_37 : vector<10112x128xi1>, vector<10112x128xf32>
    %mul3A_38 = arith.mulf %select_n3A, %select_n3A : vector<10112x128xf32>
    %reduce_sum3A_39 = arith.constant dense<0.000000e+00> : vector<128xf32>
    %reduce_sum3A_40 = vector.multi_reduction <add>, %mul3A_38, %reduce_sum3A_39 [0] : vector<10112x128xf32> to vector<128xf32>
    %broadcast_in_dim3A_41 = vector.shape_cast %reduce_sum3A_40 : vector<128xf32> to vector<1x128xf32>
    %div3A_42 = arith.constant 1.000000e+04 : f32
    %div3A_43 = vector.broadcast %div3A_42 : f32 to vector<1x128xf32>
    %div3A_44 = arith.divf %broadcast_in_dim3A_41, %div3A_43 : vector<1x128xf32>
    %add3A_45 = arith.constant 9.99999974E-6 : f32
    %add3A_46 = vector.broadcast %add3A_45 : f32 to vector<1x128xf32>
    %add3A_47 = arith.addf %div3A_44, %add3A_46 : vector<1x128xf32>
    %rsqrt3A = math.rsqrt %add3A_47 : vector<1x128xf32>
    %mul3A_48 = vector.broadcast %rsqrt3A : vector<1x128xf32> to vector<10112x128xf32>
    %mul3A_49 = arith.mulf %select_n3A, %mul3A_48 : vector<10112x128xf32>
    %get3A_50 = arith.constant 0 : index
    %get3A_51 = arith.constant 0 : index
    %get3A_52 = vector.load %arg3[%get3A_50, %get3A_51] : memref<1x128xf32, #tpu.memory_space<vmem>>, vector<1x128xf32>
    %mul3A_53 = vector.broadcast %get3A_52 : vector<1x128xf32> to vector<10112x128xf32>
    %mul3A_54 = arith.mulf %mul3A_49, %mul3A_53 : vector<10112x128xf32>
    %get3A_55 = arith.constant 0 : index
    %get3A_56 = arith.constant 0 : index
    %get3A_57 = vector.load %arg4[%get3A_55, %get3A_56] : memref<1x128xf32, #tpu.memory_space<vmem>>, vector<1x128xf32>
    %add3A_58 = vector.broadcast %get3A_57 : vector<1x128xf32> to vector<10112x128xf32>
    %add3A_59 = arith.addf %mul3A_54, %add3A_58 : vector<10112x128xf32>
    %max3A = arith.constant 0.000000e+00 : f32
    %max3A_60 = vector.broadcast %max3A : f32 to vector<10112x128xf32>
    %max3A_61 = arith.maximumf %add3A_59, %max3A_60 : vector<10112x128xf32>
    %jit3A_62 = arith.constant 0.000000e+00 : f32
    %broadcast_in_dim3A_63 = vector.shape_cast %lt3A_30 : vector<10112x1xi1> to vector<10112x1xi1>
    %broadcast_in_dim3A_64 = vector.broadcast %broadcast_in_dim3A_63 : vector<10112x1xi1> to vector<10112x128xi1>
    %broadcast_in_dim3A_65 = vector.broadcast %jit3A_62 : f32 to vector<10112x128xf32>
    %select_n3A_66 = arith.select %broadcast_in_dim3A_64, %max3A_61, %broadcast_in_dim3A_65 : vector<10112x128xi1>, vector<10112x128xf32>
    %swap3A = arith.constant 0 : index
    %swap3A_67 = arith.constant 0 : index
    %swap3A_68 = vector.load %arg5[%swap3A, %swap3A_67] : memref<10112x128xf32, #tpu.memory_space<vmem>>, vector<10112x128xf32>
    tpu.vector_store %arg5[%swap3A, %swap3A_67], %select_n3A_66 {strides = array<i32>} : memref<10112x128xf32, #tpu.memory_space<vmem>>, vector<10112x128xf32>,
    return
  }
}

module attributes {stable_mosaic.version = 14 : i64} {
  func.func @_head_body(%arg0: memref<10112x128xf32, #tpu.memory_space<vmem>>, %arg1: memref<128x16xf32, #tpu.memory_space<vmem>>, %arg2: memref<1x16xf32, #tpu.memory_space<vmem>>, %arg3: memref<1x16xf32, #tpu.memory_space<vmem>>, %arg4: memref<1x16xf32, #tpu.memory_space<vmem>>, %arg5: memref<1x16xf32, #tpu.memory_space<vmem>>, %arg6: memref<1x1xf32, #tpu.memory_space<vmem>>, %arg7: memref<10000x1xf32, #tpu.memory_space<vmem>>) attributes {dimension_semantics = [], scalar_prefetch = 0 : i64, scratch_operands = 0 : i64, tpu.core_type = #tpu.core_type<tc>} {
    %get3A = arith.constant 0 : index
    %get3A_0 = arith.constant 0 : index
    %get3A_1 = vector.load %arg0[%get3A, %get3A_0] : memref<10112x128xf32, #tpu.memory_space<vmem>>, vector<10000x128xf32>
    %get3A_2 = arith.constant 0 : index
    %get3A_3 = arith.constant 0 : index
    %get3A_4 = vector.load %arg1[%get3A_2, %get3A_3] : memref<128x16xf32, #tpu.memory_space<vmem>>, vector<128x16xf32>
    %dot_general3A = arith.constant dense<0.000000e+00> : vector<10000x16xf32>
    %dot_general3A_5 = tpu.matmul %get3A_1, %get3A_4, %dot_general3A {dimension_numbers = #tpu.dot_dimension_numbers<[1], [0], [0], [1], [0, 0, 1, 1], [], []>, transpose_lhs_hint = false} : vector<10000x128xf32>, vector<128x16xf32>, vector<10000x16xf32> -> vector<10000x16xf32>
    %get3A_6 = arith.constant 0 : index
    %get3A_7 = arith.constant 0 : index
    %get3A_8 = vector.load %arg2[%get3A_6, %get3A_7] : memref<1x16xf32, #tpu.memory_space<vmem>>, vector<1x16xf32>
    %add3A = vector.broadcast %get3A_8 : vector<1x16xf32> to vector<10000x16xf32>
    %add3A_9 = arith.addf %dot_general3A_5, %add3A : vector<10000x16xf32>
    %reduce_sum3A = arith.constant dense<0.000000e+00> : vector<16xf32>
    %reduce_sum3A_10 = vector.multi_reduction <add>, %add3A_9, %reduce_sum3A [0] : vector<10000x16xf32> to vector<16xf32>
    %broadcast_in_dim3A = vector.shape_cast %reduce_sum3A_10 : vector<16xf32> to vector<1x16xf32>
    %div3A = arith.constant 1.000000e+04 : f32
    %div3A_11 = vector.broadcast %div3A : f32 to vector<1x16xf32>
    %div3A_12 = arith.divf %broadcast_in_dim3A, %div3A_11 : vector<1x16xf32>
    %sub3A = vector.broadcast %div3A_12 : vector<1x16xf32> to vector<10000x16xf32>
    %sub3A_13 = arith.subf %add3A_9, %sub3A : vector<10000x16xf32>
    %mul3A = arith.mulf %sub3A_13, %sub3A_13 : vector<10000x16xf32>
    %reduce_sum3A_14 = arith.constant dense<0.000000e+00> : vector<16xf32>
    %reduce_sum3A_15 = vector.multi_reduction <add>, %mul3A, %reduce_sum3A_14 [0] : vector<10000x16xf32> to vector<16xf32>
    %broadcast_in_dim3A_16 = vector.shape_cast %reduce_sum3A_15 : vector<16xf32> to vector<1x16xf32>
    %div3A_17 = arith.constant 1.000000e+04 : f32
    %div3A_18 = vector.broadcast %div3A_17 : f32 to vector<1x16xf32>
    %div3A_19 = arith.divf %broadcast_in_dim3A_16, %div3A_18 : vector<1x16xf32>
    %add3A_20 = arith.constant 9.99999974E-6 : f32
    %add3A_21 = vector.broadcast %add3A_20 : f32 to vector<1x16xf32>
    %add3A_22 = arith.addf %div3A_19, %add3A_21 : vector<1x16xf32>
    %rsqrt3A = math.rsqrt %add3A_22 : vector<1x16xf32>
    %mul3A_23 = vector.broadcast %rsqrt3A : vector<1x16xf32> to vector<10000x16xf32>
    %mul3A_24 = arith.mulf %sub3A_13, %mul3A_23 : vector<10000x16xf32>
    %get3A_25 = arith.constant 0 : index
    %get3A_26 = arith.constant 0 : index
    %get3A_27 = vector.load %arg3[%get3A_25, %get3A_26] : memref<1x16xf32, #tpu.memory_space<vmem>>, vector<1x16xf32>
    %mul3A_28 = vector.broadcast %get3A_27 : vector<1x16xf32> to vector<10000x16xf32>
    %mul3A_29 = arith.mulf %mul3A_24, %mul3A_28 : vector<10000x16xf32>
    %get3A_30 = arith.constant 0 : index
    %get3A_31 = arith.constant 0 : index
    %get3A_32 = vector.load %arg4[%get3A_30, %get3A_31] : memref<1x16xf32, #tpu.memory_space<vmem>>, vector<1x16xf32>
    %add3A_33 = vector.broadcast %get3A_32 : vector<1x16xf32> to vector<10000x16xf32>
    %add3A_34 = arith.addf %mul3A_29, %add3A_33 : vector<10000x16xf32>
    %get3A_35 = arith.constant 0 : index
    %get3A_36 = arith.constant 0 : index
    %get3A_37 = vector.load %arg5[%get3A_35, %get3A_36] : memref<1x16xf32, #tpu.memory_space<vmem>>, vector<1x16xf32>
    %mul3A_38 = vector.broadcast %get3A_37 : vector<1x16xf32> to vector<10000x16xf32>
    %mul3A_39 = arith.mulf %add3A_34, %mul3A_38 : vector<10000x16xf32>
    %reduce_sum3A_40 = arith.constant dense<0.000000e+00> : vector<10000xf32>
    %reduce_sum3A_41 = vector.multi_reduction <add>, %mul3A_39, %reduce_sum3A_40 [1] : vector<10000x16xf32> to vector<10000xf32>
    %broadcast_in_dim3A_42 = vector.shape_cast %reduce_sum3A_41 : vector<10000xf32> to vector<10000x1xf32>
    %get3A_43 = arith.constant 0 : index
    %get3A_44 = arith.constant 0 : index
    %get3A_45 = vector.load %arg6[%get3A_43, %get3A_44] : memref<1x1xf32, #tpu.memory_space<vmem>>, vector<1x1xf32>
    %add3A_46 = vector.broadcast %get3A_45 : vector<1x1xf32> to vector<10000x1xf32>
    %add3A_47 = arith.addf %broadcast_in_dim3A_42, %add3A_46 : vector<10000x1xf32>
    %swap3A = arith.constant 0 : index
    %swap3A_48 = arith.constant 0 : index
    %swap3A_49 = vector.load %arg7[%swap3A, %swap3A_48] : memref<10000x1xf32, #tpu.memory_space<vmem>>, vector<10000x1xf32>
    tpu.vector_store %arg7[%swap3A, %swap3A_48], %add3A_47 {strides = array<i32>} : memref<10000x1xf32, #tpu.memory_space<vmem>>, vector<10000x1xf32>,
    return
  }
}

</mosaic_0001>

<sc_bundles>
// kernel: kernel.11.cloned.1.call-start
scs
__scs_entry_jumppad:
0x0: {  	(pc) =	sbr.rel $0x88, $3  }
0x1: {  	(tag) =	ssettag $0x0;
	lr =	simm.s32 $0x1  }
0x2: {  	[smem:$0x3F93] =	sst lr;
	_ =	strace $0xD0000000  }
0x3: {  	_ = 	snop  }
0x4: {  	_ = 	snop  }
0x5: {  	_ = 	snop  }
0x6: {  	_ = 	snop  }
0x7: {  	_ = 	snop  }
__scs_overlays_trampoline_lowered:
0x8: {  	[smem:$0x3FA2] =	sst s0  }
0x9: {  	[smem:$0x3FA3] =	sst s1  }
0xa: {  	[smem:$0x3FA4] =	sst s2  }
0xb: {  	[smem:$0x3FA5] =	sst s3  }
0xc: {  	[smem:$0x3FA6] =	sst s4  }
0xd: {  	[smem:$0x3FA7] =	sst s5  }
0xe: {  	[smem:$0x3FA8] =	sst s6  }
0xf: {  	[smem:$0x3FA9] =	sst s7  }
0x10: {  	[smem:$0x3FAA] =	sst s8  }
0x11: {  	[smem:$0x3FAB] =	sst s9;
	s0 =	simm.s32 @!p0 $0x0  }
0x12: {  	s1 =	sld [smem:$0x3F91];
	s0 =	simm.s32 @p0 $0x1  }
0x13: {  	[smem:$0x3FAC] =	sst s0;
	s0 =	simm.s32 @!p1 $0x0  }
0x14: {  	s2 =	sld [smem:$0x3F90];
	s0 =	simm.s32 @p1 $0x1  }
0x15: {  	[smem:$0x3FAD] =	sst s0;
	s0 =	simm.s32 @!p2 $0x0  }
0x16: {  	s3 =	sld [smem:$0x3FDB];
	s0 =	simm.s32 @p2 $0x1  }
0x17: {  	s4 =	simm.s32 $0x1BF5;
	[smem:$0x3FAF] =	sst s0  }
0x18: {  	s0 =	sld [smem:$0x3F92];
	_ =	swait.ge [sflag:s4], $0x0  }
0x19: {  	s7 =	sld [smem:$0x3F93]  }
0x1a: {  	s8 =	sadd.s32 $0xFFFFE003, lr  }
0x1b: {  	s9 =	sadd.s32 $0xFFFFFEF7, lr;
	s5 =	simm.s32 $0xFFFFFFFF;
	p2 =	slt.u32 s8, $0xFFFFF086  }
0x1c: {  	p1 =	slt.u32 s9, $0xF7A;
	s5 =	simm.s32 @!p2 $0x0  }
0x1d: {  	s5 =	simm.s32 @p1 $0x1;
	p0 =	seq.s32 s7, s2  }
0x1e: {  	s7 =	smul.u32 @!p0 $0xF7A, s2;
	p2 =	seq.s32 @!p0 s5, $0x0  }
0x1f: {  	s9 =	smul.u32 $0xF7A, s1;
	s8 =	simm.s32 @!p0 $0x1BF5;
	p2 =	por !p2, p0  }
0x20: {  	[sflag:s8] =	ssyncset.s32 @!p0 $0xFFFFF086;
	s6 =	sadd.s32 @!p0 s3, s7;
	s7 =	simm.s32 @!p0 $0x108  }
0x21: {  	s3 =	sadd.s32 s3, s9;
	s6 =	sadd.s32 @!p0 $0x88, s6;
	s7 =	simm.s32 @p2 $0x1082  }
0x22: {  	[simem:s7], [sflag:s8] =	dma.local @!p0 [hbm:s6], $0xF7A  }
0x23: {  	s9 =	sor.u32 $0xD0000000, s2;
	s6 =	simm.s32 $0x108;
	_ =	swait.ge @!p0 [sflag:s8], $0x0  }
0x24: {  	s3 =	sadd.s32 $0x88, s3;
	s6 =	simm.s32 @!p1 $0x1082;
	[sflag:s4] =	ssyncset.s32 $0xFFFFF086  }
0x25: {  	[simem:s6], [sflag:s4] =	dma.local [hbm:s3], $0xF7A  }
0x26: {  	[smem:$0x3F93] =	sst s1;
	(tag) =	ssettag s2;
	_ =	strace s9  }
0x27: {  	s1 =	sld [smem:$0x3FA3]  }
0x28: {  	s2 =	sld [smem:$0x3FA4]  }
0x29: {  	s4 =	sld [smem:$0x3FA6]  }
0x2a: {  	p0 =	seq.s32 s5, $0x0;
	s5 =	sld [smem:$0x3FA7]  }
0x2b: {  	s6 =	sld [smem:$0x3FA8]  }
0x2c: {  	s7 =	sld [smem:$0x3FA9]  }
0x2d: {  	s3 =	simm.s32 $0x108;
	s8 =	sld [smem:$0x3FAA]  }
0x2e: {  	s3 =	simm.s32 @!p0 $0x1082;
	s9 =	sld [smem:$0x3FAB]  }
0x2f: {  	lr =	sadd.s32 s0, s3;
	s0 =	sld [smem:$0x3FA2]  }
0x30: {  	s3 =	sld [smem:$0x3FA5]  }
0x31: {  	[smem:$0x3FAE] =	sst s10  }
0x32: {  	s10 =	sld [smem:$0x3FAC];
	_ =	sdelay $0x3  }
0x33: {  	p0 =	seq.s32 s10, $0x1;
	s10 =	sld [smem:$0x3FAE];
	_ =	sdelay $0x3  }
0x34: {  	[smem:$0x3FAE] =	sst s10  }
0x35: {  	s10 =	sld [smem:$0x3FAD];
	_ =	sdelay $0x3  }
0x36: {  	p1 =	seq.s32 s10, $0x1;
	s10 =	sld [smem:$0x3FAE];
	_ =	sdelay $0x3  }
0x37: {  	[smem:$0x3FAE] =	sst s10  }
0x38: {  	s10 =	sld [smem:$0x3FAF]  }
0x39: {  	_ = 	snop;
	(pc) =	sbr.ind lr, $3  }
0x3a: {  	_ = 	snop  }
0x3b: {  	_ = 	snop  }
0x3c: {  	p2 =	seq.s32 s10, $0x1;
	s10 =	sld [smem:$0x3FAE]  }
0x3d: {  	_ =	shalt  }
0x3e: {  	_ =	shalt  }
0x3f: {  	_ =	shalt  }
0x40: {  	_ =	shalt  }
0x41: {  	_ =	shalt  }
0x42: {  	_ =	shalt  }
0x43: {  	_ =	shalt  }
0x44: {  	_ =	shalt  }
0x45: {  	_ =	shalt  }
0x46: {  	_ =	shalt  }
0x47: {  	_ =	shalt  }
0x48: {  	_ =	shalt  }
0x49: {  	_ =	shalt  }
0x4a: {  	_ =	shalt  }
0x4b: {  	_ =	shalt  }
0x4c: {  	_ =	shalt  }
0x4d: {  	_ =	shalt  }
0x4e: {  	_ =	shalt  }
0x4f: {  	_ =	shalt  }
0x50: {  	_ =	shalt  }
0x51: {  	_ =	shalt  }
0x52: {  	_ =	shalt  }
0x53: {  	_ =	shalt  }
0x54: {  	_ =	shalt  }
0x55: {  	_ =	shalt  }
0x56: {  	_ =	shalt  }
0x57: {  	_ =	shalt  }
0x58: {  	_ =	shalt  }
0x59: {  	_ =	shalt  }
0x5a: {  	_ =	shalt  }
0x5b: {  	_ =	shalt  }
0x5c: {  	_ =	shalt  }
0x5d: {  	_ =	shalt  }
0x5e: {  	_ =	shalt  }
0x5f: {  	_ =	shalt  }
0x60: {  	_ =	shalt  }
0x61: {  	_ =	shalt  }
0x62: {  	_ =	shalt  }
0x63: {  	_ =	shalt  }
0x64: {  	_ =	shalt  }
0x65: {  	_ =	shalt  }
0x66: {  	_ =	shalt  }
0x67: {  	_ =	shalt  }
0x68: {  	_ =	shalt  }
0x69: {  	_ =	shalt  }
0x6a: {  	_ =	shalt  }
0x6b: {  	_ =	shalt  }
0x6c: {  	_ =	shalt  }
0x6d: {  	_ =	shalt  }
0x6e: {  	_ =	shalt  }
0x6f: {  	_ =	shalt  }
0x70: {  	_ =	shalt  }
0x71: {  	_ =	shalt  }
0x72: {  	_ =	shalt  }
0x73: {  	_ =	shalt  }
0x74: {  	_ =	shalt  }
0x75: {  	_ =	shalt  }
0x76: {  	_ =	shalt  }
0x77: {  	_ =	shalt  }
0x78: {  	_ =	shalt  }
0x79: {  	_ =	shalt  }
0x7a: {  	_ =	shalt  }
0x7b: {  	_ =	shalt  }
0x7c: {  	_ =	shalt  }
0x7d: {  	_ =	shalt  }
0x7e: {  	_ =	shalt  }
0x7f: {  	_ =	shalt  }
0x80: {  	_ =	shalt  }
0x81: {  	_ =	shalt  }
0x82: {  	_ =	shalt  }
0x83: {  	_ =	shalt  }
0x84: {  	_ =	shalt  }
0x85: {  	_ =	shalt  }
0x86: {  	_ =	shalt  }
0x87: {  	_ =	shalt  }
.Lfunc_end0:
.L_simem_size_0:
called_computation.1_lowered:
.L_overlay_start_0:
0x88: {  	s2 =	sld [smem:$0x3FD9]  }
0x89: {  	s3 =	sld [smem:$0x3FFE];
	_ =	sdelay $0x1  }
0x8a: {  	s1 =	srdreg.scid  }
0x8b: {  	s0 =	sand.u32 $0x1, s1  }
0x8c: {  	s16 =	sshll.u32 s0, $0xA;
	s2 =	sadd.s32 s3, s2  }
0x8d: {  	s2 =	sadd.s32 s2, s16  }
0x8e: {  	[smem:$0x3FBA] =	sst s2  }
0x8f: {  	_ = 	snop  }
0x90: {  	(tm) =	ssettm $0x1  }
0x91: {  	s17 =	sld [smem:$0x3FFB];
	_ =	sdelay $0x3  }
0x92: {  	_ =	strace s17  }
0x93: {  	s2 =	sld [smem:$0x3FFC];
	_ =	sdelay $0x3  }
0x94: {  	_ =	strace s2  }
0x95: {  	s2 =	sld [smem:$0x3FFD];
	_ =	sdelay $0x3  }
0x96: {  	_ =	strace s2  }
0x97: {  	_ =	strace $0x8FFFFFFF  }
0x98: {  	s18 =	sld [smem:$0x3FDB];
	_ =	sdelay $0x1  }
0x99: {  	s19 =	simm.s32 $_scs_section_size  }
0x9a: {  	s4 =	simm.s32 $_size__tile_overlayer_lowered;
	s5 =	simm.s32 $_tile_overlayer_lowered  }
0x9b: {  	s22 =	simm.s32 $0x1BFF;
	s21 =	sshll.u32 s5, $0x1;
	s2 =	sadd.s32 s19, s18  }
0x9c: {  	s6 =	simm.s32 $0x0;
	s20 =	sshll.u32 s4, $0x1;
	s4 =	sadd.s32 s21, s2  }
0x9d: {  	[timem:s6], [sflag:s22] =	dma.local [hbm:s4], s20  }
0x9e: {  	_ =	swait.ge [sflag:s22], s20  }
0x9f: {  	s3 =	ssub.s32 $0x0, s20;
	[sflag:s22] =	ssyncset.done $0x0  }
0xa0: {  	[sflag:s22] =	ssyncadd.s32 s3;
	_ =	sdelay $0x1  }
0xa1: {  	s23 =	simm.s32 $0x1B8B  }
0xa2: {  	_ =	swait.ge [sflag:s23], $0x1  }
0xa3: {  	[sflag:s23] =	ssyncset.done $0x0  }
0xa4: {  	s25 =	simm.s32 $0x1B8E;
	s24 =	sld [smem:$0x3FFE];
	[sflag:s23] =	ssyncadd.s32 $0xFFFFFFFF  }
0xa5: {  	s26 =	simm.s32 $execute0_lowered;
	[smem:$0x3FD2] =	sst s25  }
0xa6: {  	s4 =	sshll.u32 s26, $0x1;
	_ =	strace $0x80000049;
	[dreg:$0x1] =	wrdreg $0xFFFFFFFF  }
0xa7: {  	s28 =	simm.s32 $_size_execute0_lowered;
	s2 =	sadd.s32 s2, s4;
	[dreg:$0x0] =	wrdreg $0x0  }
0xa8: {  	s4 =	sshll.u32 s28, $0x1;
	[dreg:$0x2] =	wrdreg s2  }
0xa9: {  	[dreg:$0x3] =	wrdreg s4  }
0xaa: {  	[dreg:$0x4] =	wrdreg $0xC0  }
0xab: {  	_ =	task [dreg:s6], $0x5FFFF  }
0xac: {  	[dreg:$0x1] =	wrdreg $0xFFFFFFFF  }
0xad: {  	[dreg:$0x0] =	wrdreg $0x60  }
0xae: {  	[dreg:$0x2] =	wrdreg s24  }
0xaf: {  	[dreg:$0x3] =	wrdreg $0xB9800  }
0xb0: {  	[dreg:$0x4] =	wrdreg $0x9  }
0xb1: {  	_ =	task.clear_ibuf [dreg:s6], $0x5FFFF;
	_ =	strace $0x90000049  }
0xb2: {  	s29 =	simm.s32 $0x9;
	_ =	strace $0x8000004B  }
0xb3: {  	_ =	swait.ge [sflag:s29], $0x1  }
0xb4: {  	[sflag:s29] =	ssyncadd.s32 $0xFFFFFFFF  }
0xb5: {  	_ =	strace $0x9000004B  }
0xb6: {  	_ =	sfence  }
0xb7: {  	s30 =	sld [smem:$0x0];
	_ =	sdelay $0x2  }
0xb8: {  	s31 =	sshll.u32 s1, $0xD;
	s1 =	sshrl.u32 s1, $0x2  }
0xb9: {  	s3 =	sand.u32 $0x4000, s31;
	s1 =	sadd.s32 s1, s30  }
0xba: {  	s0 =	sor.u32 s3, s0;
	s1 =	sshll.u32 s1, $0x11  }
0xbb: {  	s0 =	sor.u32 s1, s0  }
0xbc: {  	s0 =	sadd.s32 $0x8F2B, s0  }
0xbd: {  	[sflag:s0] =	ssyncadd.remote.s32 $0x1  }
0xbe: {  	_ =	sfence.sel $0xFFFF  }
0xbf: {  	[dreg:$0x0] =	wrdreg $0xFFFFFFFF;
	(pc) =	sbr.abs _section_cstart, $3  }
0xc0: {  	[dreg:$0x1] =	wrdreg $0xFFFFFFFF  }
0xc1: {  	_ =	task.clear_ibuf [dreg:s6], $0x2FFFF;
	_ =	strace $0x9FFFFFFF  }
0xc2: {  	(tm) =	ssettm $0x7FFFFFFF  }
0xc3: {  	_ =	shalt  }
tec
execute0_lowered:
.L_overlay_start_1:
0x0: {  	(tag) =	ssettag $0x1  }
0x1: {  	s0 =	srdreg.scid;
	s5 =	rddreg [dreg:$0x0]  }
0x2: {  	s12 =	stileid.u32;
	s2 =	rddreg [dreg:$0x1]  }
0x3: {  	s28 =	simm.s32 $0x3;
	s29 =	simm.s32 $0x2880;
	s31 =	simm.s32 $0x7180  }
0x4: {  	s30 =	simm.s32 $0x0;
	s0 =	sand.u32 $0x1, s0;
	s14 =	smul.u32 $0x13C00, s12  }
0x5: {  	s6 =	sshll.u32 s12, $0x7;
	s10 =	sadd.s32 $0x2200, s5;
	s11 =	smul.u32 $0x4F000, s12  }
0x6: {  	s19 =	sshll.u32 s12, $0x9;
	s20 =	smul.u32 $0x8C, s12;
	s22 =	sshll.u32 s12, $0x6  }
0x7: {  	s1 =	sshll.u32 s0, $0x4;
	s6 =	sand.u32 $0x380, s6;
	s8 =	smul.u32 $0x13C000, s0  }
0x8: {  	s16 =	ssub.s32 $0x2, s0;
	s0 =	smul.u32 $0x8C0, s0;
	s1 =	sor.u32 s12, s1  }
0x9: {  	s15 =	sshrl.u32 s14, $0x3;
	s17 =	sshrl.u32 s16, $0x1;
	s18 =	sshrl.u32 s11, $0x2  }
0xa: {  	s11 =	sand.u32 $0x200, s19;
	s19 =	simm.s32 $0x9580;
	s3 =	sshrl.u32 s1, $0x3  }
0xb: {  	s1 =	smul.u32 $0x4600, s1;
	s0 =	sadd.s32 s20, s0;
	s20 =	simm.s32 $0x2  }
0xc: {  	s4 =	smul.u32 $0x13C00, s3;
	s3 =	simm.s32 $0x0;
	s0 =	sshll.u32 s0, $0x4  }
0xd: {  	[smem:$0x7FF] =	sst s3;
	s1 =	sand.u32 $0xFFC00, s1;
	s0 =	sadd.s32 s10, s0  }
0xe: {  	s4 =	sor.u32 s6, s4;
	_ =	strace $0x8000004A;
	s6 =	sadd.s32 s14, s8  }
0xf: {  	s8 =	ssub.s32 s16, s17;
	s17 =	sadd.s32 s18, s2;
	s1 =	sor.u32 s11, s1  }
0x10: {  	s14 =	sadd.s32 $0x40, s0;
	s16 =	sadd.s32 $0x60, s0;
	s18 =	simm.s32 $0x4  }
0x11: {  	s7 =	sshrl.u32 s4, $0x3;
	s4 =	sadd.s32 $0x1D800, s5;
	s6 =	sshrl.u32 s6, $0x3  }
0x12: {  	s1 =	sshrl.u32 s1, $0x3;
	s13 =	smax.u32 s8, $0x1;
	s17 =	sshrl.u32 s17, $0x3  }
0x13: {  	s9 =	sadd.s32 s7, s5;
	s7 =	sadd.s32 s15, s5;
	s5 =	sadd.s32 s6, s5  }
0x14: {  	s6 =	sor.u32 $0x1C04, s22;
	s15 =	sadd.s32 $0x70, s0;
	s21 =	sadd.s32 $0x45000, s7  }
0x15: {  	s7 =	sadd.s32 s10, s1;
	s23 =	sadd.s32 $0x13A00, s9;
	[dreg:$0x3] =	wrdreg s21  }
0x16: {  	s22 =	simm.s32 $0x48;
	[dreg:$0x4] =	wrdreg s23;
	s24 =	sadd.s32 $0x10, s7  }
0x17: {  	s12 =	sadd.s32 $0x6C800, s5;
	s25 =	sadd.s32 $0x20, s7;
	[dreg:$0x5] =	wrdreg s24  }
0x18: {  	s1 =	simm.s32 $0x2900;
	s26 =	sadd.s32 $0x30, s7;
	[dreg:$0x6] =	wrdreg s25  }
0x19: {  	s21 =	simm.s32 $0x2780;
	s23 =	simm.s32 $0x2980;
	[dreg:$0x7] =	wrdreg s26  }
0x1a: {  	s24 =	simm.s32 $0x2800;
	s25 =	simm.s32 $0x4D80;
	s26 =	simm.s32 $0x1  }
.LBB2_1:
0x1b: {  	s0 =	rddreg [dreg:$0x3]  }
0x1c: {  	[spmem:s17], [sflag:s6] =	dma.local [hbm:s0], $0x2780  }
0x1d: {  	_ =	swait.ge [sflag:s18], $0x2780  }
0x1e: {  	s5 =	simm.s32 $0x80;
	[sflag:s18] =	ssyncset.done $0x0  }
0x1f: {  	s8 =	simm.s32 $0x400;
	s11 =	rddreg [dreg:$0x4];
	[sflag:s18] =	ssyncadd.s32 $0xFFFFD880  }
0x20: {  	[tilespmem:s3], [sflag:$0x4] =	stream.strided.gather [hbm4b:s11+s5], $0x2780, s8, s5, $0x38;
	[tilespmem:$0x1F580] =	vst v63  }
0x21: {  	_ =	swait.ge [sflag:s18], $0x2780  }
0x22: {  	[sflag:s18] =	ssyncset.done $0x0  }
0x23: {  	[sflag:s18] =	ssyncadd.s32 $0xFFFFD880  }
0x24: {  	[bflag:$0x0] =	sbarrier.arrive $0xFFFF  }
0x25: {  	[tilespmem:s21], [sflag:$0x3] =	stream.linear.gather [hbm4b:s7+s3], $0x80, $0x38;
	[tilespmem:$0x1F580] =	vst v63  }
0x26: {  	_ = 	snop  }
0x27: {  	[tilespmem:s23], [sflag:$0x1] =	stream.indirect.gather [hbm4b:s4+s22], $0x80, s3, s22, $0xb8;
	[tilespmem:$0x1F580] =	vst v63  }
0x28: {  	s8 =	rddreg [dreg:$0x5]  }
0x29: {  	[tilespmem:s24], [sflag:$0x3] =	stream.linear.gather [hbm4b:s8+s3], $0x80, $0x38;
	[tilespmem:$0x1F580] =	vst v63  }
0x2a: {  	_ = 	snop  }
0x2b: {  	[tilespmem:s25], [sflag:$0x1] =	stream.indirect.gather [hbm4b:s4+s22], $0x80, s22, s22, $0xb8;
	[tilespmem:$0x1F580] =	vst v63  }
0x2c: {  	_ =	swait.ge [sflag:s26], $0x2400  }
0x2d: {  	[sflag:s26] =	ssyncset.done $0x0  }
0x2e: {  	[sflag:s26] =	ssyncadd.s32 $0xFFFFDC00  }
0x2f: {  	_ =	swait.ge [sflag:s28], $0x80  }
0x30: {  	[sflag:s28] =	ssyncset.done $0x0  }
0x31: {  	[sflag:s28] =	ssyncadd.s32 $0xFFFFFF80  }
0x32: {  	[spmem:s2] =	stream.indirect.scatter.add.f32 [tilespmem:s23], [sflag:$0x2], $0x80, s21, s22, $0xb8;
	[tilespmem:$0x1F580] =	vst v63  }
0x33: {  	s9 =	rddreg [dreg:$0x6]  }
0x34: {  	[tilespmem:s29], [sflag:$0x3] =	stream.linear.gather [hbm4b:s9+s3], $0x80, $0x38;
	[tilespmem:$0x1F580] =	vst v63  }
0x35: {  	s10 =	simm.s32 $0x90  }
0x36: {  	[tilespmem:s31], [sflag:$0x1] =	stream.indirect.gather [hbm4b:s4+s22], $0x80, s10, s22, $0xb8;
	[tilespmem:$0x1F580] =	vst v63  }
0x37: {  	_ =	swait.ge [sflag:s26], $0x2400  }
0x38: {  	[sflag:s26] =	ssyncset.done $0x0  }
0x39: {  	[sflag:s26] =	ssyncadd.s32 $0xFFFFDC00  }
0x3a: {  	_ =	swait.ge [sflag:s28], $0x80  }
0x3b: {  	[sflag:s28] =	ssyncset.done $0x0  }
0x3c: {  	[sflag:s28] =	ssyncadd.s32 $0xFFFFFF80  }
0x3d: {  	[spmem:s2] =	stream.indirect.scatter.add.f32 [tilespmem:s25], [sflag:$0x2], $0x80, s24, s22, $0xb8;
	[tilespmem:$0x1F580] =	vst v63  }
0x3e: {  	s11 =	rddreg [dreg:$0x7]  }
0x3f: {  	[tilespmem:s1], [sflag:$0x3] =	stream.linear.gather [hbm4b:s11+s3], $0x80, $0x38;
	[tilespmem:$0x1F580] =	vst v63  }
0x40: {  	s5 =	simm.s32 $0xD8  }
0x41: {  	[tilespmem:s19], [sflag:$0x1] =	stream.indirect.gather [hbm4b:s4+s22], $0x80, s5, s22, $0xb8;
	[tilespmem:$0x1F580] =	vst v63  }
0x42: {  	_ =	swait.ge [sflag:s26], $0x2400  }
0x43: {  	[sflag:s26] =	ssyncset.done $0x0  }
0x44: {  	[sflag:s26] =	ssyncadd.s32 $0xFFFFDC00  }
0x45: {  	_ =	swait.ge [sflag:s28], $0x80  }
0x46: {  	[sflag:s28] =	ssyncset.done $0x0  }
0x47: {  	[sflag:s28] =	ssyncadd.s32 $0xFFFFFF80  }
0x48: {  	[spmem:s2] =	stream.indirect.scatter.add.f32 [tilespmem:s31], [sflag:$0x2], $0x80, s29, s22, $0xb8;
	[tilespmem:$0x1F580] =	vst v63  }
0x49: {  	_ =	swait.ge [sflag:s20], $0x2400  }
0x4a: {  	[sflag:s20] =	ssyncset.done $0x0  }
0x4b: {  	[sflag:s20] =	ssyncadd.s32 $0xFFFFDC00  }
0x4c: {  	[tilespmem:s21], [sflag:$0x3] =	stream.linear.gather [hbm4b:s14+s3], $0x80, $0x38;
	[tilespmem:$0x1F580] =	vst v63  }
0x4d: {  	s8 =	simm.s32 $0x120  }
0x4e: {  	[tilespmem:s23], [sflag:$0x1] =	stream.indirect.gather [hbm4b:s4+s22], $0x80, s8, s22, $0xb8;
	[tilespmem:$0x1F580] =	vst v63  }
0x4f: {  	_ =	swait.ge [sflag:s26], $0x2400  }
0x50: {  	[sflag:s26] =	ssyncset.done $0x0  }
0x51: {  	[sflag:s26] =	ssyncadd.s32 $0xFFFFDC00  }
0x52: {  	_ =	swait.ge [sflag:s28], $0x80  }
0x53: {  	[sflag:s28] =	ssyncset.done $0x0  }
0x54: {  	[sflag:s28] =	ssyncadd.s32 $0xFFFFFF80  }
0x55: {  	[spmem:s2] =	stream.indirect.scatter.add.f32 [tilespmem:s19], [sflag:$0x2], $0x80, s1, s22, $0xb8;
	[tilespmem:$0x1F580] =	vst v63  }
0x56: {  	_ =	swait.ge [sflag:s20], $0x2400  }
0x57: {  	[sflag:s20] =	ssyncset.done $0x0  }
0x58: {  	s9 =	sadd.s32 $0xFFFFFFE0, s15;
	[sflag:s20] =	ssyncadd.s32 $0xFFFFDC00  }
0x59: {  	[tilespmem:s24], [sflag:$0x3] =	stream.linear.gather [hbm4b:s9+s3], $0x80, $0x38;
	[tilespmem:$0x1F580] =	vst v63  }
0x5a: {  	s10 =	simm.s32 $0x168  }
0x5b: {  	[tilespmem:s25], [sflag:$0x1] =	stream.indirect.gather [hbm4b:s4+s22], $0x80, s10, s22, $0xb8;
	[tilespmem:$0x1F580] =	vst v63  }
0x5c: {  	_ =	swait.ge [sflag:s26], $0x2400  }
0x5d: {  	[sflag:s26] =	ssyncset.done $0x0  }
0x5e: {  	[sflag:s26] =	ssyncadd.s32 $0xFFFFDC00  }
0x5f: {  	_ =	swait.ge [sflag:s28], $0x80  }
0x60: {  	[sflag:s28] =	ssyncset.done $0x0  }
0x61: {  	[sflag:s28] =	ssyncadd.s32 $0xFFFFFF80  }
0x62: {  	[spmem:s2] =	stream.indirect.scatter.add.f32 [tilespmem:s23], [sflag:$0x2], $0x80, s21, s22, $0xb8;
	[tilespmem:$0x1F580] =	vst v63  }
0x63: {  	_ =	swait.ge [sflag:s20], $0x2400  }
0x64: {  	[sflag:s20] =	ssyncset.done $0x0  }
0x65: {  	[sflag:s20] =	ssyncadd.s32 $0xFFFFDC00  }
0x66: {  	[tilespmem:s29], [sflag:$0x3] =	stream.linear.gather [hbm4b:s16+s3], $0x80, $0x38;
	[tilespmem:$0x1F580] =	vst v63  }
0x67: {  	s11 =	simm.s32 $0x1B0  }
0x68: {  	[tilespmem:s31], [sflag:$0x1] =	stream.indirect.gather [hbm4b:s4+s22], $0x80, s11, s22, $0xb8;
	[tilespmem:$0x1F580] =	vst v63  }
0x69: {  	_ =	swait.ge [sflag:s26], $0x2400  }
0x6a: {  	[sflag:s26] =	ssyncset.done $0x0  }
0x6b: {  	[sflag:s26] =	ssyncadd.s32 $0xFFFFDC00  }
0x6c: {  	_ =	swait.ge [sflag:s28], $0x80  }
0x6d: {  	[sflag:s28] =	ssyncset.done $0x0  }
0x6e: {  	[sflag:s28] =	ssyncadd.s32 $0xFFFFFF80  }
0x6f: {  	[spmem:s2] =	stream.indirect.scatter.add.f32 [tilespmem:s25], [sflag:$0x2], $0x80, s24, s22, $0xb8;
	[tilespmem:$0x1F580] =	vst v63  }
0x70: {  	s0 =	simm.s32 $0x480;
	_ =	swait.ge [sflag:s20], $0x2400  }
0x71: {  	s5 =	sadd.s32 $0x40, s16;
	s8 =	sadd.s32 $0x40, s14;
	[sflag:s20] =	ssyncset.done $0x0  }
0x72: {  	s9 =	sadd.s32 $0x40, s15;
	s10 =	simm.s32 $0x1F8;
	[sflag:s20] =	ssyncadd.s32 $0xFFFFDC00  }
0x73: {  	[tilespmem:s1], [sflag:$0x3] =	stream.linear.gather [hbm4b:s15+s3], $0x80, $0x38;
	[tilespmem:$0x1F580] =	vst v63  }
.LBB2_2:
0x74: {  	[tilespmem:s19], [sflag:$0x1] =	stream.indirect.gather [hbm4b:s4+s22], $0x80, s10, s22, $0xb8;
	[tilespmem:$0x1F580] =	vst v63  }
0x75: {  	s10 =	smov.u32 s0  }
0x76: {  	p0 =	sne.s32 s0, $0x9480;
	s0 =	sadd.s32 $0x480, s0;
	_ =	swait.ge [sflag:s26], $0x2400  }
0x77: {  	[sflag:s26] =	ssyncset.done $0x0  }
0x78: {  	[sflag:s26] =	ssyncadd.s32 $0xFFFFDC00  }
0x79: {  	_ =	swait.ge [sflag:s28], $0x80  }
0x7a: {  	[sflag:s28] =	ssyncset.done $0x0  }
0x7b: {  	[sflag:s28] =	ssyncadd.s32 $0xFFFFFF80  }
0x7c: {  	[spmem:s2] =	stream.indirect.scatter.add.f32 [tilespmem:s31], [sflag:$0x2], $0x80, s29, s22, $0xb8;
	[tilespmem:$0x1F580] =	vst v63  }
0x7d: {  	_ =	swait.ge [sflag:s20], $0x2400  }
0x7e: {  	[sflag:s20] =	ssyncset.done $0x0  }
0x7f: {  	s10 =	sshra.s32 s10, $0x2;
	[sflag:s20] =	ssyncadd.s32 $0xFFFFDC00  }
0x80: {  	[tilespmem:s21], [sflag:$0x3] =	stream.linear.gather [hbm4b:s8+s3], $0x80, $0x38;
	[tilespmem:$0x1F580] =	vst v63  }
0x81: {  	s11 =	sadd.s32 $0x120, s10  }
0x82: {  	[tilespmem:s23], [sflag:$0x1] =	stream.indirect.gather [hbm4b:s4+s22], $0x80, s11, s22, $0xb8;
	[tilespmem:$0x1F580] =	vst v63  }
0x83: {  	_ =	swait.ge [sflag:s26], $0x2400  }
0x84: {  	[sflag:s26] =	ssyncset.done $0x0  }
0x85: {  	[sflag:s26] =	ssyncadd.s32 $0xFFFFDC00  }
0x86: {  	_ =	swait.ge [sflag:s28], $0x80  }
0x87: {  	[sflag:s28] =	ssyncset.done $0x0  }
0x88: {  	[sflag:s28] =	ssyncadd.s32 $0xFFFFFF80  }
0x89: {  	[spmem:s2] =	stream.indirect.scatter.add.f32 [tilespmem:s19], [sflag:$0x2], $0x80, s1, s22, $0xb8;
	[tilespmem:$0x1F580] =	vst v63  }
0x8a: {  	_ =	swait.ge [sflag:s20], $0x2400  }
0x8b: {  	[sflag:s20] =	ssyncset.done $0x0  }
0x8c: {  	s11 =	sadd.s32 $0xFFFFFFE0, s9;
	[sflag:s20] =	ssyncadd.s32 $0xFFFFDC00  }
0x8d: {  	[tilespmem:s24], [sflag:$0x3] =	stream.linear.gather [hbm4b:s11+s3], $0x80, $0x38;
	[tilespmem:$0x1F580] =	vst v63  }
0x8e: {  	s11 =	sadd.s32 $0x168, s10  }
0x8f: {  	[tilespmem:s25], [sflag:$0x1] =	stream.indirect.gather [hbm4b:s4+s22], $0x80, s11, s22, $0xb8;
	[tilespmem:$0x1F580] =	vst v63  }
0x90: {  	_ =	swait.ge [sflag:s26], $0x2400  }
0x91: {  	[sflag:s26] =	ssyncset.done $0x0  }
0x92: {  	[sflag:s26] =	ssyncadd.s32 $0xFFFFDC00  }
0x93: {  	_ =	swait.ge [sflag:s28], $0x80  }
0x94: {  	[sflag:s28] =	ssyncset.done $0x0  }
0x95: {  	[sflag:s28] =	ssyncadd.s32 $0xFFFFFF80  }
0x96: {  	[spmem:s2] =	stream.indirect.scatter.add.f32 [tilespmem:s23], [sflag:$0x2], $0x80, s21, s22, $0xb8;
	[tilespmem:$0x1F580] =	vst v63  }
0x97: {  	_ =	swait.ge [sflag:s20], $0x2400  }
0x98: {  	[sflag:s20] =	ssyncset.done $0x0  }
0x99: {  	[sflag:s20] =	ssyncadd.s32 $0xFFFFDC00  }
0x9a: {  	[tilespmem:s29], [sflag:$0x3] =	stream.linear.gather [hbm4b:s5+s3], $0x80, $0x38;
	[tilespmem:$0x1F580] =	vst v63  }
0x9b: {  	s11 =	sadd.s32 $0x1B0, s10  }
0x9c: {  	[tilespmem:s31], [sflag:$0x1] =	stream.indirect.gather [hbm4b:s4+s22], $0x80, s11, s22, $0xb8;
	[tilespmem:$0x1F580] =	vst v63  }
0x9d: {  	_ =	swait.ge [sflag:s26], $0x2400  }
0x9e: {  	[sflag:s26] =	ssyncset.done $0x0  }
0x9f: {  	[sflag:s26] =	ssyncadd.s32 $0xFFFFDC00  }
0xa0: {  	_ =	swait.ge [sflag:s28], $0x80  }
0xa1: {  	[sflag:s28] =	ssyncset.done $0x0  }
0xa2: {  	[sflag:s28] =	ssyncadd.s32 $0xFFFFFF80  }
0xa3: {  	[spmem:s2] =	stream.indirect.scatter.add.f32 [tilespmem:s25], [sflag:$0x2], $0x80, s24, s22, $0xb8;
	[tilespmem:$0x1F580] =	vst v63  }
.Ltmp0:
0xa4: {  	_ =	swait.ge [sflag:s20], $0x2400;
	(pc) =	sbr.rel @p0 .LBB2_2-.Ltmp0, $4  }
0xa5: {  	[sflag:s20] =	ssyncset.done $0x0  }
0xa6: {  	s5 =	sadd.s32 $0x40, s5;
	[sflag:s20] =	ssyncadd.s32 $0xFFFFDC00  }
0xa7: {  	[tilespmem:s1], [sflag:$0x3] =	stream.linear.gather [hbm4b:s9+s3], $0x80, $0x38;
	[tilespmem:$0x1F580] =	vst v63  }
0xa8: {  	s8 =	sadd.s32 $0x40, s8;
	s10 =	sadd.s32 $0x1F8, s10;
	s9 =	sadd.s32 $0x40, s9  }
0xa9: {  	[tilespmem:s19], [sflag:$0x1] =	stream.indirect.gather [hbm4b:s4+s22], $0x80, s10, s22, $0xb8;
	[tilespmem:$0x1F580] =	vst v63  }
0xaa: {  	_ =	swait.ge [sflag:s26], $0x2400  }
0xab: {  	[sflag:s26] =	ssyncset.done $0x0  }
0xac: {  	[sflag:s26] =	ssyncadd.s32 $0xFFFFDC00  }
0xad: {  	_ =	swait.ge [sflag:s28], $0x80  }
0xae: {  	[sflag:s28] =	ssyncset.done $0x0  }
0xaf: {  	[sflag:s28] =	ssyncadd.s32 $0xFFFFFF80  }
0xb0: {  	[spmem:s2] =	stream.indirect.scatter.add.f32 [tilespmem:s31], [sflag:$0x2], $0x80, s29, s22, $0xb8;
	[tilespmem:$0x1F580] =	vst v63  }
0xb1: {  	_ =	swait.ge [sflag:s26], $0x2400  }
0xb2: {  	[sflag:s26] =	ssyncset.done $0x0  }
0xb3: {  	[sflag:s26] =	ssyncadd.s32 $0xFFFFDC00  }
0xb4: {  	_ =	swait.ge [sflag:s28], $0x80  }
0xb5: {  	[sflag:s28] =	ssyncset.done $0x0  }
0xb6: {  	[sflag:s28] =	ssyncadd.s32 $0xFFFFFF80  }
0xb7: {  	[spmem:s2] =	stream.indirect.scatter.add.f32 [tilespmem:s19], [sflag:$0x2], $0x80, s1, s22, $0xb8;
	[tilespmem:$0x1F580] =	vst v63  }
0xb8: {  	_ =	swait.ge [sflag:s20], $0x2400  }
0xb9: {  	[sflag:s20] =	ssyncset.done $0x0  }
0xba: {  	[sflag:s20] =	ssyncadd.s32 $0xFFFFDC00  }
0xbb: {  	_ =	swait.ge [sflag:s20], $0x2400  }
0xbc: {  	[sflag:s20] =	ssyncset.done $0x0  }
0xbd: {  	[sflag:s20] =	ssyncadd.s32 $0xFFFFDC00  }
0xbe: {  	_ =	swait.ge [sflag:s20], $0x2400  }
0xbf: {  	[sflag:s20] =	ssyncset.done $0x0  }
0xc0: {  	[sflag:s20] =	ssyncadd.s32 $0xFFFFDC00  }
0xc1: {  	_ =	swait.ge [sflag:s20], $0x2400  }
0xc2: {  	s30 =	sadd.s32 $0x1, s30;
	[sflag:s20] =	ssyncset.done $0x0  }
0xc3: {  	p0 =	sne.s32 s30, s13;
	[sflag:s20] =	ssyncadd.s32 $0xFFFFDC00  }
.Ltmp1:
0xc4: {  	[bflag:$0x0] =	sbarrier.arrive $0xFFFF;
	(pc) =	sbr.rel @p0 .LBB2_1-.Ltmp1, $4  }
0xc5: {  	[hbm:s12], [sflag:s6] =	dma.local [spmem:s17], $0x2780  }
0xc6: {  	_ =	swait.ge [sflag:s18], $0x2780  }
0xc7: {  	[sflag:s18] =	ssyncset.done $0x0  }
0xc8: {  	[sflag:s18] =	ssyncadd.s32 $0xFFFFD880  }
0xc9: {  	_ =	sfence.sel $0x180000  }
0xca: {  	[bflag:$0x0] =	sbarrier.arrive $0xFFFF  }
0xcb: {  	_ =	strace $0x9000004A  }
0xcc: {  	s0 =	stileid.u32;
	[bflag:$0x2] =	sbarrier.arrive $0xFFFF  }
0xcd: {  	p0 =	sne.s32 s0, $0x0;
	s0 =	rddreg [dreg:$0x2]  }
0xce: {  	s0 =	sadd.s32 @!p0 $0x100000, s0  }
0xcf: {  	[sflag:s0] =	ssyncadd.tile.s32 @!p0 $0x1;
	_ =	shalt  }
.Lfunc_end2:
_tile_overlayer_lowered:
.L_overlay_start_2:
0xd0: {  	(tag) =	ssettag $0x2  }
0xd1: {  	s0 =	rddreg [dreg:$0x0];
	s2 =	stileid.u32  }
0xd2: {  	s1 =	rddreg [dreg:$0x1];
	p0 =	sne.s32 s2, $0x0  }
0xd3: {  	s3 =	rddreg [dreg:$0x2];
	[bflag:$0x3] =	sbarrier.arrive $0xFFFF;
	s2 =	simm.s32 @!p0 $0x1C04  }
0xd4: {  	[timem:s3], [sflag:s2] =	dma.local @!p0 [hbm:s0], s1  }
0xd5: {  	s0 =	simm.s32 @!p0 $0x4  }
0xd6: {  	_ =	swait.ge @!p0 [sflag:s0], s1  }
0xd7: {  	s1 =	ssub.s32 @!p0 $0x0, s1;
	[sflag:s0] =	ssyncset.done @!p0 $0x0  }
0xd8: {  	[sflag:s0] =	ssyncadd.s32 @!p0 s1  }
0xd9: {  	[bflag:$0x3] =	sbarrier.arrive $0xFFFF  }
0xda: {  	_ =	shalt  }

// kernel: kernel.8.cloned.1.call-start
scs
__scs_entry_jumppad:
0x0: {  	(pc) =	sbr.rel $0x88, $3  }
0x1: {  	(tag) =	ssettag $0x0;
	lr =	simm.s32 $0x1  }
0x2: {  	[smem:$0x3F93] =	sst lr;
	_ =	strace $0xD0000000  }
0x3: {  	_ = 	snop  }
0x4: {  	_ = 	snop  }
0x5: {  	_ = 	snop  }
0x6: {  	_ = 	snop  }
0x7: {  	_ = 	snop  }
__scs_overlays_trampoline_lowered:
0x8: {  	[smem:$0x3FA2] =	sst s0  }
0x9: {  	[smem:$0x3FA3] =	sst s1  }
0xa: {  	[smem:$0x3FA4] =	sst s2  }
0xb: {  	[smem:$0x3FA5] =	sst s3  }
0xc: {  	[smem:$0x3FA6] =	sst s4  }
0xd: {  	[smem:$0x3FA7] =	sst s5  }
0xe: {  	[smem:$0x3FA8] =	sst s6  }
0xf: {  	[smem:$0x3FA9] =	sst s7  }
0x10: {  	[smem:$0x3FAA] =	sst s8  }
0x11: {  	[smem:$0x3FAB] =	sst s9;
	s0 =	simm.s32 @!p0 $0x0  }
0x12: {  	s1 =	sld [smem:$0x3F91];
	s0 =	simm.s32 @p0 $0x1  }
0x13: {  	[smem:$0x3FAC] =	sst s0;
	s0 =	simm.s32 @!p1 $0x0  }
0x14: {  	s2 =	sld [smem:$0x3F90];
	s0 =	simm.s32 @p1 $0x1  }
0x15: {  	[smem:$0x3FAD] =	sst s0;
	s0 =	simm.s32 @!p2 $0x0  }
0x16: {  	s3 =	sld [smem:$0x3FDB];
	s0 =	simm.s32 @p2 $0x1  }
0x17: {  	s4 =	simm.s32 $0x1BF5;
	[smem:$0x3FAF] =	sst s0  }
0x18: {  	s0 =	sld [smem:$0x3F92];
	_ =	swait.ge [sflag:s4], $0x0  }
0x19: {  	s7 =	sld [smem:$0x3F93]  }
0x1a: {  	s8 =	sadd.s32 $0xFFFFE003, lr  }
0x1b: {  	s9 =	sadd.s32 $0xFFFFFEF7, lr;
	s5 =	simm.s32 $0xFFFFFFFF;
	p2 =	slt.u32 s8, $0xFFFFF086  }
0x1c: {  	p1 =	slt.u32 s9, $0xF7A;
	s5 =	simm.s32 @!p2 $0x0  }
0x1d: {  	s5 =	simm.s32 @p1 $0x1;
	p0 =	seq.s32 s7, s2  }
0x1e: {  	s7 =	smul.u32 @!p0 $0xF7A, s2;
	p2 =	seq.s32 @!p0 s5, $0x0  }
0x1f: {  	s9 =	smul.u32 $0xF7A, s1;
	s8 =	simm.s32 @!p0 $0x1BF5;
	p2 =	por !p2, p0  }
0x20: {  	[sflag:s8] =	ssyncset.s32 @!p0 $0xFFFFF086;
	s6 =	sadd.s32 @!p0 s3, s7;
	s7 =	simm.s32 @!p0 $0x108  }
0x21: {  	s3 =	sadd.s32 s3, s9;
	s6 =	sadd.s32 @!p0 $0x88, s6;
	s7 =	simm.s32 @p2 $0x1082  }
0x22: {  	[simem:s7], [sflag:s8] =	dma.local @!p0 [hbm:s6], $0xF7A  }
0x23: {  	s9 =	sor.u32 $0xD0000000, s2;
	s6 =	simm.s32 $0x108;
	_ =	swait.ge @!p0 [sflag:s8], $0x0  }
0x24: {  	s3 =	sadd.s32 $0x88, s3;
	s6 =	simm.s32 @!p1 $0x1082;
	[sflag:s4] =	ssyncset.s32 $0xFFFFF086  }
0x25: {  	[simem:s6], [sflag:s4] =	dma.local [hbm:s3], $0xF7A  }
0x26: {  	[smem:$0x3F93] =	sst s1;
	(tag) =	ssettag s2;
	_ =	strace s9  }
0x27: {  	s1 =	sld [smem:$0x3FA3]  }
0x28: {  	s2 =	sld [smem:$0x3FA4]  }
0x29: {  	s4 =	sld [smem:$0x3FA6]  }
0x2a: {  	p0 =	seq.s32 s5, $0x0;
	s5 =	sld [smem:$0x3FA7]  }
0x2b: {  	s6 =	sld [smem:$0x3FA8]  }
0x2c: {  	s7 =	sld [smem:$0x3FA9]  }
0x2d: {  	s3 =	simm.s32 $0x108;
	s8 =	sld [smem:$0x3FAA]  }
0x2e: {  	s3 =	simm.s32 @!p0 $0x1082;
	s9 =	sld [smem:$0x3FAB]  }
0x2f: {  	lr =	sadd.s32 s0, s3;
	s0 =	sld [smem:$0x3FA2]  }
0x30: {  	s3 =	sld [smem:$0x3FA5]  }
0x31: {  	[smem:$0x3FAE] =	sst s10  }
0x32: {  	s10 =	sld [smem:$0x3FAC];
	_ =	sdelay $0x3  }
0x33: {  	p0 =	seq.s32 s10, $0x1;
	s10 =	sld [smem:$0x3FAE];
	_ =	sdelay $0x3  }
0x34: {  	[smem:$0x3FAE] =	sst s10  }
0x35: {  	s10 =	sld [smem:$0x3FAD];
	_ =	sdelay $0x3  }
0x36: {  	p1 =	seq.s32 s10, $0x1;
	s10 =	sld [smem:$0x3FAE];
	_ =	sdelay $0x3  }
0x37: {  	[smem:$0x3FAE] =	sst s10  }
0x38: {  	s10 =	sld [smem:$0x3FAF]  }
0x39: {  	_ = 	snop;
	(pc) =	sbr.ind lr, $3  }
0x3a: {  	_ = 	snop  }
0x3b: {  	_ = 	snop  }
0x3c: {  	p2 =	seq.s32 s10, $0x1;
	s10 =	sld [smem:$0x3FAE]  }
0x3d: {  	_ =	shalt  }
0x3e: {  	_ =	shalt  }
0x3f: {  	_ =	shalt  }
0x40: {  	_ =	shalt  }
0x41: {  	_ =	shalt  }
0x42: {  	_ =	shalt  }
0x43: {  	_ =	shalt  }
0x44: {  	_ =	shalt  }
0x45: {  	_ =	shalt  }
0x46: {  	_ =	shalt  }
0x47: {  	_ =	shalt  }
0x48: {  	_ =	shalt  }
0x49: {  	_ =	shalt  }
0x4a: {  	_ =	shalt  }
0x4b: {  	_ =	shalt  }
0x4c: {  	_ =	shalt  }
0x4d: {  	_ =	shalt  }
0x4e: {  	_ =	shalt  }
0x4f: {  	_ =	shalt  }
0x50: {  	_ =	shalt  }
0x51: {  	_ =	shalt  }
0x52: {  	_ =	shalt  }
0x53: {  	_ =	shalt  }
0x54: {  	_ =	shalt  }
0x55: {  	_ =	shalt  }
0x56: {  	_ =	shalt  }
0x57: {  	_ =	shalt  }
0x58: {  	_ =	shalt  }
0x59: {  	_ =	shalt  }
0x5a: {  	_ =	shalt  }
0x5b: {  	_ =	shalt  }
0x5c: {  	_ =	shalt  }
0x5d: {  	_ =	shalt  }
0x5e: {  	_ =	shalt  }
0x5f: {  	_ =	shalt  }
0x60: {  	_ =	shalt  }
0x61: {  	_ =	shalt  }
0x62: {  	_ =	shalt  }
0x63: {  	_ =	shalt  }
0x64: {  	_ =	shalt  }
0x65: {  	_ =	shalt  }
0x66: {  	_ =	shalt  }
0x67: {  	_ =	shalt  }
0x68: {  	_ =	shalt  }
0x69: {  	_ =	shalt  }
0x6a: {  	_ =	shalt  }
0x6b: {  	_ =	shalt  }
0x6c: {  	_ =	shalt  }
0x6d: {  	_ =	shalt  }
0x6e: {  	_ =	shalt  }
0x6f: {  	_ =	shalt  }
0x70: {  	_ =	shalt  }
0x71: {  	_ =	shalt  }
0x72: {  	_ =	shalt  }
0x73: {  	_ =	shalt  }
0x74: {  	_ =	shalt  }
0x75: {  	_ =	shalt  }
0x76: {  	_ =	shalt  }
0x77: {  	_ =	shalt  }
0x78: {  	_ =	shalt  }
0x79: {  	_ =	shalt  }
0x7a: {  	_ =	shalt  }
0x7b: {  	_ =	shalt  }
0x7c: {  	_ =	shalt  }
0x7d: {  	_ =	shalt  }
0x7e: {  	_ =	shalt  }
0x7f: {  	_ =	shalt  }
0x80: {  	_ =	shalt  }
0x81: {  	_ =	shalt  }
0x82: {  	_ =	shalt  }
0x83: {  	_ =	shalt  }
0x84: {  	_ =	shalt  }
0x85: {  	_ =	shalt  }
0x86: {  	_ =	shalt  }
0x87: {  	_ =	shalt  }
.Lfunc_end0:
.L_simem_size_0:
called_computation_lowered:
.L_overlay_start_0:
0x88: {  	s2 =	sld [smem:$0x3FD9]  }
0x89: {  	s3 =	sld [smem:$0x3FFE];
	_ =	sdelay $0x1  }
0x8a: {  	s1 =	srdreg.scid  }
0x8b: {  	s0 =	sand.u32 $0x1, s1  }
0x8c: {  	s16 =	sshll.u32 s0, $0xA;
	s2 =	sadd.s32 s3, s2  }
0x8d: {  	s2 =	sadd.s32 s2, s16  }
0x8e: {  	[smem:$0x3FBA] =	sst s2  }
0x8f: {  	_ = 	snop  }
0x90: {  	(tm) =	ssettm $0x1  }
0x91: {  	s17 =	sld [smem:$0x3FFB];
	_ =	sdelay $0x3  }
0x92: {  	_ =	strace s17  }
0x93: {  	s2 =	sld [smem:$0x3FFC];
	_ =	sdelay $0x3  }
0x94: {  	_ =	strace s2  }
0x95: {  	s2 =	sld [smem:$0x3FFD];
	_ =	sdelay $0x3  }
0x96: {  	_ =	strace s2  }
0x97: {  	_ =	strace $0x8FFFFFFF  }
0x98: {  	s18 =	sld [smem:$0x3FDB];
	_ =	sdelay $0x1  }
0x99: {  	s19 =	simm.s32 $_scs_section_size  }
0x9a: {  	s4 =	simm.s32 $_size__tile_overlayer_lowered;
	s5 =	simm.s32 $_tile_overlayer_lowered  }
0x9b: {  	s22 =	simm.s32 $0x1BFF;
	s21 =	sshll.u32 s5, $0x1;
	s2 =	sadd.s32 s19, s18  }
0x9c: {  	s6 =	simm.s32 $0x0;
	s20 =	sshll.u32 s4, $0x1;
	s4 =	sadd.s32 s21, s2  }
0x9d: {  	[timem:s6], [sflag:s22] =	dma.local [hbm:s4], s20  }
0x9e: {  	_ =	swait.ge [sflag:s22], s20  }
0x9f: {  	s3 =	ssub.s32 $0x0, s20;
	[sflag:s22] =	ssyncset.done $0x0  }
0xa0: {  	[sflag:s22] =	ssyncadd.s32 s3;
	_ =	sdelay $0x1  }
0xa1: {  	s23 =	simm.s32 $0x1B8B  }
0xa2: {  	_ =	swait.ge [sflag:s23], $0x1  }
0xa3: {  	[sflag:s23] =	ssyncset.done $0x0  }
0xa4: {  	s25 =	simm.s32 $0x1B8E;
	s24 =	sld [smem:$0x3FFE];
	[sflag:s23] =	ssyncadd.s32 $0xFFFFFFFF  }
0xa5: {  	s26 =	simm.s32 $execute0_lowered;
	[smem:$0x3FD2] =	sst s25  }
0xa6: {  	s4 =	sshll.u32 s26, $0x1;
	_ =	strace $0x80000046;
	[dreg:$0x1] =	wrdreg $0xFFFFFFFF  }
0xa7: {  	s28 =	simm.s32 $_size_execute0_lowered;
	s2 =	sadd.s32 s2, s4;
	[dreg:$0x0] =	wrdreg $0x0  }
0xa8: {  	s4 =	sshll.u32 s28, $0x1;
	[dreg:$0x2] =	wrdreg s2  }
0xa9: {  	[dreg:$0x3] =	wrdreg s4  }
0xaa: {  	[dreg:$0x4] =	wrdreg $0xC0  }
0xab: {  	_ =	task [dreg:s6], $0x5FFFF  }
0xac: {  	[dreg:$0x1] =	wrdreg $0xFFFFFFFF  }
0xad: {  	[dreg:$0x0] =	wrdreg $0x60  }
0xae: {  	[dreg:$0x2] =	wrdreg s24  }
0xaf: {  	[dreg:$0x3] =	wrdreg $0xB9800  }
0xb0: {  	[dreg:$0x4] =	wrdreg $0x9  }
0xb1: {  	_ =	task.clear_ibuf [dreg:s6], $0x5FFFF;
	_ =	strace $0x90000046  }
0xb2: {  	s29 =	simm.s32 $0x9;
	_ =	strace $0x80000048  }
0xb3: {  	_ =	swait.ge [sflag:s29], $0x1  }
0xb4: {  	[sflag:s29] =	ssyncadd.s32 $0xFFFFFFFF  }
0xb5: {  	_ =	strace $0x90000048  }
0xb6: {  	_ =	sfence  }
0xb7: {  	s30 =	sld [smem:$0x0];
	_ =	sdelay $0x2  }
0xb8: {  	s31 =	sshll.u32 s1, $0xD;
	s1 =	sshrl.u32 s1, $0x2  }
0xb9: {  	s3 =	sand.u32 $0x4000, s31;
	s1 =	sadd.s32 s1, s30  }
0xba: {  	s0 =	sor.u32 s3, s0;
	s1 =	sshll.u32 s1, $0x11  }
0xbb: {  	s0 =	sor.u32 s1, s0  }
0xbc: {  	s0 =	sadd.s32 $0x8F2B, s0  }
0xbd: {  	[sflag:s0] =	ssyncadd.remote.s32 $0x1  }
0xbe: {  	_ =	sfence.sel $0xFFFF  }
0xbf: {  	[dreg:$0x0] =	wrdreg $0xFFFFFFFF;
	(pc) =	sbr.abs _section_cstart, $3  }
0xc0: {  	[dreg:$0x1] =	wrdreg $0xFFFFFFFF  }
0xc1: {  	_ =	task.clear_ibuf [dreg:s6], $0x2FFFF;
	_ =	strace $0x9FFFFFFF  }
0xc2: {  	(tm) =	ssettm $0x7FFFFFFF  }
0xc3: {  	_ =	shalt  }
tec
execute0_lowered:
.L_overlay_start_1:
0x0: {  	(tag) =	ssettag $0x1  }
0x1: {  	s0 =	srdreg.scid;
	s5 =	rddreg [dreg:$0x0]  }
0x2: {  	s12 =	stileid.u32;
	s2 =	rddreg [dreg:$0x1]  }
0x3: {  	s28 =	simm.s32 $0x3;
	s29 =	simm.s32 $0x2880;
	s31 =	simm.s32 $0x7180  }
0x4: {  	s30 =	simm.s32 $0x0;
	s0 =	sand.u32 $0x1, s0;
	s14 =	smul.u32 $0x13C00, s12  }
0x5: {  	s6 =	sshll.u32 s12, $0x7;
	s10 =	sadd.s32 $0x2200, s5;
	s11 =	smul.u32 $0x4F000, s12  }
0x6: {  	s19 =	sshll.u32 s12, $0x9;
	s20 =	smul.u32 $0x8C, s12;
	s22 =	sshll.u32 s12, $0x6  }
0x7: {  	s1 =	sshll.u32 s0, $0x4;
	s6 =	sand.u32 $0x380, s6;
	s8 =	smul.u32 $0x13C000, s0  }
0x8: {  	s16 =	ssub.s32 $0x2, s0;
	s0 =	smul.u32 $0x8C0, s0;
	s1 =	sor.u32 s12, s1  }
0x9: {  	s15 =	sshrl.u32 s14, $0x3;
	s17 =	sshrl.u32 s16, $0x1;
	s18 =	sshrl.u32 s11, $0x2  }
0xa: {  	s11 =	sand.u32 $0x200, s19;
	s19 =	simm.s32 $0x9580;
	s3 =	sshrl.u32 s1, $0x3  }
0xb: {  	s1 =	smul.u32 $0x4600, s1;
	s0 =	sadd.s32 s20, s0;
	s20 =	simm.s32 $0x2  }
0xc: {  	s4 =	smul.u32 $0x13C00, s3;
	s3 =	simm.s32 $0x0;
	s0 =	sshll.u32 s0, $0x4  }
0xd: {  	[smem:$0x7FF] =	sst s3;
	s1 =	sand.u32 $0xFFC00, s1;
	s0 =	sadd.s32 s10, s0  }
0xe: {  	s4 =	sor.u32 s6, s4;
	_ =	strace $0x80000047;
	s6 =	sadd.s32 s14, s8  }
0xf: {  	s8 =	ssub.s32 s16, s17;
	s17 =	sadd.s32 s18, s2;
	s1 =	sor.u32 s11, s1  }
0x10: {  	s14 =	sadd.s32 $0x40, s0;
	s16 =	sadd.s32 $0x60, s0;
	s18 =	simm.s32 $0x4  }
0x11: {  	s7 =	sshrl.u32 s4, $0x3;
	s4 =	sadd.s32 $0x1D800, s5;
	s6 =	sshrl.u32 s6, $0x3  }
0x12: {  	s1 =	sshrl.u32 s1, $0x3;
	s13 =	smax.u32 s8, $0x1;
	s17 =	sshrl.u32 s17, $0x3  }
0x13: {  	s9 =	sadd.s32 s7, s5;
	s7 =	sadd.s32 s15, s5;
	s5 =	sadd.s32 s6, s5  }
0x14: {  	s6 =	sor.u32 $0x1C04, s22;
	s15 =	sadd.s32 $0x70, s0;
	s21 =	sadd.s32 $0x45000, s7  }
0x15: {  	s7 =	sadd.s32 s10, s1;
	s23 =	sadd.s32 $0x13A00, s9;
	[dreg:$0x3] =	wrdreg s21  }
0x16: {  	s22 =	simm.s32 $0x48;
	[dreg:$0x4] =	wrdreg s23;
	s24 =	sadd.s32 $0x10, s7  }
0x17: {  	s12 =	sadd.s32 $0x6C800, s5;
	s25 =	sadd.s32 $0x20, s7;
	[dreg:$0x5] =	wrdreg s24  }
0x18: {  	s1 =	simm.s32 $0x2900;
	s26 =	sadd.s32 $0x30, s7;
	[dreg:$0x6] =	wrdreg s25  }
0x19: {  	s21 =	simm.s32 $0x2780;
	s23 =	simm.s32 $0x2980;
	[dreg:$0x7] =	wrdreg s26  }
0x1a: {  	s24 =	simm.s32 $0x2800;
	s25 =	simm.s32 $0x4D80;
	s26 =	simm.s32 $0x1  }
.LBB2_1:
0x1b: {  	s0 =	rddreg [dreg:$0x3]  }
0x1c: {  	[spmem:s17], [sflag:s6] =	dma.local [hbm:s0], $0x2780  }
0x1d: {  	_ =	swait.ge [sflag:s18], $0x2780  }
0x1e: {  	s5 =	simm.s32 $0x80;
	[sflag:s18] =	ssyncset.done $0x0  }
0x1f: {  	s8 =	simm.s32 $0x400;
	s11 =	rddreg [dreg:$0x4];
	[sflag:s18] =	ssyncadd.s32 $0xFFFFD880  }
0x20: {  	[tilespmem:s3], [sflag:$0x4] =	stream.strided.gather [hbm4b:s11+s5], $0x2780, s8, s5, $0x38;
	[tilespmem:$0x1F580] =	vst v63  }
0x21: {  	_ =	swait.ge [sflag:s18], $0x2780  }
0x22: {  	[sflag:s18] =	ssyncset.done $0x0  }
0x23: {  	[sflag:s18] =	ssyncadd.s32 $0xFFFFD880  }
0x24: {  	[bflag:$0x0] =	sbarrier.arrive $0xFFFF  }
0x25: {  	[tilespmem:s21], [sflag:$0x3] =	stream.linear.gather [hbm4b:s7+s3], $0x80, $0x38;
	[tilespmem:$0x1F580] =	vst v63  }
0x26: {  	_ = 	snop  }
0x27: {  	[tilespmem:s23], [sflag:$0x1] =	stream.indirect.gather [hbm4b:s4+s22], $0x80, s3, s22, $0xb8;
	[tilespmem:$0x1F580] =	vst v63  }
0x28: {  	s8 =	rddreg [dreg:$0x5]  }
0x29: {  	[tilespmem:s24], [sflag:$0x3] =	stream.linear.gather [hbm4b:s8+s3], $0x80, $0x38;
	[tilespmem:$0x1F580] =	vst v63  }
0x2a: {  	_ = 	snop  }
0x2b: {  	[tilespmem:s25], [sflag:$0x1] =	stream.indirect.gather [hbm4b:s4+s22], $0x80, s22, s22, $0xb8;
	[tilespmem:$0x1F580] =	vst v63  }
0x2c: {  	_ =	swait.ge [sflag:s26], $0x2400  }
0x2d: {  	[sflag:s26] =	ssyncset.done $0x0  }
0x2e: {  	[sflag:s26] =	ssyncadd.s32 $0xFFFFDC00  }
0x2f: {  	_ =	swait.ge [sflag:s28], $0x80  }
0x30: {  	[sflag:s28] =	ssyncset.done $0x0  }
0x31: {  	[sflag:s28] =	ssyncadd.s32 $0xFFFFFF80  }
0x32: {  	[spmem:s2] =	stream.indirect.scatter.add.f32 [tilespmem:s23], [sflag:$0x2], $0x80, s21, s22, $0xb8;
	[tilespmem:$0x1F580] =	vst v63  }
0x33: {  	s9 =	rddreg [dreg:$0x6]  }
0x34: {  	[tilespmem:s29], [sflag:$0x3] =	stream.linear.gather [hbm4b:s9+s3], $0x80, $0x38;
	[tilespmem:$0x1F580] =	vst v63  }
0x35: {  	s10 =	simm.s32 $0x90  }
0x36: {  	[tilespmem:s31], [sflag:$0x1] =	stream.indirect.gather [hbm4b:s4+s22], $0x80, s10, s22, $0xb8;
	[tilespmem:$0x1F580] =	vst v63  }
0x37: {  	_ =	swait.ge [sflag:s26], $0x2400  }
0x38: {  	[sflag:s26] =	ssyncset.done $0x0  }
0x39: {  	[sflag:s26] =	ssyncadd.s32 $0xFFFFDC00  }
0x3a: {  	_ =	swait.ge [sflag:s28], $0x80  }
0x3b: {  	[sflag:s28] =	ssyncset.done $0x0  }
0x3c: {  	[sflag:s28] =	ssyncadd.s32 $0xFFFFFF80  }
0x3d: {  	[spmem:s2] =	stream.indirect.scatter.add.f32 [tilespmem:s25], [sflag:$0x2], $0x80, s24, s22, $0xb8;
	[tilespmem:$0x1F580] =	vst v63  }
0x3e: {  	s11 =	rddreg [dreg:$0x7]  }
0x3f: {  	[tilespmem:s1], [sflag:$0x3] =	stream.linear.gather [hbm4b:s11+s3], $0x80, $0x38;
	[tilespmem:$0x1F580] =	vst v63  }
0x40: {  	s5 =	simm.s32 $0xD8  }
0x41: {  	[tilespmem:s19], [sflag:$0x1] =	stream.indirect.gather [hbm4b:s4+s22], $0x80, s5, s22, $0xb8;
	[tilespmem:$0x1F580] =	vst v63  }
0x42: {  	_ =	swait.ge [sflag:s26], $0x2400  }
0x43: {  	[sflag:s26] =	ssyncset.done $0x0  }
0x44: {  	[sflag:s26] =	ssyncadd.s32 $0xFFFFDC00  }
0x45: {  	_ =	swait.ge [sflag:s28], $0x80  }
0x46: {  	[sflag:s28] =	ssyncset.done $0x0  }
0x47: {  	[sflag:s28] =	ssyncadd.s32 $0xFFFFFF80  }
0x48: {  	[spmem:s2] =	stream.indirect.scatter.add.f32 [tilespmem:s31], [sflag:$0x2], $0x80, s29, s22, $0xb8;
	[tilespmem:$0x1F580] =	vst v63  }
0x49: {  	_ =	swait.ge [sflag:s20], $0x2400  }
0x4a: {  	[sflag:s20] =	ssyncset.done $0x0  }
0x4b: {  	[sflag:s20] =	ssyncadd.s32 $0xFFFFDC00  }
0x4c: {  	[tilespmem:s21], [sflag:$0x3] =	stream.linear.gather [hbm4b:s14+s3], $0x80, $0x38;
	[tilespmem:$0x1F580] =	vst v63  }
0x4d: {  	s8 =	simm.s32 $0x120  }
0x4e: {  	[tilespmem:s23], [sflag:$0x1] =	stream.indirect.gather [hbm4b:s4+s22], $0x80, s8, s22, $0xb8;
	[tilespmem:$0x1F580] =	vst v63  }
0x4f: {  	_ =	swait.ge [sflag:s26], $0x2400  }
0x50: {  	[sflag:s26] =	ssyncset.done $0x0  }
0x51: {  	[sflag:s26] =	ssyncadd.s32 $0xFFFFDC00  }
0x52: {  	_ =	swait.ge [sflag:s28], $0x80  }
0x53: {  	[sflag:s28] =	ssyncset.done $0x0  }
0x54: {  	[sflag:s28] =	ssyncadd.s32 $0xFFFFFF80  }
0x55: {  	[spmem:s2] =	stream.indirect.scatter.add.f32 [tilespmem:s19], [sflag:$0x2], $0x80, s1, s22, $0xb8;
	[tilespmem:$0x1F580] =	vst v63  }
0x56: {  	_ =	swait.ge [sflag:s20], $0x2400  }
0x57: {  	[sflag:s20] =	ssyncset.done $0x0  }
0x58: {  	s9 =	sadd.s32 $0xFFFFFFE0, s15;
	[sflag:s20] =	ssyncadd.s32 $0xFFFFDC00  }
0x59: {  	[tilespmem:s24], [sflag:$0x3] =	stream.linear.gather [hbm4b:s9+s3], $0x80, $0x38;
	[tilespmem:$0x1F580] =	vst v63  }
0x5a: {  	s10 =	simm.s32 $0x168  }
0x5b: {  	[tilespmem:s25], [sflag:$0x1] =	stream.indirect.gather [hbm4b:s4+s22], $0x80, s10, s22, $0xb8;
	[tilespmem:$0x1F580] =	vst v63  }
0x5c: {  	_ =	swait.ge [sflag:s26], $0x2400  }
0x5d: {  	[sflag:s26] =	ssyncset.done $0x0  }
0x5e: {  	[sflag:s26] =	ssyncadd.s32 $0xFFFFDC00  }
0x5f: {  	_ =	swait.ge [sflag:s28], $0x80  }
0x60: {  	[sflag:s28] =	ssyncset.done $0x0  }
0x61: {  	[sflag:s28] =	ssyncadd.s32 $0xFFFFFF80  }
0x62: {  	[spmem:s2] =	stream.indirect.scatter.add.f32 [tilespmem:s23], [sflag:$0x2], $0x80, s21, s22, $0xb8;
	[tilespmem:$0x1F580] =	vst v63  }
0x63: {  	_ =	swait.ge [sflag:s20], $0x2400  }
0x64: {  	[sflag:s20] =	ssyncset.done $0x0  }
0x65: {  	[sflag:s20] =	ssyncadd.s32 $0xFFFFDC00  }
0x66: {  	[tilespmem:s29], [sflag:$0x3] =	stream.linear.gather [hbm4b:s16+s3], $0x80, $0x38;
	[tilespmem:$0x1F580] =	vst v63  }
0x67: {  	s11 =	simm.s32 $0x1B0  }
0x68: {  	[tilespmem:s31], [sflag:$0x1] =	stream.indirect.gather [hbm4b:s4+s22], $0x80, s11, s22, $0xb8;
	[tilespmem:$0x1F580] =	vst v63  }
0x69: {  	_ =	swait.ge [sflag:s26], $0x2400  }
0x6a: {  	[sflag:s26] =	ssyncset.done $0x0  }
0x6b: {  	[sflag:s26] =	ssyncadd.s32 $0xFFFFDC00  }
0x6c: {  	_ =	swait.ge [sflag:s28], $0x80  }
0x6d: {  	[sflag:s28] =	ssyncset.done $0x0  }
0x6e: {  	[sflag:s28] =	ssyncadd.s32 $0xFFFFFF80  }
0x6f: {  	[spmem:s2] =	stream.indirect.scatter.add.f32 [tilespmem:s25], [sflag:$0x2], $0x80, s24, s22, $0xb8;
	[tilespmem:$0x1F580] =	vst v63  }
0x70: {  	s0 =	simm.s32 $0x480;
	_ =	swait.ge [sflag:s20], $0x2400  }
0x71: {  	s5 =	sadd.s32 $0x40, s16;
	s8 =	sadd.s32 $0x40, s14;
	[sflag:s20] =	ssyncset.done $0x0  }
0x72: {  	s9 =	sadd.s32 $0x40, s15;
	s10 =	simm.s32 $0x1F8;
	[sflag:s20] =	ssyncadd.s32 $0xFFFFDC00  }
0x73: {  	[tilespmem:s1], [sflag:$0x3] =	stream.linear.gather [hbm4b:s15+s3], $0x80, $0x38;
	[tilespmem:$0x1F580] =	vst v63  }
.LBB2_2:
0x74: {  	[tilespmem:s19], [sflag:$0x1] =	stream.indirect.gather [hbm4b:s4+s22], $0x80, s10, s22, $0xb8;
	[tilespmem:$0x1F580] =	vst v63  }
0x75: {  	s10 =	smov.u32 s0  }
0x76: {  	p0 =	sne.s32 s0, $0x9480;
	s0 =	sadd.s32 $0x480, s0;
	_ =	swait.ge [sflag:s26], $0x2400  }
0x77: {  	[sflag:s26] =	ssyncset.done $0x0  }
0x78: {  	[sflag:s26] =	ssyncadd.s32 $0xFFFFDC00  }
0x79: {  	_ =	swait.ge [sflag:s28], $0x80  }
0x7a: {  	[sflag:s28] =	ssyncset.done $0x0  }
0x7b: {  	[sflag:s28] =	ssyncadd.s32 $0xFFFFFF80  }
0x7c: {  	[spmem:s2] =	stream.indirect.scatter.add.f32 [tilespmem:s31], [sflag:$0x2], $0x80, s29, s22, $0xb8;
	[tilespmem:$0x1F580] =	vst v63  }
0x7d: {  	_ =	swait.ge [sflag:s20], $0x2400  }
0x7e: {  	[sflag:s20] =	ssyncset.done $0x0  }
0x7f: {  	s10 =	sshra.s32 s10, $0x2;
	[sflag:s20] =	ssyncadd.s32 $0xFFFFDC00  }
0x80: {  	[tilespmem:s21], [sflag:$0x3] =	stream.linear.gather [hbm4b:s8+s3], $0x80, $0x38;
	[tilespmem:$0x1F580] =	vst v63  }
0x81: {  	s11 =	sadd.s32 $0x120, s10  }
0x82: {  	[tilespmem:s23], [sflag:$0x1] =	stream.indirect.gather [hbm4b:s4+s22], $0x80, s11, s22, $0xb8;
	[tilespmem:$0x1F580] =	vst v63  }
0x83: {  	_ =	swait.ge [sflag:s26], $0x2400  }
0x84: {  	[sflag:s26] =	ssyncset.done $0x0  }
0x85: {  	[sflag:s26] =	ssyncadd.s32 $0xFFFFDC00  }
0x86: {  	_ =	swait.ge [sflag:s28], $0x80  }
0x87: {  	[sflag:s28] =	ssyncset.done $0x0  }
0x88: {  	[sflag:s28] =	ssyncadd.s32 $0xFFFFFF80  }
0x89: {  	[spmem:s2] =	stream.indirect.scatter.add.f32 [tilespmem:s19], [sflag:$0x2], $0x80, s1, s22, $0xb8;
	[tilespmem:$0x1F580] =	vst v63  }
0x8a: {  	_ =	swait.ge [sflag:s20], $0x2400  }
0x8b: {  	[sflag:s20] =	ssyncset.done $0x0  }
0x8c: {  	s11 =	sadd.s32 $0xFFFFFFE0, s9;
	[sflag:s20] =	ssyncadd.s32 $0xFFFFDC00  }
0x8d: {  	[tilespmem:s24], [sflag:$0x3] =	stream.linear.gather [hbm4b:s11+s3], $0x80, $0x38;
	[tilespmem:$0x1F580] =	vst v63  }
0x8e: {  	s11 =	sadd.s32 $0x168, s10  }
0x8f: {  	[tilespmem:s25], [sflag:$0x1] =	stream.indirect.gather [hbm4b:s4+s22], $0x80, s11, s22, $0xb8;
	[tilespmem:$0x1F580] =	vst v63  }
0x90: {  	_ =	swait.ge [sflag:s26], $0x2400  }
0x91: {  	[sflag:s26] =	ssyncset.done $0x0  }
0x92: {  	[sflag:s26] =	ssyncadd.s32 $0xFFFFDC00  }
0x93: {  	_ =	swait.ge [sflag:s28], $0x80  }
0x94: {  	[sflag:s28] =	ssyncset.done $0x0  }
0x95: {  	[sflag:s28] =	ssyncadd.s32 $0xFFFFFF80  }
0x96: {  	[spmem:s2] =	stream.indirect.scatter.add.f32 [tilespmem:s23], [sflag:$0x2], $0x80, s21, s22, $0xb8;
	[tilespmem:$0x1F580] =	vst v63  }
0x97: {  	_ =	swait.ge [sflag:s20], $0x2400  }
0x98: {  	[sflag:s20] =	ssyncset.done $0x0  }
0x99: {  	[sflag:s20] =	ssyncadd.s32 $0xFFFFDC00  }
0x9a: {  	[tilespmem:s29], [sflag:$0x3] =	stream.linear.gather [hbm4b:s5+s3], $0x80, $0x38;
	[tilespmem:$0x1F580] =	vst v63  }
0x9b: {  	s11 =	sadd.s32 $0x1B0, s10  }
0x9c: {  	[tilespmem:s31], [sflag:$0x1] =	stream.indirect.gather [hbm4b:s4+s22], $0x80, s11, s22, $0xb8;
	[tilespmem:$0x1F580] =	vst v63  }
0x9d: {  	_ =	swait.ge [sflag:s26], $0x2400  }
0x9e: {  	[sflag:s26] =	ssyncset.done $0x0  }
0x9f: {  	[sflag:s26] =	ssyncadd.s32 $0xFFFFDC00  }
0xa0: {  	_ =	swait.ge [sflag:s28], $0x80  }
0xa1: {  	[sflag:s28] =	ssyncset.done $0x0  }
0xa2: {  	[sflag:s28] =	ssyncadd.s32 $0xFFFFFF80  }
0xa3: {  	[spmem:s2] =	stream.indirect.scatter.add.f32 [tilespmem:s25], [sflag:$0x2], $0x80, s24, s22, $0xb8;
	[tilespmem:$0x1F580] =	vst v63  }
.Ltmp0:
0xa4: {  	_ =	swait.ge [sflag:s20], $0x2400;
	(pc) =	sbr.rel @p0 .LBB2_2-.Ltmp0, $4  }
0xa5: {  	[sflag:s20] =	ssyncset.done $0x0  }
0xa6: {  	s5 =	sadd.s32 $0x40, s5;
	[sflag:s20] =	ssyncadd.s32 $0xFFFFDC00  }
0xa7: {  	[tilespmem:s1], [sflag:$0x3] =	stream.linear.gather [hbm4b:s9+s3], $0x80, $0x38;
	[tilespmem:$0x1F580] =	vst v63  }
0xa8: {  	s8 =	sadd.s32 $0x40, s8;
	s10 =	sadd.s32 $0x1F8, s10;
	s9 =	sadd.s32 $0x40, s9  }
0xa9: {  	[tilespmem:s19], [sflag:$0x1] =	stream.indirect.gather [hbm4b:s4+s22], $0x80, s10, s22, $0xb8;
	[tilespmem:$0x1F580] =	vst v63  }
0xaa: {  	_ =	swait.ge [sflag:s26], $0x2400  }
0xab: {  	[sflag:s26] =	ssyncset.done $0x0  }
0xac: {  	[sflag:s26] =	ssyncadd.s32 $0xFFFFDC00  }
0xad: {  	_ =	swait.ge [sflag:s28], $0x80  }
0xae: {  	[sflag:s28] =	ssyncset.done $0x0  }
0xaf: {  	[sflag:s28] =	ssyncadd.s32 $0xFFFFFF80  }
0xb0: {  	[spmem:s2] =	stream.indirect.scatter.add.f32 [tilespmem:s31], [sflag:$0x2], $0x80, s29, s22, $0xb8;
	[tilespmem:$0x1F580] =	vst v63  }
0xb1: {  	_ =	swait.ge [sflag:s26], $0x2400  }
0xb2: {  	[sflag:s26] =	ssyncset.done $0x0  }
0xb3: {  	[sflag:s26] =	ssyncadd.s32 $0xFFFFDC00  }
0xb4: {  	_ =	swait.ge [sflag:s28], $0x80  }
0xb5: {  	[sflag:s28] =	ssyncset.done $0x0  }
0xb6: {  	[sflag:s28] =	ssyncadd.s32 $0xFFFFFF80  }
0xb7: {  	[spmem:s2] =	stream.indirect.scatter.add.f32 [tilespmem:s19], [sflag:$0x2], $0x80, s1, s22, $0xb8;
	[tilespmem:$0x1F580] =	vst v63  }
0xb8: {  	_ =	swait.ge [sflag:s20], $0x2400  }
0xb9: {  	[sflag:s20] =	ssyncset.done $0x0  }
0xba: {  	[sflag:s20] =	ssyncadd.s32 $0xFFFFDC00  }
0xbb: {  	_ =	swait.ge [sflag:s20], $0x2400  }
0xbc: {  	[sflag:s20] =	ssyncset.done $0x0  }
0xbd: {  	[sflag:s20] =	ssyncadd.s32 $0xFFFFDC00  }
0xbe: {  	_ =	swait.ge [sflag:s20], $0x2400  }
0xbf: {  	[sflag:s20] =	ssyncset.done $0x0  }
0xc0: {  	[sflag:s20] =	ssyncadd.s32 $0xFFFFDC00  }
0xc1: {  	_ =	swait.ge [sflag:s20], $0x2400  }
0xc2: {  	s30 =	sadd.s32 $0x1, s30;
	[sflag:s20] =	ssyncset.done $0x0  }
0xc3: {  	p0 =	sne.s32 s30, s13;
	[sflag:s20] =	ssyncadd.s32 $0xFFFFDC00  }
.Ltmp1:
0xc4: {  	[bflag:$0x0] =	sbarrier.arrive $0xFFFF;
	(pc) =	sbr.rel @p0 .LBB2_1-.Ltmp1, $4  }
0xc5: {  	[hbm:s12], [sflag:s6] =	dma.local [spmem:s17], $0x2780  }
0xc6: {  	_ =	swait.ge [sflag:s18], $0x2780  }
0xc7: {  	[sflag:s18] =	ssyncset.done $0x0  }
0xc8: {  	[sflag:s18] =	ssyncadd.s32 $0xFFFFD880  }
0xc9: {  	_ =	sfence.sel $0x180000  }
0xca: {  	[bflag:$0x0] =	sbarrier.arrive $0xFFFF  }
0xcb: {  	_ =	strace $0x90000047  }
0xcc: {  	s0 =	stileid.u32;
	[bflag:$0x2] =	sbarrier.arrive $0xFFFF  }
0xcd: {  	p0 =	sne.s32 s0, $0x0;
	s0 =	rddreg [dreg:$0x2]  }
0xce: {  	s0 =	sadd.s32 @!p0 $0x100000, s0  }
0xcf: {  	[sflag:s0] =	ssyncadd.tile.s32 @!p0 $0x1;
	_ =	shalt  }
.Lfunc_end2:
_tile_overlayer_lowered:
.L_overlay_start_2:
0xd0: {  	(tag) =	ssettag $0x2  }
0xd1: {  	s0 =	rddreg [dreg:$0x0];
	s2 =	stileid.u32  }
0xd2: {  	s1 =	rddreg [dreg:$0x1];
	p0 =	sne.s32 s2, $0x0  }
0xd3: {  	s3 =	rddreg [dreg:$0x2];
	[bflag:$0x3] =	sbarrier.arrive $0xFFFF;
	s2 =	simm.s32 @!p0 $0x1C04  }
0xd4: {  	[timem:s3], [sflag:s2] =	dma.local @!p0 [hbm:s0], s1  }
0xd5: {  	s0 =	simm.s32 @!p0 $0x4  }
0xd6: {  	_ =	swait.ge @!p0 [sflag:s0], s1  }
0xd7: {  	s1 =	ssub.s32 @!p0 $0x0, s1;
	[sflag:s0] =	ssyncset.done @!p0 $0x0  }
0xd8: {  	[sflag:s0] =	ssyncadd.s32 @!p0 s1  }
0xd9: {  	[bflag:$0x3] =	sbarrier.arrive $0xFFFF  }
0xda: {  	_ =	shalt  }

</sc_bundles>
